<compile_context>
chip_gen: v7x
topology: tpu7x:2x2x1
jax: 0.10.2.dev20260603
libtpu: 0.0.44.dev20260713+nightly
codegen_flags: <defaults>
</compile_context>

<pallas_src>
import functools

import jax
import jax.numpy as jnp
from jax import lax
from jax.experimental import pallas as pl
from jax.experimental.pallas import tpu as pltpu
from jax.experimental.pallas import tpu_sc as plsc

N_NODES = 10000
FDIM = 128
NGROUPS = 64

NCORES = 2
NSUB = 16
NTILES = NCORES * NSUB
CHUNK = 128
ACC_ROWS = 10240
ZCHUNKS_PER_TILE = (ACC_ROWS // NSUB) // CHUNK
OUT_MAIN = 624
OUT_TAIL = N_NODES - NSUB * OUT_MAIN


def _seg_sum_sc(x, src2d, dst2d, zeros_blk, chunks_per_tile):
    mesh = plsc.VectorSubcoreMesh(core_axis_name="c", subcore_axis_name="s")

    @functools.partial(
        pl.kernel,
        out_type=jax.ShapeDtypeStruct((NCORES, N_NODES, FDIM), jnp.float32),
        mesh=mesh,
        scratch_types=[
            pltpu.VMEM((chunks_per_tile // 2, CHUNK), jnp.int32),
            pltpu.VMEM((chunks_per_tile // 2, CHUNK), jnp.int32),
            pltpu.VMEM((CHUNK, FDIM), jnp.float32),
            pltpu.VMEM((CHUNK, FDIM), jnp.float32),
            pltpu.VMEM_SHARED((ACC_ROWS, FDIM), jnp.float32),
            pltpu.SemaphoreType.DMA,
            pltpu.SemaphoreType.DMA,
        ],
    )
    def k(x_hbm, src_hbm, dst_hbm, z_hbm, out_hbm, idx_s, idx_d,
          rows0, rows1, acc, sem_a, sem_b):
        c = lax.axis_index("c")
        s = lax.axis_index("s")
        w = c * NSUB + s

        @pl.loop(0, ZCHUNKS_PER_TILE)
        def _(kk):
            pltpu.sync_copy(
                z_hbm, acc.at[pl.ds(s * (ACC_ROWS // NSUB) + kk * CHUNK, CHUNK)])

        plsc.subcore_barrier()

        cph = chunks_per_tile // 2

        @pl.loop(0, 2)
        def _(half):
            base = w * chunks_per_tile + half * cph
            pltpu.sync_copy(src_hbm.at[pl.ds(base, cph)], idx_s)
            pltpu.sync_copy(dst_hbm.at[pl.ds(base, cph)], idx_d)
            pltpu.async_copy(x_hbm.at[idx_s.at[0]], rows0, sem_a)

            @pl.loop(0, cph // 2)
            def _(jj):
                j0 = 2 * jj
                pltpu.make_async_copy(x_hbm.at[idx_s.at[j0]], rows0, sem_a).wait()
                pltpu.async_copy(x_hbm.at[idx_s.at[j0 + 1]], rows1, sem_b)
                pltpu.sync_copy(rows0, acc.at[idx_d.at[j0]], add=True)
                pltpu.make_async_copy(x_hbm.at[idx_s.at[j0 + 1]], rows1,
                                      sem_b).wait()

                @pl.when(j0 + 2 < cph)
                def _():
                    pltpu.async_copy(x_hbm.at[idx_s.at[j0 + 2]], rows0, sem_a)

                pltpu.sync_copy(rows1, acc.at[idx_d.at[j0 + 1]], add=True)

        plsc.subcore_barrier()

        pltpu.sync_copy(acc.at[pl.ds(s * OUT_MAIN, OUT_MAIN)],
                        out_hbm.at[c, pl.ds(s * OUT_MAIN, OUT_MAIN)])

        @pl.when(s == NSUB - 1)
        def _():
            pltpu.sync_copy(acc.at[pl.ds(NSUB * OUT_MAIN, OUT_TAIL)],
                            out_hbm.at[c, pl.ds(NSUB * OUT_MAIN, OUT_TAIL)])

    return k(x, src2d, dst2d, zeros_blk)


_INV_N = float(__import__("numpy").float32(1.0) / __import__("numpy").float32(N_NODES))


def _xla_stats(hr, ncols):
    half = N_NODES // 2
    tiles = half // 8

    def win(base, f):
        def body(t, acc):
            tile = hr[pl.ds(base + t * 8, 8), :ncols]
            return acc + f(tile)
        acc = lax.fori_loop(0, tiles, body, jnp.zeros((8, ncols), jnp.float32))
        a = acc[:4] + acc[4:]
        a = a[:2] + a[2:]
        return a[0:1] + a[1:2]

    ident = lambda t: t
    m = (win(0, ident) + win(half, ident)) * _INV_N
    sq = lambda t: (t - m) * (t - m)
    v = (win(0, sq) + win(half, sq)) * _INV_N
    return m, v


def _mlp_body(x_ref, p0_ref, p1_ref, eps_ref, w1_ref, b1_ref, g1_ref, bb1_ref,
              w2_ref, b2_ref, g2_ref, bb2_ref, o_ref, h_ref):
    u = (1.0 + eps_ref[0, 0]) * x_ref[...] + p0_ref[...] + p1_ref[...]
    h_ref[...] = jnp.dot(u, w1_ref[...], preferred_element_type=jnp.float32) + b1_ref[...]
    m, v = _xla_stats(h_ref, 2 * FDIM)
    h = g1_ref[...] * (h_ref[...] - m) * lax.rsqrt(v + 1e-5) + bb1_ref[...]
    h = jnp.maximum(h, 0.0)
    h = jnp.dot(h, w2_ref[...], preferred_element_type=jnp.float32) + b2_ref[...]
    h_ref[:, :FDIM] = h
    m2, v2 = _xla_stats(h_ref, FDIM)
    h = g2_ref[...] * (h - m2) * lax.rsqrt(v2 + 1e-5) + bb2_ref[...]
    o_ref[...] = jnp.maximum(h, 0.0)


def _mlp_tc(x, p0, p1, lp):
    eps = lp["eps"].reshape(1, 1)
    args = (x, p0, p1, eps,
            lp["lin1"]["W"], lp["lin1"]["b"].reshape(1, -1),
            lp["g1"].reshape(1, -1), lp["b1"].reshape(1, -1),
            lp["lin2"]["W"], lp["lin2"]["b"].reshape(1, -1),
            lp["g_out"].reshape(1, -1), lp["b_out"].reshape(1, -1))
    return pl.pallas_call(
        _mlp_body,
        out_shape=jax.ShapeDtypeStruct((N_NODES, FDIM), jnp.float32),
        scratch_shapes=[pltpu.VMEM((N_NODES, 2 * FDIM), jnp.float32)],
    )(*args)


def _pool_cls_body(x_ref, brow_ref, bcol_ref, w1_ref, c1_ref, g_ref, bb_ref,
                   w2_ref, c2_ref, w3_ref, c3_ref, o_ref, mx_ref):
    xx = x_ref[...]
    gid = lax.broadcasted_iota(jnp.int32, (NGROUPS, N_NODES), 0)
    mt = (brow_ref[...] == gid).astype(jnp.float32)
    s = jnp.dot(mt, xx, preferred_element_type=jnp.float32,
                precision=lax.Precision.HIGHEST)
    cnt = jnp.sum(mt, axis=1, keepdims=True)
    mean = s / jnp.maximum(cnt, 1.0)
    bcol = bcol_ref[...]

    def mx_step(g, carry):
        mg = jnp.max(jnp.where(bcol == g, xx, -jnp.inf), axis=0)
        mx_ref[pl.ds(g, 1), :] = mg[None]
        return carry

    lax.fori_loop(0, NGROUPS, mx_step, 0)
    mx = jnp.where(cnt > 0.0, mx_ref[...], 0.0)
    z = jnp.concatenate([s, mean, mx], axis=1)
    z = jnp.dot(z, w1_ref[...], preferred_element_type=jnp.float32) + c1_ref[...]
    m = jnp.mean(z, axis=0, keepdims=True)
    v = jnp.mean((z - m) * (z - m), axis=0, keepdims=True)
    z = g_ref[...] * (z - m) * lax.rsqrt(v + 1e-5) + bb_ref[...]
    z = jnp.maximum(z, 0.0)
    z = jnp.dot(z, w2_ref[...], preferred_element_type=jnp.float32) + c2_ref[...]
    z = jnp.maximum(z, 0.0)
    o_ref[...] = (jnp.dot(z, w3_ref[...], preferred_element_type=jnp.float32)
                  + c3_ref[...])


def _pool_cls_tc(x, brow, bcol, cls):
    args = (x, brow, bcol,
            cls["l1"]["W"], cls["l1"]["b"].reshape(1, -1),
            cls["g"].reshape(1, -1), cls["b"].reshape(1, -1),
            cls["l2"]["W"], cls["l2"]["b"].reshape(1, -1),
            cls["l3"]["W"], cls["l3"]["b"].reshape(1, -1))
    nc = cls["l3"]["W"].shape[1]
    return pl.pallas_call(
        _pool_cls_body,
        out_shape=jax.ShapeDtypeStruct((NGROUPS, nc), jnp.float32),
        scratch_shapes=[pltpu.VMEM((NGROUPS, FDIM), jnp.float32)],
    )(*args)


def kernel(x, edge_index, batch, params):
    src = edge_index[0].astype(jnp.int32)
    dst = edge_index[1].astype(jnp.int32)
    e = src.shape[0]
    chunks = -(-e // CHUNK)
    cpt = -(-chunks // NTILES)
    cpt = -(-cpt // 8) * 8
    epad = cpt * NTILES * CHUNK
    pad_ids = jnp.arange(epad - e, dtype=jnp.int32)
    src_p = jnp.concatenate([src, pad_ids % N_NODES])
    dst_p = jnp.concatenate(
        [dst, N_NODES + pad_ids % (ACC_ROWS - N_NODES)])
    src2d = src_p.reshape(-1, CHUNK)
    dst2d = dst_p.reshape(-1, CHUNK)
    zeros_blk = jnp.zeros((CHUNK, FDIM), jnp.float32)

    xcur = x
    for lp in params["layers"]:
        parts = _seg_sum_sc(xcur, src2d, dst2d, zeros_blk, cpt)
        xcur = _mlp_tc(xcur, parts[0], parts[1], lp)

    brow = batch.astype(jnp.int32).reshape(1, N_NODES)
    bcol = batch.astype(jnp.int32).reshape(N_NODES, 1)
    return _pool_cls_tc(xcur, brow, bcol, params["cls"])

# --- scband reference (transcript-rebuilt; emitter-appended) ---
"""Pipeline reference for scband-baseline-gin-42502996361221 (READ-ONLY COPY).

The authoritative reference and input builder live on the scoring server;
editing this copy changes nothing except your own understanding.
"""

import jax, jax.numpy as jnp
import numpy as np

N = 10000
E = 320000
D = 128
H = 128
NG = 64
NC = 2
L = 4


def _bn(x, g, b):
    m = x.mean(axis=0)
    v = x.var(axis=0)
    return g * (x - m) / jnp.sqrt(v + 1e-5) + b


def _lin(k, i, o):
    k1, k2 = jax.random.split(k)
    return {"W": jax.random.normal(k1, (i, o), jnp.float32) * 0.05,
            "b": jnp.zeros((o,), jnp.float32)}


def setup_inputs(seed: int = 0) -> dict:
    key = jax.random.key(seed)
    ks = jax.random.split(key, 8)
    x = jax.random.normal(ks[0], (N, D), jnp.float32)
    edge_index = jax.random.randint(ks[1], (2, E), 0, N)
    batch = jnp.sort(jax.random.randint(ks[2], (N,), 0, NG))
    params = {"layers": [], "cls": None}
    dims = [D] + [H] * L
    kk = ks[3]
    for i in range(L):
        kk, k1, k2 = jax.random.split(kk, 3)
        hid = dims[i + 1] * 2
        params["layers"].append({
            "eps": jnp.zeros((), jnp.float32),
            "lin1": _lin(k1, dims[i], hid),
            "g1": jnp.ones((hid,), jnp.float32), "b1": jnp.zeros((hid,), jnp.float32),
            "lin2": _lin(k2, hid, dims[i + 1]),
            "g_out": jnp.ones((dims[i + 1],), jnp.float32),
            "b_out": jnp.zeros((dims[i + 1],), jnp.float32)})
    kk, k1, k2, k3 = jax.random.split(kk, 4)
    params["cls"] = {"l1": _lin(k1, 3 * H, H),
                     "g": jnp.ones((H,), jnp.float32), "b": jnp.zeros((H,), jnp.float32),
                     "l2": _lin(k2, H, H // 2),
                     "l3": _lin(k3, H // 2, NC)}
    return {"x": x, "edge_index": edge_index, "batch": batch, "params": params}


def _forward(x, params, edge_index, batch):
    src = edge_index[0]
    dst = edge_index[1]
    for p in params["layers"]:
        # GINConv: mlp((1+eps)*x_i + sum_{j in N(i)} x_j)
        agg = jax.ops.segment_sum(x[src], dst, num_segments=x.shape[0])
        h = (1.0 + p["eps"]) * x + agg
        h = h @ p["lin1"]["W"] + p["lin1"]["b"]
        h = _bn(h, p["g1"], p["b1"])
        h = jax.nn.relu(h)
        h = h @ p["lin2"]["W"] + p["lin2"]["b"]
        # outer BatchNorm + ReLU (dropout = identity in eval)
        h = _bn(h, p["g_out"], p["b_out"])
        x = jax.nn.relu(h)
    s = jax.ops.segment_sum(x, batch, num_segments=NG)
    cnt = jax.ops.segment_sum(jnp.ones((x.shape[0], 1), jnp.float32), batch, num_segments=NG)
    mean = s / jnp.maximum(cnt, 1.0)
    mx = jax.ops.segment_max(x, batch, num_segments=NG)
    mx = jnp.where(cnt > 0, mx, 0.0)
    z = jnp.concatenate([s, mean, mx], axis=-1)
    c = params["cls"]
    z = z @ c["l1"]["W"] + c["l1"]["b"]
    z = _bn(z, c["g"], c["b"])
    z = jax.nn.relu(z)
    z = z @ c["l2"]["W"] + c["l2"]["b"]
    z = jax.nn.relu(z)
    z = z @ c["l3"]["W"] + c["l3"]["b"]
    return z


def reference(x, edge_index, batch, params):
    return _forward(x, params, edge_index, batch)

if __name__ == "__main__":
    import jax
    _d = setup_inputs()
    print(jax.jit(kernel)(*tuple(_d.values())))

</pallas_src>

<mosaic_0001>
#map = affine_map<(d0, d1) -> (0, 0)>
#map1 = affine_map<(d0, d1) -> (0, 0, 0)>
module attributes {stable_mosaic.version = 14 : i64} {
  func.func @k(%arg0: i32, %arg1: i32, %arg2: memref<10000x128xf32, #tpu.memory_space<hbm>>, %arg3: memref<2560x128xi32, #tpu.memory_space<hbm>>, %arg4: memref<2560x128xi32, #tpu.memory_space<hbm>>, %arg5: memref<128x128xf32, #tpu.memory_space<hbm>>, %arg6: memref<2x10000x128xf32, #tpu.memory_space<hbm>>, %arg7: memref<40x128xi32, #tpu.memory_space<vmem>>, %arg8: memref<40x128xi32, #tpu.memory_space<vmem>>, %arg9: memref<128x128xf32, #tpu.memory_space<vmem>>, %arg10: memref<128x128xf32, #tpu.memory_space<vmem>>, %arg11: memref<10240x128xf32, #tpu.memory_space<vmem_shared>>, %arg12: memref<!tpu.dma_semaphore, #tpu.memory_space<semaphore_mem>>, %arg13: memref<!tpu.dma_semaphore, #tpu.memory_space<semaphore_mem>>) attributes {dimension_semantics = [#tpu.dimension_semantics<core_parallel>, #tpu.dimension_semantics<subcore_parallel>], iteration_bounds = array<i64: 2, 16>, scalar_prefetch = 0 : i64, scratch_operands = 7 : i64, tpu.core_type = #tpu.core_type<sc_vector_subcore>, window_params = [{transform_indices = #map}, {transform_indices = #map}, {transform_indices = #map}, {transform_indices = #map}, {transform_indices = #map1}]} {
    %mul3A = arith.constant 16 : i32
    %mul3A_0 = arith.muli %arg0, %mul3A : i32
    %add3A = arith.addi %mul3A_0, %arg1 : i32
    %scan3A = arith.constant 0 : i32
    %scan3A_1 = arith.constant 5 : i32
    %scan3A_2 = arith.addi %scan3A, %scan3A_1 : i32
    %scan3A_3 = arith.constant 1 : i32
    scf.for %scan3A_17 = %scan3A to %scan3A_2 step %scan3A_3  : i32 {
      %mul3A_18 = arith.constant 1 : i32
      %mul3A_19 = arith.muli %scan3A_17, %mul3A_18 : i32
      %add3A_20 = arith.constant 0 : i32
      %add3A_21 = arith.addi %add3A_20, %mul3A_19 : i32
      %mul3A_22 = arith.constant 640 : i32
      %mul3A_23 = arith.muli %arg1, %mul3A_22 : i32
      %mul3A_24 = arith.constant 128 : i32
      %mul3A_25 = arith.muli %add3A_21, %mul3A_24 : i32
      %add3A_26 = arith.addi %mul3A_23, %mul3A_25 : i32
      "tpu.region"() ({
        %run_scoped3A = tpu.sem_alloc : memref<!tpu.dma_semaphore, #tpu.memory_space<semaphore_mem>>
        %dma_start3A = arith.constant 0 : i32
        %dma_start3A_27 = tpu.memref_slice %arg11[%add3A_26, %dma_start3A] : memref<10240x128xf32, #tpu.memory_space<vmem_shared>> -> memref<128x128xf32, #tpu.memory_space<vmem_shared>>
        tpu.enqueue_dma source(%arg5 : memref<128x128xf32, #tpu.memory_space<hbm>>) target(%dma_start3A_27 : memref<128x128xf32, #tpu.memory_space<vmem_shared>>) target_semaphore(%run_scoped3A : memref<!tpu.dma_semaphore, #tpu.memory_space<semaphore_mem>>)
        %dma_wait3A = arith.constant 0 : i32
        %dma_wait3A_28 = tpu.memref_slice %arg11[%add3A_26, %dma_wait3A] : memref<10240x128xf32, #tpu.memory_space<vmem_shared>> -> memref<128x128xf32, #tpu.memory_space<vmem_shared>>
        tpu.wait_dma2 semaphore(%run_scoped3A : memref<!tpu.dma_semaphore, #tpu.memory_space<semaphore_mem>>) src(%arg5 : memref<128x128xf32, #tpu.memory_space<hbm>>) dst(%dma_wait3A_28 : memref<128x128xf32, #tpu.memory_space<vmem_shared>>)
        tpu.yield
      }) : () -> ()
    }
    %scan3A_4 = arith.constant 5 : i32
    %barrier3A = arith.constant 0 : index
    tpu.barrier barrier_id(%barrier3A)
    %scan3A_5 = arith.constant 0 : i32
    %scan3A_6 = arith.constant 2 : i32
    %scan3A_7 = arith.addi %scan3A_5, %scan3A_6 : i32
    %scan3A_8 = arith.constant 1 : i32
    scf.for %scan3A_17 = %scan3A_5 to %scan3A_7 step %scan3A_8  : i32 {
      %mul3A_18 = arith.constant 1 : i32
      %mul3A_19 = arith.muli %scan3A_17, %mul3A_18 : i32
      %add3A_20 = arith.constant 0 : i32
      %add3A_21 = arith.addi %add3A_20, %mul3A_19 : i32
      %mul3A_22 = arith.constant 80 : i32
      %mul3A_23 = arith.muli %add3A, %mul3A_22 : i32
      %mul3A_24 = arith.constant 40 : i32
      %mul3A_25 = arith.muli %add3A_21, %mul3A_24 : i32
      %add3A_26 = arith.addi %mul3A_23, %mul3A_25 : i32
      "tpu.region"() ({
        %run_scoped3A = tpu.sem_alloc : memref<!tpu.dma_semaphore, #tpu.memory_space<semaphore_mem>>
        %dma_start3A_38 = arith.constant 0 : i32
        %dma_start3A_39 = tpu.memref_slice %arg3[%add3A_26, %dma_start3A_38] : memref<2560x128xi32, #tpu.memory_space<hbm>> -> memref<40x128xi32, #tpu.memory_space<hbm>>
        %dma_start3A_40 = arith.constant 0 : i32
        %dma_start3A_41 = tpu.memref_slice %arg3[%add3A_26, %dma_start3A_40] : memref<2560x128xi32, #tpu.memory_space<hbm>> -> memref<40x128xi32, #tpu.memory_space<hbm>>
        tpu.enqueue_dma source(%dma_start3A_41 : memref<40x128xi32, #tpu.memory_space<hbm>>) target(%arg7 : memref<40x128xi32, #tpu.memory_space<vmem>>) target_semaphore(%run_scoped3A : memref<!tpu.dma_semaphore, #tpu.memory_space<semaphore_mem>>)
        %dma_wait3A = arith.constant 0 : i32
        %dma_wait3A_42 = tpu.memref_slice %arg3[%add3A_26, %dma_wait3A] : memref<2560x128xi32, #tpu.memory_space<hbm>> -> memref<40x128xi32, #tpu.memory_space<hbm>>
        %dma_wait3A_43 = arith.constant 0 : i32
        %dma_wait3A_44 = tpu.memref_slice %arg3[%add3A_26, %dma_wait3A_43] : memref<2560x128xi32, #tpu.memory_space<hbm>> -> memref<40x128xi32, #tpu.memory_space<hbm>>
        tpu.wait_dma2 semaphore(%run_scoped3A : memref<!tpu.dma_semaphore, #tpu.memory_space<semaphore_mem>>) src(%dma_wait3A_44 : memref<40x128xi32, #tpu.memory_space<hbm>>) dst(%arg7 : memref<40x128xi32, #tpu.memory_space<vmem>>)
        tpu.yield
      }) : () -> ()
      "tpu.region"() ({
        %run_scoped3A = tpu.sem_alloc : memref<!tpu.dma_semaphore, #tpu.memory_space<semaphore_mem>>
        %dma_start3A_38 = arith.constant 0 : i32
        %dma_start3A_39 = tpu.memref_slice %arg4[%add3A_26, %dma_start3A_38] : memref<2560x128xi32, #tpu.memory_space<hbm>> -> memref<40x128xi32, #tpu.memory_space<hbm>>
        %dma_start3A_40 = arith.constant 0 : i32
        %dma_start3A_41 = tpu.memref_slice %arg4[%add3A_26, %dma_start3A_40] : memref<2560x128xi32, #tpu.memory_space<hbm>> -> memref<40x128xi32, #tpu.memory_space<hbm>>
        tpu.enqueue_dma source(%dma_start3A_41 : memref<40x128xi32, #tpu.memory_space<hbm>>) target(%arg8 : memref<40x128xi32, #tpu.memory_space<vmem>>) target_semaphore(%run_scoped3A : memref<!tpu.dma_semaphore, #tpu.memory_space<semaphore_mem>>)
        %dma_wait3A = arith.constant 0 : i32
        %dma_wait3A_42 = tpu.memref_slice %arg4[%add3A_26, %dma_wait3A] : memref<2560x128xi32, #tpu.memory_space<hbm>> -> memref<40x128xi32, #tpu.memory_space<hbm>>
        %dma_wait3A_43 = arith.constant 0 : i32
        %dma_wait3A_44 = tpu.memref_slice %arg4[%add3A_26, %dma_wait3A_43] : memref<2560x128xi32, #tpu.memory_space<hbm>> -> memref<40x128xi32, #tpu.memory_space<hbm>>
        tpu.wait_dma2 semaphore(%run_scoped3A : memref<!tpu.dma_semaphore, #tpu.memory_space<semaphore_mem>>) src(%dma_wait3A_44 : memref<40x128xi32, #tpu.memory_space<hbm>>) dst(%arg8 : memref<40x128xi32, #tpu.memory_space<vmem>>)
        tpu.yield
      }) : () -> ()
      %dma_start3A = arith.constant 0 : i32
      %dma_start3A_27 = arith.constant 0 : i32
      %dma_start3A_28 = tpu.memref_slice %arg7[%dma_start3A, %dma_start3A_27] : memref<40x128xi32, #tpu.memory_space<vmem>> -> memref<1x128xi32, #tpu.memory_space<vmem>>
      %dma_start3A_29 = tpu.memref_squeeze %dma_start3A_28 : memref<1x128xi32, #tpu.memory_space<vmem>> -> memref<128xi32, #tpu.memory_space<vmem>>
      %dma_start3A_30 = arith.constant 0 : i32
      %dma_start3A_31 = arith.constant 0 : i32
      %dma_start3A_32 = tpu.memref_slice %arg2[%dma_start3A_30, %dma_start3A_31] : memref<10000x128xf32, #tpu.memory_space<hbm>> -> memref<10000x128xf32, #tpu.memory_space<hbm>>
      tpu.enqueue_indirect_dma source(%dma_start3A_32 : memref<10000x128xf32, #tpu.memory_space<hbm>>) target(%arg9 : memref<128x128xf32, #tpu.memory_space<vmem>>) offsets(%dma_start3A_29 : memref<128xi32, #tpu.memory_space<vmem>>) semaphore(%arg12 : memref<!tpu.dma_semaphore, #tpu.memory_space<semaphore_mem>>)
      %scan3A_33 = arith.constant 0 : i32
      %scan3A_34 = arith.constant 20 : i32
      %scan3A_35 = arith.addi %scan3A_33, %scan3A_34 : i32
      %scan3A_36 = arith.constant 1 : i32
      scf.for %scan3A_38 = %scan3A_33 to %scan3A_35 step %scan3A_36  : i32 {
        %mul3A_39 = arith.constant 1 : i32
        %mul3A_40 = arith.muli %scan3A_38, %mul3A_39 : i32
        %add3A_41 = arith.constant 0 : i32
        %add3A_42 = arith.addi %add3A_41, %mul3A_40 : i32
        %mul3A_43 = arith.constant 2 : i32
        %mul3A_44 = arith.muli %mul3A_43, %add3A_42 : i32
        %dma_wait3A = arith.constant 0 : i32
        %dma_wait3A_45 = tpu.memref_slice %arg7[%mul3A_44, %dma_wait3A] : memref<40x128xi32, #tpu.memory_space<vmem>> -> memref<1x128xi32, #tpu.memory_space<vmem>>
        %dma_wait3A_46 = tpu.memref_squeeze %dma_wait3A_45 : memref<1x128xi32, #tpu.memory_space<vmem>> -> memref<128xi32, #tpu.memory_space<vmem>>
        %dma_wait3A_47 = arith.constant 0 : i32
        %dma_wait3A_48 = arith.constant 0 : i32
        %dma_wait3A_49 = tpu.memref_slice %arg2[%dma_wait3A_47, %dma_wait3A_48] : memref<10000x128xf32, #tpu.memory_space<hbm>> -> memref<10000x128xf32, #tpu.memory_space<hbm>>
        tpu.wait_indirect_dma semaphore(%arg12 : memref<!tpu.dma_semaphore, #tpu.memory_space<semaphore_mem>>) src(%dma_wait3A_49 : memref<10000x128xf32, #tpu.memory_space<hbm>>) dst(%arg9 : memref<128x128xf32, #tpu.memory_space<vmem>>)
        %add3A_50 = arith.constant 1 : i32
        %add3A_51 = arith.addi %mul3A_44, %add3A_50 : i32
        %dma_start3A_52 = arith.constant 0 : i32
        %dma_start3A_53 = tpu.memref_slice %arg7[%add3A_51, %dma_start3A_52] : memref<40x128xi32, #tpu.memory_space<vmem>> -> memref<1x128xi32, #tpu.memory_space<vmem>>
        %dma_start3A_54 = tpu.memref_squeeze %dma_start3A_53 : memref<1x128xi32, #tpu.memory_space<vmem>> -> memref<128xi32, #tpu.memory_space<vmem>>
        %dma_start3A_55 = arith.constant 0 : i32
        %dma_start3A_56 = arith.constant 0 : i32
        %dma_start3A_57 = tpu.memref_slice %arg2[%dma_start3A_55, %dma_start3A_56] : memref<10000x128xf32, #tpu.memory_space<hbm>> -> memref<10000x128xf32, #tpu.memory_space<hbm>>
        tpu.enqueue_indirect_dma source(%dma_start3A_57 : memref<10000x128xf32, #tpu.memory_space<hbm>>) target(%arg10 : memref<128x128xf32, #tpu.memory_space<vmem>>) offsets(%dma_start3A_54 : memref<128xi32, #tpu.memory_space<vmem>>) semaphore(%arg13 : memref<!tpu.dma_semaphore, #tpu.memory_space<semaphore_mem>>)
        "tpu.region"() ({
          %run_scoped3A = tpu.sem_alloc : memref<!tpu.dma_semaphore, #tpu.memory_space<semaphore_mem>>
          %dma_start3A_74 = arith.constant 0 : i32
          %dma_start3A_75 = tpu.memref_slice %arg8[%mul3A_44, %dma_start3A_74] : memref<40x128xi32, #tpu.memory_space<vmem>> -> memref<1x128xi32, #tpu.memory_space<vmem>>
          %dma_start3A_76 = tpu.memref_squeeze %dma_start3A_75 : memref<1x128xi32, #tpu.memory_space<vmem>> -> memref<128xi32, #tpu.memory_space<vmem>>
          %dma_start3A_77 = arith.constant 0 : i32
          %dma_start3A_78 = arith.constant 0 : i32
          %dma_start3A_79 = tpu.memref_slice %arg11[%dma_start3A_77, %dma_start3A_78] : memref<10240x128xf32, #tpu.memory_space<vmem_shared>> -> memref<10240x128xf32, #tpu.memory_space<vmem_shared>>
          tpu.enqueue_indirect_dma source(%arg9 : memref<128x128xf32, #tpu.memory_space<vmem>>) target(%dma_start3A_79 : memref<10240x128xf32, #tpu.memory_space<vmem_shared>>) offsets(%dma_start3A_76 : memref<128xi32, #tpu.memory_space<vmem>>) semaphore(%run_scoped3A : memref<!tpu.dma_semaphore, #tpu.memory_space<semaphore_mem>>) {add = true}
          %dma_wait3A_80 = arith.constant 0 : i32
          %dma_wait3A_81 = tpu.memref_slice %arg8[%mul3A_44, %dma_wait3A_80] : memref<40x128xi32, #tpu.memory_space<vmem>> -> memref<1x128xi32, #tpu.memory_space<vmem>>
          %dma_wait3A_82 = tpu.memref_squeeze %dma_wait3A_81 : memref<1x128xi32, #tpu.memory_space<vmem>> -> memref<128xi32, #tpu.memory_space<vmem>>
          %dma_wait3A_83 = arith.constant 0 : i32
          %dma_wait3A_84 = arith.constant 0 : i32
          %dma_wait3A_85 = tpu.memref_slice %arg11[%dma_wait3A_83, %dma_wait3A_84] : memref<10240x128xf32, #tpu.memory_space<vmem_shared>> -> memref<10240x128xf32, #tpu.memory_space<vmem_shared>>
          tpu.wait_indirect_dma semaphore(%run_scoped3A : memref<!tpu.dma_semaphore, #tpu.memory_space<semaphore_mem>>) src(%arg9 : memref<128x128xf32, #tpu.memory_space<vmem>>) dst(%dma_wait3A_85 : memref<10240x128xf32, #tpu.memory_space<vmem_shared>>)
          tpu.yield
        }) : () -> ()
        %add3A_58 = arith.constant 1 : i32
        %add3A_59 = arith.addi %mul3A_44, %add3A_58 : i32
        %dma_wait3A_60 = arith.constant 0 : i32
        %dma_wait3A_61 = tpu.memref_slice %arg7[%add3A_59, %dma_wait3A_60] : memref<40x128xi32, #tpu.memory_space<vmem>> -> memref<1x128xi32, #tpu.memory_space<vmem>>
        %dma_wait3A_62 = tpu.memref_squeeze %dma_wait3A_61 : memref<1x128xi32, #tpu.memory_space<vmem>> -> memref<128xi32, #tpu.memory_space<vmem>>
        %dma_wait3A_63 = arith.constant 0 : i32
        %dma_wait3A_64 = arith.constant 0 : i32
        %dma_wait3A_65 = tpu.memref_slice %arg2[%dma_wait3A_63, %dma_wait3A_64] : memref<10000x128xf32, #tpu.memory_space<hbm>> -> memref<10000x128xf32, #tpu.memory_space<hbm>>
        tpu.wait_indirect_dma semaphore(%arg13 : memref<!tpu.dma_semaphore, #tpu.memory_space<semaphore_mem>>) src(%dma_wait3A_65 : memref<10000x128xf32, #tpu.memory_space<hbm>>) dst(%arg10 : memref<128x128xf32, #tpu.memory_space<vmem>>)
        %add3A_66 = arith.constant 2 : i32
        %add3A_67 = arith.addi %mul3A_44, %add3A_66 : i32
        %lt3A = arith.constant 40 : i32
        %lt3A_68 = arith.cmpi slt, %add3A_67, %lt3A : i32
        %convert_element_type3A_69 = arith.extui %lt3A_68 : i1 to i32
        %cond3A_70 = arith.constant 0 : i32
        %cond3A_71 = arith.cmpi ne, %convert_element_type3A_69, %cond3A_70 : i32
        scf.if %cond3A_71 {
          %add3A_74 = arith.constant 2 : i32
          %add3A_75 = arith.addi %mul3A_44, %add3A_74 : i32
          %dma_start3A_76 = arith.constant 0 : i32
          %dma_start3A_77 = tpu.memref_slice %arg7[%add3A_75, %dma_start3A_76] : memref<40x128xi32, #tpu.memory_space<vmem>> -> memref<1x128xi32, #tpu.memory_space<vmem>>
          %dma_start3A_78 = tpu.memref_squeeze %dma_start3A_77 : memref<1x128xi32, #tpu.memory_space<vmem>> -> memref<128xi32, #tpu.memory_space<vmem>>
          %dma_start3A_79 = arith.constant 0 : i32
          %dma_start3A_80 = arith.constant 0 : i32
          %dma_start3A_81 = tpu.memref_slice %arg2[%dma_start3A_79, %dma_start3A_80] : memref<10000x128xf32, #tpu.memory_space<hbm>> -> memref<10000x128xf32, #tpu.memory_space<hbm>>
          tpu.enqueue_indirect_dma source(%dma_start3A_81 : memref<10000x128xf32, #tpu.memory_space<hbm>>) target(%arg9 : memref<128x128xf32, #tpu.memory_space<vmem>>) offsets(%dma_start3A_78 : memref<128xi32, #tpu.memory_space<vmem>>) semaphore(%arg12 : memref<!tpu.dma_semaphore, #tpu.memory_space<semaphore_mem>>)
        } else {
        }
        %add3A_72 = arith.constant 1 : i32
        %add3A_73 = arith.addi %mul3A_44, %add3A_72 : i32
        "tpu.region"() ({
          %run_scoped3A = tpu.sem_alloc : memref<!tpu.dma_semaphore, #tpu.memory_space<semaphore_mem>>
          %dma_start3A_74 = arith.constant 0 : i32
          %dma_start3A_75 = tpu.memref_slice %arg8[%add3A_73, %dma_start3A_74] : memref<40x128xi32, #tpu.memory_space<vmem>> -> memref<1x128xi32, #tpu.memory_space<vmem>>
          %dma_start3A_76 = tpu.memref_squeeze %dma_start3A_75 : memref<1x128xi32, #tpu.memory_space<vmem>> -> memref<128xi32, #tpu.memory_space<vmem>>
          %dma_start3A_77 = arith.constant 0 : i32
          %dma_start3A_78 = arith.constant 0 : i32
          %dma_start3A_79 = tpu.memref_slice %arg11[%dma_start3A_77, %dma_start3A_78] : memref<10240x128xf32, #tpu.memory_space<vmem_shared>> -> memref<10240x128xf32, #tpu.memory_space<vmem_shared>>
          tpu.enqueue_indirect_dma source(%arg10 : memref<128x128xf32, #tpu.memory_space<vmem>>) target(%dma_start3A_79 : memref<10240x128xf32, #tpu.memory_space<vmem_shared>>) offsets(%dma_start3A_76 : memref<128xi32, #tpu.memory_space<vmem>>) semaphore(%run_scoped3A : memref<!tpu.dma_semaphore, #tpu.memory_space<semaphore_mem>>) {add = true}
          %dma_wait3A_80 = arith.constant 0 : i32
          %dma_wait3A_81 = tpu.memref_slice %arg8[%add3A_73, %dma_wait3A_80] : memref<40x128xi32, #tpu.memory_space<vmem>> -> memref<1x128xi32, #tpu.memory_space<vmem>>
          %dma_wait3A_82 = tpu.memref_squeeze %dma_wait3A_81 : memref<1x128xi32, #tpu.memory_space<vmem>> -> memref<128xi32, #tpu.memory_space<vmem>>
          %dma_wait3A_83 = arith.constant 0 : i32
          %dma_wait3A_84 = arith.constant 0 : i32
          %dma_wait3A_85 = tpu.memref_slice %arg11[%dma_wait3A_83, %dma_wait3A_84] : memref<10240x128xf32, #tpu.memory_space<vmem_shared>> -> memref<10240x128xf32, #tpu.memory_space<vmem_shared>>
          tpu.wait_indirect_dma semaphore(%run_scoped3A : memref<!tpu.dma_semaphore, #tpu.memory_space<semaphore_mem>>) src(%arg10 : memref<128x128xf32, #tpu.memory_space<vmem>>) dst(%dma_wait3A_85 : memref<10240x128xf32, #tpu.memory_space<vmem_shared>>)
          tpu.yield
        }) : () -> ()
      }
      %scan3A_37 = arith.constant 20 : i32
    }
    %scan3A_9 = arith.constant 2 : i32
    %barrier3A_10 = arith.constant 0 : index
    tpu.barrier barrier_id(%barrier3A_10)
    %mul3A_11 = arith.constant 624 : i32
    %mul3A_12 = arith.muli %arg1, %mul3A_11 : i32
    %mul3A_13 = arith.constant 624 : i32
    %mul3A_14 = arith.muli %arg1, %mul3A_13 : i32
    "tpu.region"() ({
      %run_scoped3A = tpu.sem_alloc : memref<!tpu.dma_semaphore, #tpu.memory_space<semaphore_mem>>
      %dma_start3A = arith.constant 0 : i32
      %dma_start3A_17 = tpu.memref_slice %arg6[%arg0, %mul3A_14, %dma_start3A] : memref<2x10000x128xf32, #tpu.memory_space<hbm>> -> memref<1x624x128xf32, #tpu.memory_space<hbm>>
      %dma_start3A_18 = tpu.memref_squeeze %dma_start3A_17 : memref<1x624x128xf32, #tpu.memory_space<hbm>> -> memref<624x128xf32, #tpu.memory_space<hbm>>
      %dma_start3A_19 = arith.constant 0 : i32
      %dma_start3A_20 = tpu.memref_slice %arg11[%mul3A_12, %dma_start3A_19] : memref<10240x128xf32, #tpu.memory_space<vmem_shared>> -> memref<624x128xf32, #tpu.memory_space<vmem_shared>>
      tpu.enqueue_dma source(%dma_start3A_20 : memref<624x128xf32, #tpu.memory_space<vmem_shared>>) target(%dma_start3A_18 : memref<624x128xf32, #tpu.memory_space<hbm>>) target_semaphore(%run_scoped3A : memref<!tpu.dma_semaphore, #tpu.memory_space<semaphore_mem>>)
      %dma_wait3A = arith.constant 0 : i32
      %dma_wait3A_21 = tpu.memref_slice %arg6[%arg0, %mul3A_14, %dma_wait3A] : memref<2x10000x128xf32, #tpu.memory_space<hbm>> -> memref<1x624x128xf32, #tpu.memory_space<hbm>>
      %dma_wait3A_22 = tpu.memref_squeeze %dma_wait3A_21 : memref<1x624x128xf32, #tpu.memory_space<hbm>> -> memref<624x128xf32, #tpu.memory_space<hbm>>
      %dma_wait3A_23 = arith.constant 0 : i32
      %dma_wait3A_24 = tpu.memref_slice %arg11[%mul3A_12, %dma_wait3A_23] : memref<10240x128xf32, #tpu.memory_space<vmem_shared>> -> memref<624x128xf32, #tpu.memory_space<vmem_shared>>
      tpu.wait_dma2 semaphore(%run_scoped3A : memref<!tpu.dma_semaphore, #tpu.memory_space<semaphore_mem>>) src(%dma_wait3A_24 : memref<624x128xf32, #tpu.memory_space<vmem_shared>>) dst(%dma_wait3A_22 : memref<624x128xf32, #tpu.memory_space<hbm>>)
      tpu.yield
    }) : () -> ()
    %eq3A = arith.constant 15 : i32
    %eq3A_15 = arith.cmpi eq, %arg1, %eq3A : i32
    %convert_element_type3A = arith.extui %eq3A_15 : i1 to i32
    %cond3A = arith.constant 0 : i32
    %cond3A_16 = arith.cmpi ne, %convert_element_type3A, %cond3A : i32
    scf.if %cond3A_16 {
      "tpu.region"() ({
        %run_scoped3A = tpu.sem_alloc : memref<!tpu.dma_semaphore, #tpu.memory_space<semaphore_mem>>
        %dma_start3A = arith.constant 9984 : i32
        %dma_start3A_17 = arith.constant 0 : i32
        %dma_start3A_18 = tpu.memref_slice %arg6[%arg0, %dma_start3A, %dma_start3A_17] : memref<2x10000x128xf32, #tpu.memory_space<hbm>> -> memref<1x16x128xf32, #tpu.memory_space<hbm>>
        %dma_start3A_19 = tpu.memref_squeeze %dma_start3A_18 : memref<1x16x128xf32, #tpu.memory_space<hbm>> -> memref<16x128xf32, #tpu.memory_space<hbm>>
        %dma_start3A_20 = arith.constant 9984 : i32
        %dma_start3A_21 = arith.constant 0 : i32
        %dma_start3A_22 = tpu.memref_slice %arg11[%dma_start3A_20, %dma_start3A_21] : memref<10240x128xf32, #tpu.memory_space<vmem_shared>> -> memref<16x128xf32, #tpu.memory_space<vmem_shared>>
        tpu.enqueue_dma source(%dma_start3A_22 : memref<16x128xf32, #tpu.memory_space<vmem_shared>>) target(%dma_start3A_19 : memref<16x128xf32, #tpu.memory_space<hbm>>) target_semaphore(%run_scoped3A : memref<!tpu.dma_semaphore, #tpu.memory_space<semaphore_mem>>)
        %dma_wait3A = arith.constant 9984 : i32
        %dma_wait3A_23 = arith.constant 0 : i32
        %dma_wait3A_24 = tpu.memref_slice %arg6[%arg0, %dma_wait3A, %dma_wait3A_23] : memref<2x10000x128xf32, #tpu.memory_space<hbm>> -> memref<1x16x128xf32, #tpu.memory_space<hbm>>
        %dma_wait3A_25 = tpu.memref_squeeze %dma_wait3A_24 : memref<1x16x128xf32, #tpu.memory_space<hbm>> -> memref<16x128xf32, #tpu.memory_space<hbm>>
        %dma_wait3A_26 = arith.constant 9984 : i32
        %dma_wait3A_27 = arith.constant 0 : i32
        %dma_wait3A_28 = tpu.memref_slice %arg11[%dma_wait3A_26, %dma_wait3A_27] : memref<10240x128xf32, #tpu.memory_space<vmem_shared>> -> memref<16x128xf32, #tpu.memory_space<vmem_shared>>
        tpu.wait_dma2 semaphore(%run_scoped3A : memref<!tpu.dma_semaphore, #tpu.memory_space<semaphore_mem>>) src(%dma_wait3A_28 : memref<16x128xf32, #tpu.memory_space<vmem_shared>>) dst(%dma_wait3A_25 : memref<16x128xf32, #tpu.memory_space<hbm>>)
        tpu.yield
      }) : () -> ()
    } else {
    }
    return
  }
}

#map = affine_map<(d0, d1) -> (0, 0)>
#map1 = affine_map<(d0, d1) -> (0, 0, 0)>
module attributes {stable_mosaic.version = 14 : i64} {
  func.func @k(%arg0: i32, %arg1: i32, %arg2: memref<10000x128xf32, #tpu.memory_space<hbm>>, %arg3: memref<2560x128xi32, #tpu.memory_space<hbm>>, %arg4: memref<2560x128xi32, #tpu.memory_space<hbm>>, %arg5: memref<128x128xf32, #tpu.memory_space<hbm>>, %arg6: memref<2x10000x128xf32, #tpu.memory_space<hbm>>, %arg7: memref<40x128xi32, #tpu.memory_space<vmem>>, %arg8: memref<40x128xi32, #tpu.memory_space<vmem>>, %arg9: memref<128x128xf32, #tpu.memory_space<vmem>>, %arg10: memref<128x128xf32, #tpu.memory_space<vmem>>, %arg11: memref<10240x128xf32, #tpu.memory_space<vmem_shared>>, %arg12: memref<!tpu.dma_semaphore, #tpu.memory_space<semaphore_mem>>, %arg13: memref<!tpu.dma_semaphore, #tpu.memory_space<semaphore_mem>>) attributes {dimension_semantics = [#tpu.dimension_semantics<core_parallel>, #tpu.dimension_semantics<subcore_parallel>], iteration_bounds = array<i64: 2, 16>, scalar_prefetch = 0 : i64, scratch_operands = 7 : i64, tpu.core_type = #tpu.core_type<sc_vector_subcore>, window_params = [{transform_indices = #map}, {transform_indices = #map}, {transform_indices = #map}, {transform_indices = #map}, {transform_indices = #map1}]} {
    %mul3A = arith.constant 16 : i32
    %mul3A_0 = arith.muli %arg0, %mul3A : i32
    %add3A = arith.addi %mul3A_0, %arg1 : i32
    %scan3A = arith.constant 0 : i32
    %scan3A_1 = arith.constant 5 : i32
    %scan3A_2 = arith.addi %scan3A, %scan3A_1 : i32
    %scan3A_3 = arith.constant 1 : i32
    scf.for %scan3A_17 = %scan3A to %scan3A_2 step %scan3A_3  : i32 {
      %mul3A_18 = arith.constant 1 : i32
      %mul3A_19 = arith.muli %scan3A_17, %mul3A_18 : i32
      %add3A_20 = arith.constant 0 : i32
      %add3A_21 = arith.addi %add3A_20, %mul3A_19 : i32
      %mul3A_22 = arith.constant 640 : i32
      %mul3A_23 = arith.muli %arg1, %mul3A_22 : i32
      %mul3A_24 = arith.constant 128 : i32
      %mul3A_25 = arith.muli %add3A_21, %mul3A_24 : i32
      %add3A_26 = arith.addi %mul3A_23, %mul3A_25 : i32
      "tpu.region"() ({
        %run_scoped3A = tpu.sem_alloc : memref<!tpu.dma_semaphore, #tpu.memory_space<semaphore_mem>>
        %dma_start3A = arith.constant 0 : i32
        %dma_start3A_27 = tpu.memref_slice %arg11[%add3A_26, %dma_start3A] : memref<10240x128xf32, #tpu.memory_space<vmem_shared>> -> memref<128x128xf32, #tpu.memory_space<vmem_shared>>
        tpu.enqueue_dma source(%arg5 : memref<128x128xf32, #tpu.memory_space<hbm>>) target(%dma_start3A_27 : memref<128x128xf32, #tpu.memory_space<vmem_shared>>) target_semaphore(%run_scoped3A : memref<!tpu.dma_semaphore, #tpu.memory_space<semaphore_mem>>)
        %dma_wait3A = arith.constant 0 : i32
        %dma_wait3A_28 = tpu.memref_slice %arg11[%add3A_26, %dma_wait3A] : memref<10240x128xf32, #tpu.memory_space<vmem_shared>> -> memref<128x128xf32, #tpu.memory_space<vmem_shared>>
        tpu.wait_dma2 semaphore(%run_scoped3A : memref<!tpu.dma_semaphore, #tpu.memory_space<semaphore_mem>>) src(%arg5 : memref<128x128xf32, #tpu.memory_space<hbm>>) dst(%dma_wait3A_28 : memref<128x128xf32, #tpu.memory_space<vmem_shared>>)
        tpu.yield
      }) : () -> ()
    }
    %scan3A_4 = arith.constant 5 : i32
    %barrier3A = arith.constant 0 : index
    tpu.barrier barrier_id(%barrier3A)
    %scan3A_5 = arith.constant 0 : i32
    %scan3A_6 = arith.constant 2 : i32
    %scan3A_7 = arith.addi %scan3A_5, %scan3A_6 : i32
    %scan3A_8 = arith.constant 1 : i32
    scf.for %scan3A_17 = %scan3A_5 to %scan3A_7 step %scan3A_8  : i32 {
      %mul3A_18 = arith.constant 1 : i32
      %mul3A_19 = arith.muli %scan3A_17, %mul3A_18 : i32
      %add3A_20 = arith.constant 0 : i32
      %add3A_21 = arith.addi %add3A_20, %mul3A_19 : i32
      %mul3A_22 = arith.constant 80 : i32
      %mul3A_23 = arith.muli %add3A, %mul3A_22 : i32
      %mul3A_24 = arith.constant 40 : i32
      %mul3A_25 = arith.muli %add3A_21, %mul3A_24 : i32
      %add3A_26 = arith.addi %mul3A_23, %mul3A_25 : i32
      "tpu.region"() ({
        %run_scoped3A = tpu.sem_alloc : memref<!tpu.dma_semaphore, #tpu.memory_space<semaphore_mem>>
        %dma_start3A_38 = arith.constant 0 : i32
        %dma_start3A_39 = tpu.memref_slice %arg3[%add3A_26, %dma_start3A_38] : memref<2560x128xi32, #tpu.memory_space<hbm>> -> memref<40x128xi32, #tpu.memory_space<hbm>>
        %dma_start3A_40 = arith.constant 0 : i32
        %dma_start3A_41 = tpu.memref_slice %arg3[%add3A_26, %dma_start3A_40] : memref<2560x128xi32, #tpu.memory_space<hbm>> -> memref<40x128xi32, #tpu.memory_space<hbm>>
        tpu.enqueue_dma source(%dma_start3A_41 : memref<40x128xi32, #tpu.memory_space<hbm>>) target(%arg7 : memref<40x128xi32, #tpu.memory_space<vmem>>) target_semaphore(%run_scoped3A : memref<!tpu.dma_semaphore, #tpu.memory_space<semaphore_mem>>)
        %dma_wait3A = arith.constant 0 : i32
        %dma_wait3A_42 = tpu.memref_slice %arg3[%add3A_26, %dma_wait3A] : memref<2560x128xi32, #tpu.memory_space<hbm>> -> memref<40x128xi32, #tpu.memory_space<hbm>>
        %dma_wait3A_43 = arith.constant 0 : i32
        %dma_wait3A_44 = tpu.memref_slice %arg3[%add3A_26, %dma_wait3A_43] : memref<2560x128xi32, #tpu.memory_space<hbm>> -> memref<40x128xi32, #tpu.memory_space<hbm>>
        tpu.wait_dma2 semaphore(%run_scoped3A : memref<!tpu.dma_semaphore, #tpu.memory_space<semaphore_mem>>) src(%dma_wait3A_44 : memref<40x128xi32, #tpu.memory_space<hbm>>) dst(%arg7 : memref<40x128xi32, #tpu.memory_space<vmem>>)
        tpu.yield
      }) : () -> ()
      "tpu.region"() ({
        %run_scoped3A = tpu.sem_alloc : memref<!tpu.dma_semaphore, #tpu.memory_space<semaphore_mem>>
        %dma_start3A_38 = arith.constant 0 : i32
        %dma_start3A_39 = tpu.memref_slice %arg4[%add3A_26, %dma_start3A_38] : memref<2560x128xi32, #tpu.memory_space<hbm>> -> memref<40x128xi32, #tpu.memory_space<hbm>>
        %dma_start3A_40 = arith.constant 0 : i32
        %dma_start3A_41 = tpu.memref_slice %arg4[%add3A_26, %dma_start3A_40] : memref<2560x128xi32, #tpu.memory_space<hbm>> -> memref<40x128xi32, #tpu.memory_space<hbm>>
        tpu.enqueue_dma source(%dma_start3A_41 : memref<40x128xi32, #tpu.memory_space<hbm>>) target(%arg8 : memref<40x128xi32, #tpu.memory_space<vmem>>) target_semaphore(%run_scoped3A : memref<!tpu.dma_semaphore, #tpu.memory_space<semaphore_mem>>)
        %dma_wait3A = arith.constant 0 : i32
        %dma_wait3A_42 = tpu.memref_slice %arg4[%add3A_26, %dma_wait3A] : memref<2560x128xi32, #tpu.memory_space<hbm>> -> memref<40x128xi32, #tpu.memory_space<hbm>>
        %dma_wait3A_43 = arith.constant 0 : i32
        %dma_wait3A_44 = tpu.memref_slice %arg4[%add3A_26, %dma_wait3A_43] : memref<2560x128xi32, #tpu.memory_space<hbm>> -> memref<40x128xi32, #tpu.memory_space<hbm>>
        tpu.wait_dma2 semaphore(%run_scoped3A : memref<!tpu.dma_semaphore, #tpu.memory_space<semaphore_mem>>) src(%dma_wait3A_44 : memref<40x128xi32, #tpu.memory_space<hbm>>) dst(%arg8 : memref<40x128xi32, #tpu.memory_space<vmem>>)
        tpu.yield
      }) : () -> ()
      %dma_start3A = arith.constant 0 : i32
      %dma_start3A_27 = arith.constant 0 : i32
      %dma_start3A_28 = tpu.memref_slice %arg7[%dma_start3A, %dma_start3A_27] : memref<40x128xi32, #tpu.memory_space<vmem>> -> memref<1x128xi32, #tpu.memory_space<vmem>>
      %dma_start3A_29 = tpu.memref_squeeze %dma_start3A_28 : memref<1x128xi32, #tpu.memory_space<vmem>> -> memref<128xi32, #tpu.memory_space<vmem>>
      %dma_start3A_30 = arith.constant 0 : i32
      %dma_start3A_31 = arith.constant 0 : i32
      %dma_start3A_32 = tpu.memref_slice %arg2[%dma_start3A_30, %dma_start3A_31] : memref<10000x128xf32, #tpu.memory_space<hbm>> -> memref<10000x128xf32, #tpu.memory_space<hbm>>
      tpu.enqueue_indirect_dma source(%dma_start3A_32 : memref<10000x128xf32, #tpu.memory_space<hbm>>) target(%arg9 : memref<128x128xf32, #tpu.memory_space<vmem>>) offsets(%dma_start3A_29 : memref<128xi32, #tpu.memory_space<vmem>>) semaphore(%arg12 : memref<!tpu.dma_semaphore, #tpu.memory_space<semaphore_mem>>)
      %scan3A_33 = arith.constant 0 : i32
      %scan3A_34 = arith.constant 20 : i32
      %scan3A_35 = arith.addi %scan3A_33, %scan3A_34 : i32
      %scan3A_36 = arith.constant 1 : i32
      scf.for %scan3A_38 = %scan3A_33 to %scan3A_35 step %scan3A_36  : i32 {
        %mul3A_39 = arith.constant 1 : i32
        %mul3A_40 = arith.muli %scan3A_38, %mul3A_39 : i32
        %add3A_41 = arith.constant 0 : i32
        %add3A_42 = arith.addi %add3A_41, %mul3A_40 : i32
        %mul3A_43 = arith.constant 2 : i32
        %mul3A_44 = arith.muli %mul3A_43, %add3A_42 : i32
        %dma_wait3A = arith.constant 0 : i32
        %dma_wait3A_45 = tpu.memref_slice %arg7[%mul3A_44, %dma_wait3A] : memref<40x128xi32, #tpu.memory_space<vmem>> -> memref<1x128xi32, #tpu.memory_space<vmem>>
        %dma_wait3A_46 = tpu.memref_squeeze %dma_wait3A_45 : memref<1x128xi32, #tpu.memory_space<vmem>> -> memref<128xi32, #tpu.memory_space<vmem>>
        %dma_wait3A_47 = arith.constant 0 : i32
        %dma_wait3A_48 = arith.constant 0 : i32
        %dma_wait3A_49 = tpu.memref_slice %arg2[%dma_wait3A_47, %dma_wait3A_48] : memref<10000x128xf32, #tpu.memory_space<hbm>> -> memref<10000x128xf32, #tpu.memory_space<hbm>>
        tpu.wait_indirect_dma semaphore(%arg12 : memref<!tpu.dma_semaphore, #tpu.memory_space<semaphore_mem>>) src(%dma_wait3A_49 : memref<10000x128xf32, #tpu.memory_space<hbm>>) dst(%arg9 : memref<128x128xf32, #tpu.memory_space<vmem>>)
        %add3A_50 = arith.constant 1 : i32
        %add3A_51 = arith.addi %mul3A_44, %add3A_50 : i32
        %dma_start3A_52 = arith.constant 0 : i32
        %dma_start3A_53 = tpu.memref_slice %arg7[%add3A_51, %dma_start3A_52] : memref<40x128xi32, #tpu.memory_space<vmem>> -> memref<1x128xi32, #tpu.memory_space<vmem>>
        %dma_start3A_54 = tpu.memref_squeeze %dma_start3A_53 : memref<1x128xi32, #tpu.memory_space<vmem>> -> memref<128xi32, #tpu.memory_space<vmem>>
        %dma_start3A_55 = arith.constant 0 : i32
        %dma_start3A_56 = arith.constant 0 : i32
        %dma_start3A_57 = tpu.memref_slice %arg2[%dma_start3A_55, %dma_start3A_56] : memref<10000x128xf32, #tpu.memory_space<hbm>> -> memref<10000x128xf32, #tpu.memory_space<hbm>>
        tpu.enqueue_indirect_dma source(%dma_start3A_57 : memref<10000x128xf32, #tpu.memory_space<hbm>>) target(%arg10 : memref<128x128xf32, #tpu.memory_space<vmem>>) offsets(%dma_start3A_54 : memref<128xi32, #tpu.memory_space<vmem>>) semaphore(%arg13 : memref<!tpu.dma_semaphore, #tpu.memory_space<semaphore_mem>>)
        "tpu.region"() ({
          %run_scoped3A = tpu.sem_alloc : memref<!tpu.dma_semaphore, #tpu.memory_space<semaphore_mem>>
          %dma_start3A_74 = arith.constant 0 : i32
          %dma_start3A_75 = tpu.memref_slice %arg8[%mul3A_44, %dma_start3A_74] : memref<40x128xi32, #tpu.memory_space<vmem>> -> memref<1x128xi32, #tpu.memory_space<vmem>>
          %dma_start3A_76 = tpu.memref_squeeze %dma_start3A_75 : memref<1x128xi32, #tpu.memory_space<vmem>> -> memref<128xi32, #tpu.memory_space<vmem>>
          %dma_start3A_77 = arith.constant 0 : i32
          %dma_start3A_78 = arith.constant 0 : i32
          %dma_start3A_79 = tpu.memref_slice %arg11[%dma_start3A_77, %dma_start3A_78] : memref<10240x128xf32, #tpu.memory_space<vmem_shared>> -> memref<10240x128xf32, #tpu.memory_space<vmem_shared>>
          tpu.enqueue_indirect_dma source(%arg9 : memref<128x128xf32, #tpu.memory_space<vmem>>) target(%dma_start3A_79 : memref<10240x128xf32, #tpu.memory_space<vmem_shared>>) offsets(%dma_start3A_76 : memref<128xi32, #tpu.memory_space<vmem>>) semaphore(%run_scoped3A : memref<!tpu.dma_semaphore, #tpu.memory_space<semaphore_mem>>) {add = true}
          %dma_wait3A_80 = arith.constant 0 : i32
          %dma_wait3A_81 = tpu.memref_slice %arg8[%mul3A_44, %dma_wait3A_80] : memref<40x128xi32, #tpu.memory_space<vmem>> -> memref<1x128xi32, #tpu.memory_space<vmem>>
          %dma_wait3A_82 = tpu.memref_squeeze %dma_wait3A_81 : memref<1x128xi32, #tpu.memory_space<vmem>> -> memref<128xi32, #tpu.memory_space<vmem>>
          %dma_wait3A_83 = arith.constant 0 : i32
          %dma_wait3A_84 = arith.constant 0 : i32
          %dma_wait3A_85 = tpu.memref_slice %arg11[%dma_wait3A_83, %dma_wait3A_84] : memref<10240x128xf32, #tpu.memory_space<vmem_shared>> -> memref<10240x128xf32, #tpu.memory_space<vmem_shared>>
          tpu.wait_indirect_dma semaphore(%run_scoped3A : memref<!tpu.dma_semaphore, #tpu.memory_space<semaphore_mem>>) src(%arg9 : memref<128x128xf32, #tpu.memory_space<vmem>>) dst(%dma_wait3A_85 : memref<10240x128xf32, #tpu.memory_space<vmem_shared>>)
          tpu.yield
        }) : () -> ()
        %add3A_58 = arith.constant 1 : i32
        %add3A_59 = arith.addi %mul3A_44, %add3A_58 : i32
        %dma_wait3A_60 = arith.constant 0 : i32
        %dma_wait3A_61 = tpu.memref_slice %arg7[%add3A_59, %dma_wait3A_60] : memref<40x128xi32, #tpu.memory_space<vmem>> -> memref<1x128xi32, #tpu.memory_space<vmem>>
        %dma_wait3A_62 = tpu.memref_squeeze %dma_wait3A_61 : memref<1x128xi32, #tpu.memory_space<vmem>> -> memref<128xi32, #tpu.memory_space<vmem>>
        %dma_wait3A_63 = arith.constant 0 : i32
        %dma_wait3A_64 = arith.constant 0 : i32
        %dma_wait3A_65 = tpu.memref_slice %arg2[%dma_wait3A_63, %dma_wait3A_64] : memref<10000x128xf32, #tpu.memory_space<hbm>> -> memref<10000x128xf32, #tpu.memory_space<hbm>>
        tpu.wait_indirect_dma semaphore(%arg13 : memref<!tpu.dma_semaphore, #tpu.memory_space<semaphore_mem>>) src(%dma_wait3A_65 : memref<10000x128xf32, #tpu.memory_space<hbm>>) dst(%arg10 : memref<128x128xf32, #tpu.memory_space<vmem>>)
        %add3A_66 = arith.constant 2 : i32
        %add3A_67 = arith.addi %mul3A_44, %add3A_66 : i32
        %lt3A = arith.constant 40 : i32
        %lt3A_68 = arith.cmpi slt, %add3A_67, %lt3A : i32
        %convert_element_type3A_69 = arith.extui %lt3A_68 : i1 to i32
        %cond3A_70 = arith.constant 0 : i32
        %cond3A_71 = arith.cmpi ne, %convert_element_type3A_69, %cond3A_70 : i32
        scf.if %cond3A_71 {
          %add3A_74 = arith.constant 2 : i32
          %add3A_75 = arith.addi %mul3A_44, %add3A_74 : i32
          %dma_start3A_76 = arith.constant 0 : i32
          %dma_start3A_77 = tpu.memref_slice %arg7[%add3A_75, %dma_start3A_76] : memref<40x128xi32, #tpu.memory_space<vmem>> -> memref<1x128xi32, #tpu.memory_space<vmem>>
          %dma_start3A_78 = tpu.memref_squeeze %dma_start3A_77 : memref<1x128xi32, #tpu.memory_space<vmem>> -> memref<128xi32, #tpu.memory_space<vmem>>
          %dma_start3A_79 = arith.constant 0 : i32
          %dma_start3A_80 = arith.constant 0 : i32
          %dma_start3A_81 = tpu.memref_slice %arg2[%dma_start3A_79, %dma_start3A_80] : memref<10000x128xf32, #tpu.memory_space<hbm>> -> memref<10000x128xf32, #tpu.memory_space<hbm>>
          tpu.enqueue_indirect_dma source(%dma_start3A_81 : memref<10000x128xf32, #tpu.memory_space<hbm>>) target(%arg9 : memref<128x128xf32, #tpu.memory_space<vmem>>) offsets(%dma_start3A_78 : memref<128xi32, #tpu.memory_space<vmem>>) semaphore(%arg12 : memref<!tpu.dma_semaphore, #tpu.memory_space<semaphore_mem>>)
        } else {
        }
        %add3A_72 = arith.constant 1 : i32
        %add3A_73 = arith.addi %mul3A_44, %add3A_72 : i32
        "tpu.region"() ({
          %run_scoped3A = tpu.sem_alloc : memref<!tpu.dma_semaphore, #tpu.memory_space<semaphore_mem>>
          %dma_start3A_74 = arith.constant 0 : i32
          %dma_start3A_75 = tpu.memref_slice %arg8[%add3A_73, %dma_start3A_74] : memref<40x128xi32, #tpu.memory_space<vmem>> -> memref<1x128xi32, #tpu.memory_space<vmem>>
          %dma_start3A_76 = tpu.memref_squeeze %dma_start3A_75 : memref<1x128xi32, #tpu.memory_space<vmem>> -> memref<128xi32, #tpu.memory_space<vmem>>
          %dma_start3A_77 = arith.constant 0 : i32
          %dma_start3A_78 = arith.constant 0 : i32
          %dma_start3A_79 = tpu.memref_slice %arg11[%dma_start3A_77, %dma_start3A_78] : memref<10240x128xf32, #tpu.memory_space<vmem_shared>> -> memref<10240x128xf32, #tpu.memory_space<vmem_shared>>
          tpu.enqueue_indirect_dma source(%arg10 : memref<128x128xf32, #tpu.memory_space<vmem>>) target(%dma_start3A_79 : memref<10240x128xf32, #tpu.memory_space<vmem_shared>>) offsets(%dma_start3A_76 : memref<128xi32, #tpu.memory_space<vmem>>) semaphore(%run_scoped3A : memref<!tpu.dma_semaphore, #tpu.memory_space<semaphore_mem>>) {add = true}
          %dma_wait3A_80 = arith.constant 0 : i32
          %dma_wait3A_81 = tpu.memref_slice %arg8[%add3A_73, %dma_wait3A_80] : memref<40x128xi32, #tpu.memory_space<vmem>> -> memref<1x128xi32, #tpu.memory_space<vmem>>
          %dma_wait3A_82 = tpu.memref_squeeze %dma_wait3A_81 : memref<1x128xi32, #tpu.memory_space<vmem>> -> memref<128xi32, #tpu.memory_space<vmem>>
          %dma_wait3A_83 = arith.constant 0 : i32
          %dma_wait3A_84 = arith.constant 0 : i32
          %dma_wait3A_85 = tpu.memref_slice %arg11[%dma_wait3A_83, %dma_wait3A_84] : memref<10240x128xf32, #tpu.memory_space<vmem_shared>> -> memref<10240x128xf32, #tpu.memory_space<vmem_shared>>
          tpu.wait_indirect_dma semaphore(%run_scoped3A : memref<!tpu.dma_semaphore, #tpu.memory_space<semaphore_mem>>) src(%arg10 : memref<128x128xf32, #tpu.memory_space<vmem>>) dst(%dma_wait3A_85 : memref<10240x128xf32, #tpu.memory_space<vmem_shared>>)
          tpu.yield
        }) : () -> ()
      }
      %scan3A_37 = arith.constant 20 : i32
    }
    %scan3A_9 = arith.constant 2 : i32
    %barrier3A_10 = arith.constant 0 : index
    tpu.barrier barrier_id(%barrier3A_10)
    %mul3A_11 = arith.constant 624 : i32
    %mul3A_12 = arith.muli %arg1, %mul3A_11 : i32
    %mul3A_13 = arith.constant 624 : i32
    %mul3A_14 = arith.muli %arg1, %mul3A_13 : i32
    "tpu.region"() ({
      %run_scoped3A = tpu.sem_alloc : memref<!tpu.dma_semaphore, #tpu.memory_space<semaphore_mem>>
      %dma_start3A = arith.constant 0 : i32
      %dma_start3A_17 = tpu.memref_slice %arg6[%arg0, %mul3A_14, %dma_start3A] : memref<2x10000x128xf32, #tpu.memory_space<hbm>> -> memref<1x624x128xf32, #tpu.memory_space<hbm>>
      %dma_start3A_18 = tpu.memref_squeeze %dma_start3A_17 : memref<1x624x128xf32, #tpu.memory_space<hbm>> -> memref<624x128xf32, #tpu.memory_space<hbm>>
      %dma_start3A_19 = arith.constant 0 : i32
      %dma_start3A_20 = tpu.memref_slice %arg11[%mul3A_12, %dma_start3A_19] : memref<10240x128xf32, #tpu.memory_space<vmem_shared>> -> memref<624x128xf32, #tpu.memory_space<vmem_shared>>
      tpu.enqueue_dma source(%dma_start3A_20 : memref<624x128xf32, #tpu.memory_space<vmem_shared>>) target(%dma_start3A_18 : memref<624x128xf32, #tpu.memory_space<hbm>>) target_semaphore(%run_scoped3A : memref<!tpu.dma_semaphore, #tpu.memory_space<semaphore_mem>>)
      %dma_wait3A = arith.constant 0 : i32
      %dma_wait3A_21 = tpu.memref_slice %arg6[%arg0, %mul3A_14, %dma_wait3A] : memref<2x10000x128xf32, #tpu.memory_space<hbm>> -> memref<1x624x128xf32, #tpu.memory_space<hbm>>
      %dma_wait3A_22 = tpu.memref_squeeze %dma_wait3A_21 : memref<1x624x128xf32, #tpu.memory_space<hbm>> -> memref<624x128xf32, #tpu.memory_space<hbm>>
      %dma_wait3A_23 = arith.constant 0 : i32
      %dma_wait3A_24 = tpu.memref_slice %arg11[%mul3A_12, %dma_wait3A_23] : memref<10240x128xf32, #tpu.memory_space<vmem_shared>> -> memref<624x128xf32, #tpu.memory_space<vmem_shared>>
      tpu.wait_dma2 semaphore(%run_scoped3A : memref<!tpu.dma_semaphore, #tpu.memory_space<semaphore_mem>>) src(%dma_wait3A_24 : memref<624x128xf32, #tpu.memory_space<vmem_shared>>) dst(%dma_wait3A_22 : memref<624x128xf32, #tpu.memory_space<hbm>>)
      tpu.yield
    }) : () -> ()
    %eq3A = arith.constant 15 : i32
    %eq3A_15 = arith.cmpi eq, %arg1, %eq3A : i32
    %convert_element_type3A = arith.extui %eq3A_15 : i1 to i32
    %cond3A = arith.constant 0 : i32
    %cond3A_16 = arith.cmpi ne, %convert_element_type3A, %cond3A : i32
    scf.if %cond3A_16 {
      "tpu.region"() ({
        %run_scoped3A = tpu.sem_alloc : memref<!tpu.dma_semaphore, #tpu.memory_space<semaphore_mem>>
        %dma_start3A = arith.constant 9984 : i32
        %dma_start3A_17 = arith.constant 0 : i32
        %dma_start3A_18 = tpu.memref_slice %arg6[%arg0, %dma_start3A, %dma_start3A_17] : memref<2x10000x128xf32, #tpu.memory_space<hbm>> -> memref<1x16x128xf32, #tpu.memory_space<hbm>>
        %dma_start3A_19 = tpu.memref_squeeze %dma_start3A_18 : memref<1x16x128xf32, #tpu.memory_space<hbm>> -> memref<16x128xf32, #tpu.memory_space<hbm>>
        %dma_start3A_20 = arith.constant 9984 : i32
        %dma_start3A_21 = arith.constant 0 : i32
        %dma_start3A_22 = tpu.memref_slice %arg11[%dma_start3A_20, %dma_start3A_21] : memref<10240x128xf32, #tpu.memory_space<vmem_shared>> -> memref<16x128xf32, #tpu.memory_space<vmem_shared>>
        tpu.enqueue_dma source(%dma_start3A_22 : memref<16x128xf32, #tpu.memory_space<vmem_shared>>) target(%dma_start3A_19 : memref<16x128xf32, #tpu.memory_space<hbm>>) target_semaphore(%run_scoped3A : memref<!tpu.dma_semaphore, #tpu.memory_space<semaphore_mem>>)
        %dma_wait3A = arith.constant 9984 : i32
        %dma_wait3A_23 = arith.constant 0 : i32
        %dma_wait3A_24 = tpu.memref_slice %arg6[%arg0, %dma_wait3A, %dma_wait3A_23] : memref<2x10000x128xf32, #tpu.memory_space<hbm>> -> memref<1x16x128xf32, #tpu.memory_space<hbm>>
        %dma_wait3A_25 = tpu.memref_squeeze %dma_wait3A_24 : memref<1x16x128xf32, #tpu.memory_space<hbm>> -> memref<16x128xf32, #tpu.memory_space<hbm>>
        %dma_wait3A_26 = arith.constant 9984 : i32
        %dma_wait3A_27 = arith.constant 0 : i32
        %dma_wait3A_28 = tpu.memref_slice %arg11[%dma_wait3A_26, %dma_wait3A_27] : memref<10240x128xf32, #tpu.memory_space<vmem_shared>> -> memref<16x128xf32, #tpu.memory_space<vmem_shared>>
        tpu.wait_dma2 semaphore(%run_scoped3A : memref<!tpu.dma_semaphore, #tpu.memory_space<semaphore_mem>>) src(%dma_wait3A_28 : memref<16x128xf32, #tpu.memory_space<vmem_shared>>) dst(%dma_wait3A_25 : memref<16x128xf32, #tpu.memory_space<hbm>>)
        tpu.yield
      }) : () -> ()
    } else {
    }
    return
  }
}

#map = affine_map<(d0, d1) -> (0, 0)>
#map1 = affine_map<(d0, d1) -> (0, 0, 0)>
module attributes {stable_mosaic.version = 14 : i64} {
  func.func @k(%arg0: i32, %arg1: i32, %arg2: memref<10000x128xf32, #tpu.memory_space<hbm>>, %arg3: memref<2560x128xi32, #tpu.memory_space<hbm>>, %arg4: memref<2560x128xi32, #tpu.memory_space<hbm>>, %arg5: memref<128x128xf32, #tpu.memory_space<hbm>>, %arg6: memref<2x10000x128xf32, #tpu.memory_space<hbm>>, %arg7: memref<40x128xi32, #tpu.memory_space<vmem>>, %arg8: memref<40x128xi32, #tpu.memory_space<vmem>>, %arg9: memref<128x128xf32, #tpu.memory_space<vmem>>, %arg10: memref<128x128xf32, #tpu.memory_space<vmem>>, %arg11: memref<10240x128xf32, #tpu.memory_space<vmem_shared>>, %arg12: memref<!tpu.dma_semaphore, #tpu.memory_space<semaphore_mem>>, %arg13: memref<!tpu.dma_semaphore, #tpu.memory_space<semaphore_mem>>) attributes {dimension_semantics = [#tpu.dimension_semantics<core_parallel>, #tpu.dimension_semantics<subcore_parallel>], iteration_bounds = array<i64: 2, 16>, scalar_prefetch = 0 : i64, scratch_operands = 7 : i64, tpu.core_type = #tpu.core_type<sc_vector_subcore>, window_params = [{transform_indices = #map}, {transform_indices = #map}, {transform_indices = #map}, {transform_indices = #map}, {transform_indices = #map1}]} {
    %mul3A = arith.constant 16 : i32
    %mul3A_0 = arith.muli %arg0, %mul3A : i32
    %add3A = arith.addi %mul3A_0, %arg1 : i32
    %scan3A = arith.constant 0 : i32
    %scan3A_1 = arith.constant 5 : i32
    %scan3A_2 = arith.addi %scan3A, %scan3A_1 : i32
    %scan3A_3 = arith.constant 1 : i32
    scf.for %scan3A_17 = %scan3A to %scan3A_2 step %scan3A_3  : i32 {
      %mul3A_18 = arith.constant 1 : i32
      %mul3A_19 = arith.muli %scan3A_17, %mul3A_18 : i32
      %add3A_20 = arith.constant 0 : i32
      %add3A_21 = arith.addi %add3A_20, %mul3A_19 : i32
      %mul3A_22 = arith.constant 640 : i32
      %mul3A_23 = arith.muli %arg1, %mul3A_22 : i32
      %mul3A_24 = arith.constant 128 : i32
      %mul3A_25 = arith.muli %add3A_21, %mul3A_24 : i32
      %add3A_26 = arith.addi %mul3A_23, %mul3A_25 : i32
      "tpu.region"() ({
        %run_scoped3A = tpu.sem_alloc : memref<!tpu.dma_semaphore, #tpu.memory_space<semaphore_mem>>
        %dma_start3A = arith.constant 0 : i32
        %dma_start3A_27 = tpu.memref_slice %arg11[%add3A_26, %dma_start3A] : memref<10240x128xf32, #tpu.memory_space<vmem_shared>> -> memref<128x128xf32, #tpu.memory_space<vmem_shared>>
        tpu.enqueue_dma source(%arg5 : memref<128x128xf32, #tpu.memory_space<hbm>>) target(%dma_start3A_27 : memref<128x128xf32, #tpu.memory_space<vmem_shared>>) target_semaphore(%run_scoped3A : memref<!tpu.dma_semaphore, #tpu.memory_space<semaphore_mem>>)
        %dma_wait3A = arith.constant 0 : i32
        %dma_wait3A_28 = tpu.memref_slice %arg11[%add3A_26, %dma_wait3A] : memref<10240x128xf32, #tpu.memory_space<vmem_shared>> -> memref<128x128xf32, #tpu.memory_space<vmem_shared>>
        tpu.wait_dma2 semaphore(%run_scoped3A : memref<!tpu.dma_semaphore, #tpu.memory_space<semaphore_mem>>) src(%arg5 : memref<128x128xf32, #tpu.memory_space<hbm>>) dst(%dma_wait3A_28 : memref<128x128xf32, #tpu.memory_space<vmem_shared>>)
        tpu.yield
      }) : () -> ()
    }
    %scan3A_4 = arith.constant 5 : i32
    %barrier3A = arith.constant 0 : index
    tpu.barrier barrier_id(%barrier3A)
    %scan3A_5 = arith.constant 0 : i32
    %scan3A_6 = arith.constant 2 : i32
    %scan3A_7 = arith.addi %scan3A_5, %scan3A_6 : i32
    %scan3A_8 = arith.constant 1 : i32
    scf.for %scan3A_17 = %scan3A_5 to %scan3A_7 step %scan3A_8  : i32 {
      %mul3A_18 = arith.constant 1 : i32
      %mul3A_19 = arith.muli %scan3A_17, %mul3A_18 : i32
      %add3A_20 = arith.constant 0 : i32
      %add3A_21 = arith.addi %add3A_20, %mul3A_19 : i32
      %mul3A_22 = arith.constant 80 : i32
      %mul3A_23 = arith.muli %add3A, %mul3A_22 : i32
      %mul3A_24 = arith.constant 40 : i32
      %mul3A_25 = arith.muli %add3A_21, %mul3A_24 : i32
      %add3A_26 = arith.addi %mul3A_23, %mul3A_25 : i32
      "tpu.region"() ({
        %run_scoped3A = tpu.sem_alloc : memref<!tpu.dma_semaphore, #tpu.memory_space<semaphore_mem>>
        %dma_start3A_38 = arith.constant 0 : i32
        %dma_start3A_39 = tpu.memref_slice %arg3[%add3A_26, %dma_start3A_38] : memref<2560x128xi32, #tpu.memory_space<hbm>> -> memref<40x128xi32, #tpu.memory_space<hbm>>
        %dma_start3A_40 = arith.constant 0 : i32
        %dma_start3A_41 = tpu.memref_slice %arg3[%add3A_26, %dma_start3A_40] : memref<2560x128xi32, #tpu.memory_space<hbm>> -> memref<40x128xi32, #tpu.memory_space<hbm>>
        tpu.enqueue_dma source(%dma_start3A_41 : memref<40x128xi32, #tpu.memory_space<hbm>>) target(%arg7 : memref<40x128xi32, #tpu.memory_space<vmem>>) target_semaphore(%run_scoped3A : memref<!tpu.dma_semaphore, #tpu.memory_space<semaphore_mem>>)
        %dma_wait3A = arith.constant 0 : i32
        %dma_wait3A_42 = tpu.memref_slice %arg3[%add3A_26, %dma_wait3A] : memref<2560x128xi32, #tpu.memory_space<hbm>> -> memref<40x128xi32, #tpu.memory_space<hbm>>
        %dma_wait3A_43 = arith.constant 0 : i32
        %dma_wait3A_44 = tpu.memref_slice %arg3[%add3A_26, %dma_wait3A_43] : memref<2560x128xi32, #tpu.memory_space<hbm>> -> memref<40x128xi32, #tpu.memory_space<hbm>>
        tpu.wait_dma2 semaphore(%run_scoped3A : memref<!tpu.dma_semaphore, #tpu.memory_space<semaphore_mem>>) src(%dma_wait3A_44 : memref<40x128xi32, #tpu.memory_space<hbm>>) dst(%arg7 : memref<40x128xi32, #tpu.memory_space<vmem>>)
        tpu.yield
      }) : () -> ()
      "tpu.region"() ({
        %run_scoped3A = tpu.sem_alloc : memref<!tpu.dma_semaphore, #tpu.memory_space<semaphore_mem>>
        %dma_start3A_38 = arith.constant 0 : i32
        %dma_start3A_39 = tpu.memref_slice %arg4[%add3A_26, %dma_start3A_38] : memref<2560x128xi32, #tpu.memory_space<hbm>> -> memref<40x128xi32, #tpu.memory_space<hbm>>
        %dma_start3A_40 = arith.constant 0 : i32
        %dma_start3A_41 = tpu.memref_slice %arg4[%add3A_26, %dma_start3A_40] : memref<2560x128xi32, #tpu.memory_space<hbm>> -> memref<40x128xi32, #tpu.memory_space<hbm>>
        tpu.enqueue_dma source(%dma_start3A_41 : memref<40x128xi32, #tpu.memory_space<hbm>>) target(%arg8 : memref<40x128xi32, #tpu.memory_space<vmem>>) target_semaphore(%run_scoped3A : memref<!tpu.dma_semaphore, #tpu.memory_space<semaphore_mem>>)
        %dma_wait3A = arith.constant 0 : i32
        %dma_wait3A_42 = tpu.memref_slice %arg4[%add3A_26, %dma_wait3A] : memref<2560x128xi32, #tpu.memory_space<hbm>> -> memref<40x128xi32, #tpu.memory_space<hbm>>
        %dma_wait3A_43 = arith.constant 0 : i32
        %dma_wait3A_44 = tpu.memref_slice %arg4[%add3A_26, %dma_wait3A_43] : memref<2560x128xi32, #tpu.memory_space<hbm>> -> memref<40x128xi32, #tpu.memory_space<hbm>>
        tpu.wait_dma2 semaphore(%run_scoped3A : memref<!tpu.dma_semaphore, #tpu.memory_space<semaphore_mem>>) src(%dma_wait3A_44 : memref<40x128xi32, #tpu.memory_space<hbm>>) dst(%arg8 : memref<40x128xi32, #tpu.memory_space<vmem>>)
        tpu.yield
      }) : () -> ()
      %dma_start3A = arith.constant 0 : i32
      %dma_start3A_27 = arith.constant 0 : i32
      %dma_start3A_28 = tpu.memref_slice %arg7[%dma_start3A, %dma_start3A_27] : memref<40x128xi32, #tpu.memory_space<vmem>> -> memref<1x128xi32, #tpu.memory_space<vmem>>
      %dma_start3A_29 = tpu.memref_squeeze %dma_start3A_28 : memref<1x128xi32, #tpu.memory_space<vmem>> -> memref<128xi32, #tpu.memory_space<vmem>>
      %dma_start3A_30 = arith.constant 0 : i32
      %dma_start3A_31 = arith.constant 0 : i32
      %dma_start3A_32 = tpu.memref_slice %arg2[%dma_start3A_30, %dma_start3A_31] : memref<10000x128xf32, #tpu.memory_space<hbm>> -> memref<10000x128xf32, #tpu.memory_space<hbm>>
      tpu.enqueue_indirect_dma source(%dma_start3A_32 : memref<10000x128xf32, #tpu.memory_space<hbm>>) target(%arg9 : memref<128x128xf32, #tpu.memory_space<vmem>>) offsets(%dma_start3A_29 : memref<128xi32, #tpu.memory_space<vmem>>) semaphore(%arg12 : memref<!tpu.dma_semaphore, #tpu.memory_space<semaphore_mem>>)
      %scan3A_33 = arith.constant 0 : i32
      %scan3A_34 = arith.constant 20 : i32
      %scan3A_35 = arith.addi %scan3A_33, %scan3A_34 : i32
      %scan3A_36 = arith.constant 1 : i32
      scf.for %scan3A_38 = %scan3A_33 to %scan3A_35 step %scan3A_36  : i32 {
        %mul3A_39 = arith.constant 1 : i32
        %mul3A_40 = arith.muli %scan3A_38, %mul3A_39 : i32
        %add3A_41 = arith.constant 0 : i32
        %add3A_42 = arith.addi %add3A_41, %mul3A_40 : i32
        %mul3A_43 = arith.constant 2 : i32
        %mul3A_44 = arith.muli %mul3A_43, %add3A_42 : i32
        %dma_wait3A = arith.constant 0 : i32
        %dma_wait3A_45 = tpu.memref_slice %arg7[%mul3A_44, %dma_wait3A] : memref<40x128xi32, #tpu.memory_space<vmem>> -> memref<1x128xi32, #tpu.memory_space<vmem>>
        %dma_wait3A_46 = tpu.memref_squeeze %dma_wait3A_45 : memref<1x128xi32, #tpu.memory_space<vmem>> -> memref<128xi32, #tpu.memory_space<vmem>>
        %dma_wait3A_47 = arith.constant 0 : i32
        %dma_wait3A_48 = arith.constant 0 : i32
        %dma_wait3A_49 = tpu.memref_slice %arg2[%dma_wait3A_47, %dma_wait3A_48] : memref<10000x128xf32, #tpu.memory_space<hbm>> -> memref<10000x128xf32, #tpu.memory_space<hbm>>
        tpu.wait_indirect_dma semaphore(%arg12 : memref<!tpu.dma_semaphore, #tpu.memory_space<semaphore_mem>>) src(%dma_wait3A_49 : memref<10000x128xf32, #tpu.memory_space<hbm>>) dst(%arg9 : memref<128x128xf32, #tpu.memory_space<vmem>>)
        %add3A_50 = arith.constant 1 : i32
        %add3A_51 = arith.addi %mul3A_44, %add3A_50 : i32
        %dma_start3A_52 = arith.constant 0 : i32
        %dma_start3A_53 = tpu.memref_slice %arg7[%add3A_51, %dma_start3A_52] : memref<40x128xi32, #tpu.memory_space<vmem>> -> memref<1x128xi32, #tpu.memory_space<vmem>>
        %dma_start3A_54 = tpu.memref_squeeze %dma_start3A_53 : memref<1x128xi32, #tpu.memory_space<vmem>> -> memref<128xi32, #tpu.memory_space<vmem>>
        %dma_start3A_55 = arith.constant 0 : i32
        %dma_start3A_56 = arith.constant 0 : i32
        %dma_start3A_57 = tpu.memref_slice %arg2[%dma_start3A_55, %dma_start3A_56] : memref<10000x128xf32, #tpu.memory_space<hbm>> -> memref<10000x128xf32, #tpu.memory_space<hbm>>
        tpu.enqueue_indirect_dma source(%dma_start3A_57 : memref<10000x128xf32, #tpu.memory_space<hbm>>) target(%arg10 : memref<128x128xf32, #tpu.memory_space<vmem>>) offsets(%dma_start3A_54 : memref<128xi32, #tpu.memory_space<vmem>>) semaphore(%arg13 : memref<!tpu.dma_semaphore, #tpu.memory_space<semaphore_mem>>)
        "tpu.region"() ({
          %run_scoped3A = tpu.sem_alloc : memref<!tpu.dma_semaphore, #tpu.memory_space<semaphore_mem>>
          %dma_start3A_74 = arith.constant 0 : i32
          %dma_start3A_75 = tpu.memref_slice %arg8[%mul3A_44, %dma_start3A_74] : memref<40x128xi32, #tpu.memory_space<vmem>> -> memref<1x128xi32, #tpu.memory_space<vmem>>
          %dma_start3A_76 = tpu.memref_squeeze %dma_start3A_75 : memref<1x128xi32, #tpu.memory_space<vmem>> -> memref<128xi32, #tpu.memory_space<vmem>>
          %dma_start3A_77 = arith.constant 0 : i32
          %dma_start3A_78 = arith.constant 0 : i32
          %dma_start3A_79 = tpu.memref_slice %arg11[%dma_start3A_77, %dma_start3A_78] : memref<10240x128xf32, #tpu.memory_space<vmem_shared>> -> memref<10240x128xf32, #tpu.memory_space<vmem_shared>>
          tpu.enqueue_indirect_dma source(%arg9 : memref<128x128xf32, #tpu.memory_space<vmem>>) target(%dma_start3A_79 : memref<10240x128xf32, #tpu.memory_space<vmem_shared>>) offsets(%dma_start3A_76 : memref<128xi32, #tpu.memory_space<vmem>>) semaphore(%run_scoped3A : memref<!tpu.dma_semaphore, #tpu.memory_space<semaphore_mem>>) {add = true}
          %dma_wait3A_80 = arith.constant 0 : i32
          %dma_wait3A_81 = tpu.memref_slice %arg8[%mul3A_44, %dma_wait3A_80] : memref<40x128xi32, #tpu.memory_space<vmem>> -> memref<1x128xi32, #tpu.memory_space<vmem>>
          %dma_wait3A_82 = tpu.memref_squeeze %dma_wait3A_81 : memref<1x128xi32, #tpu.memory_space<vmem>> -> memref<128xi32, #tpu.memory_space<vmem>>
          %dma_wait3A_83 = arith.constant 0 : i32
          %dma_wait3A_84 = arith.constant 0 : i32
          %dma_wait3A_85 = tpu.memref_slice %arg11[%dma_wait3A_83, %dma_wait3A_84] : memref<10240x128xf32, #tpu.memory_space<vmem_shared>> -> memref<10240x128xf32, #tpu.memory_space<vmem_shared>>
          tpu.wait_indirect_dma semaphore(%run_scoped3A : memref<!tpu.dma_semaphore, #tpu.memory_space<semaphore_mem>>) src(%arg9 : memref<128x128xf32, #tpu.memory_space<vmem>>) dst(%dma_wait3A_85 : memref<10240x128xf32, #tpu.memory_space<vmem_shared>>)
          tpu.yield
        }) : () -> ()
        %add3A_58 = arith.constant 1 : i32
        %add3A_59 = arith.addi %mul3A_44, %add3A_58 : i32
        %dma_wait3A_60 = arith.constant 0 : i32
        %dma_wait3A_61 = tpu.memref_slice %arg7[%add3A_59, %dma_wait3A_60] : memref<40x128xi32, #tpu.memory_space<vmem>> -> memref<1x128xi32, #tpu.memory_space<vmem>>
        %dma_wait3A_62 = tpu.memref_squeeze %dma_wait3A_61 : memref<1x128xi32, #tpu.memory_space<vmem>> -> memref<128xi32, #tpu.memory_space<vmem>>
        %dma_wait3A_63 = arith.constant 0 : i32
        %dma_wait3A_64 = arith.constant 0 : i32
        %dma_wait3A_65 = tpu.memref_slice %arg2[%dma_wait3A_63, %dma_wait3A_64] : memref<10000x128xf32, #tpu.memory_space<hbm>> -> memref<10000x128xf32, #tpu.memory_space<hbm>>
        tpu.wait_indirect_dma semaphore(%arg13 : memref<!tpu.dma_semaphore, #tpu.memory_space<semaphore_mem>>) src(%dma_wait3A_65 : memref<10000x128xf32, #tpu.memory_space<hbm>>) dst(%arg10 : memref<128x128xf32, #tpu.memory_space<vmem>>)
        %add3A_66 = arith.constant 2 : i32
        %add3A_67 = arith.addi %mul3A_44, %add3A_66 : i32
        %lt3A = arith.constant 40 : i32
        %lt3A_68 = arith.cmpi slt, %add3A_67, %lt3A : i32
        %convert_element_type3A_69 = arith.extui %lt3A_68 : i1 to i32
        %cond3A_70 = arith.constant 0 : i32
        %cond3A_71 = arith.cmpi ne, %convert_element_type3A_69, %cond3A_70 : i32
        scf.if %cond3A_71 {
          %add3A_74 = arith.constant 2 : i32
          %add3A_75 = arith.addi %mul3A_44, %add3A_74 : i32
          %dma_start3A_76 = arith.constant 0 : i32
          %dma_start3A_77 = tpu.memref_slice %arg7[%add3A_75, %dma_start3A_76] : memref<40x128xi32, #tpu.memory_space<vmem>> -> memref<1x128xi32, #tpu.memory_space<vmem>>
          %dma_start3A_78 = tpu.memref_squeeze %dma_start3A_77 : memref<1x128xi32, #tpu.memory_space<vmem>> -> memref<128xi32, #tpu.memory_space<vmem>>
          %dma_start3A_79 = arith.constant 0 : i32
          %dma_start3A_80 = arith.constant 0 : i32
          %dma_start3A_81 = tpu.memref_slice %arg2[%dma_start3A_79, %dma_start3A_80] : memref<10000x128xf32, #tpu.memory_space<hbm>> -> memref<10000x128xf32, #tpu.memory_space<hbm>>
          tpu.enqueue_indirect_dma source(%dma_start3A_81 : memref<10000x128xf32, #tpu.memory_space<hbm>>) target(%arg9 : memref<128x128xf32, #tpu.memory_space<vmem>>) offsets(%dma_start3A_78 : memref<128xi32, #tpu.memory_space<vmem>>) semaphore(%arg12 : memref<!tpu.dma_semaphore, #tpu.memory_space<semaphore_mem>>)
        } else {
        }
        %add3A_72 = arith.constant 1 : i32
        %add3A_73 = arith.addi %mul3A_44, %add3A_72 : i32
        "tpu.region"() ({
          %run_scoped3A = tpu.sem_alloc : memref<!tpu.dma_semaphore, #tpu.memory_space<semaphore_mem>>
          %dma_start3A_74 = arith.constant 0 : i32
          %dma_start3A_75 = tpu.memref_slice %arg8[%add3A_73, %dma_start3A_74] : memref<40x128xi32, #tpu.memory_space<vmem>> -> memref<1x128xi32, #tpu.memory_space<vmem>>
          %dma_start3A_76 = tpu.memref_squeeze %dma_start3A_75 : memref<1x128xi32, #tpu.memory_space<vmem>> -> memref<128xi32, #tpu.memory_space<vmem>>
          %dma_start3A_77 = arith.constant 0 : i32
          %dma_start3A_78 = arith.constant 0 : i32
          %dma_start3A_79 = tpu.memref_slice %arg11[%dma_start3A_77, %dma_start3A_78] : memref<10240x128xf32, #tpu.memory_space<vmem_shared>> -> memref<10240x128xf32, #tpu.memory_space<vmem_shared>>
          tpu.enqueue_indirect_dma source(%arg10 : memref<128x128xf32, #tpu.memory_space<vmem>>) target(%dma_start3A_79 : memref<10240x128xf32, #tpu.memory_space<vmem_shared>>) offsets(%dma_start3A_76 : memref<128xi32, #tpu.memory_space<vmem>>) semaphore(%run_scoped3A : memref<!tpu.dma_semaphore, #tpu.memory_space<semaphore_mem>>) {add = true}
          %dma_wait3A_80 = arith.constant 0 : i32
          %dma_wait3A_81 = tpu.memref_slice %arg8[%add3A_73, %dma_wait3A_80] : memref<40x128xi32, #tpu.memory_space<vmem>> -> memref<1x128xi32, #tpu.memory_space<vmem>>
          %dma_wait3A_82 = tpu.memref_squeeze %dma_wait3A_81 : memref<1x128xi32, #tpu.memory_space<vmem>> -> memref<128xi32, #tpu.memory_space<vmem>>
          %dma_wait3A_83 = arith.constant 0 : i32
          %dma_wait3A_84 = arith.constant 0 : i32
          %dma_wait3A_85 = tpu.memref_slice %arg11[%dma_wait3A_83, %dma_wait3A_84] : memref<10240x128xf32, #tpu.memory_space<vmem_shared>> -> memref<10240x128xf32, #tpu.memory_space<vmem_shared>>
          tpu.wait_indirect_dma semaphore(%run_scoped3A : memref<!tpu.dma_semaphore, #tpu.memory_space<semaphore_mem>>) src(%arg10 : memref<128x128xf32, #tpu.memory_space<vmem>>) dst(%dma_wait3A_85 : memref<10240x128xf32, #tpu.memory_space<vmem_shared>>)
          tpu.yield
        }) : () -> ()
      }
      %scan3A_37 = arith.constant 20 : i32
    }
    %scan3A_9 = arith.constant 2 : i32
    %barrier3A_10 = arith.constant 0 : index
    tpu.barrier barrier_id(%barrier3A_10)
    %mul3A_11 = arith.constant 624 : i32
    %mul3A_12 = arith.muli %arg1, %mul3A_11 : i32
    %mul3A_13 = arith.constant 624 : i32
    %mul3A_14 = arith.muli %arg1, %mul3A_13 : i32
    "tpu.region"() ({
      %run_scoped3A = tpu.sem_alloc : memref<!tpu.dma_semaphore, #tpu.memory_space<semaphore_mem>>
      %dma_start3A = arith.constant 0 : i32
      %dma_start3A_17 = tpu.memref_slice %arg6[%arg0, %mul3A_14, %dma_start3A] : memref<2x10000x128xf32, #tpu.memory_space<hbm>> -> memref<1x624x128xf32, #tpu.memory_space<hbm>>
      %dma_start3A_18 = tpu.memref_squeeze %dma_start3A_17 : memref<1x624x128xf32, #tpu.memory_space<hbm>> -> memref<624x128xf32, #tpu.memory_space<hbm>>
      %dma_start3A_19 = arith.constant 0 : i32
      %dma_start3A_20 = tpu.memref_slice %arg11[%mul3A_12, %dma_start3A_19] : memref<10240x128xf32, #tpu.memory_space<vmem_shared>> -> memref<624x128xf32, #tpu.memory_space<vmem_shared>>
      tpu.enqueue_dma source(%dma_start3A_20 : memref<624x128xf32, #tpu.memory_space<vmem_shared>>) target(%dma_start3A_18 : memref<624x128xf32, #tpu.memory_space<hbm>>) target_semaphore(%run_scoped3A : memref<!tpu.dma_semaphore, #tpu.memory_space<semaphore_mem>>)
      %dma_wait3A = arith.constant 0 : i32
      %dma_wait3A_21 = tpu.memref_slice %arg6[%arg0, %mul3A_14, %dma_wait3A] : memref<2x10000x128xf32, #tpu.memory_space<hbm>> -> memref<1x624x128xf32, #tpu.memory_space<hbm>>
      %dma_wait3A_22 = tpu.memref_squeeze %dma_wait3A_21 : memref<1x624x128xf32, #tpu.memory_space<hbm>> -> memref<624x128xf32, #tpu.memory_space<hbm>>
      %dma_wait3A_23 = arith.constant 0 : i32
      %dma_wait3A_24 = tpu.memref_slice %arg11[%mul3A_12, %dma_wait3A_23] : memref<10240x128xf32, #tpu.memory_space<vmem_shared>> -> memref<624x128xf32, #tpu.memory_space<vmem_shared>>
      tpu.wait_dma2 semaphore(%run_scoped3A : memref<!tpu.dma_semaphore, #tpu.memory_space<semaphore_mem>>) src(%dma_wait3A_24 : memref<624x128xf32, #tpu.memory_space<vmem_shared>>) dst(%dma_wait3A_22 : memref<624x128xf32, #tpu.memory_space<hbm>>)
      tpu.yield
    }) : () -> ()
    %eq3A = arith.constant 15 : i32
    %eq3A_15 = arith.cmpi eq, %arg1, %eq3A : i32
    %convert_element_type3A = arith.extui %eq3A_15 : i1 to i32
    %cond3A = arith.constant 0 : i32
    %cond3A_16 = arith.cmpi ne, %convert_element_type3A, %cond3A : i32
    scf.if %cond3A_16 {
      "tpu.region"() ({
        %run_scoped3A = tpu.sem_alloc : memref<!tpu.dma_semaphore, #tpu.memory_space<semaphore_mem>>
        %dma_start3A = arith.constant 9984 : i32
        %dma_start3A_17 = arith.constant 0 : i32
        %dma_start3A_18 = tpu.memref_slice %arg6[%arg0, %dma_start3A, %dma_start3A_17] : memref<2x10000x128xf32, #tpu.memory_space<hbm>> -> memref<1x16x128xf32, #tpu.memory_space<hbm>>
        %dma_start3A_19 = tpu.memref_squeeze %dma_start3A_18 : memref<1x16x128xf32, #tpu.memory_space<hbm>> -> memref<16x128xf32, #tpu.memory_space<hbm>>
        %dma_start3A_20 = arith.constant 9984 : i32
        %dma_start3A_21 = arith.constant 0 : i32
        %dma_start3A_22 = tpu.memref_slice %arg11[%dma_start3A_20, %dma_start3A_21] : memref<10240x128xf32, #tpu.memory_space<vmem_shared>> -> memref<16x128xf32, #tpu.memory_space<vmem_shared>>
        tpu.enqueue_dma source(%dma_start3A_22 : memref<16x128xf32, #tpu.memory_space<vmem_shared>>) target(%dma_start3A_19 : memref<16x128xf32, #tpu.memory_space<hbm>>) target_semaphore(%run_scoped3A : memref<!tpu.dma_semaphore, #tpu.memory_space<semaphore_mem>>)
        %dma_wait3A = arith.constant 9984 : i32
        %dma_wait3A_23 = arith.constant 0 : i32
        %dma_wait3A_24 = tpu.memref_slice %arg6[%arg0, %dma_wait3A, %dma_wait3A_23] : memref<2x10000x128xf32, #tpu.memory_space<hbm>> -> memref<1x16x128xf32, #tpu.memory_space<hbm>>
        %dma_wait3A_25 = tpu.memref_squeeze %dma_wait3A_24 : memref<1x16x128xf32, #tpu.memory_space<hbm>> -> memref<16x128xf32, #tpu.memory_space<hbm>>
        %dma_wait3A_26 = arith.constant 9984 : i32
        %dma_wait3A_27 = arith.constant 0 : i32
        %dma_wait3A_28 = tpu.memref_slice %arg11[%dma_wait3A_26, %dma_wait3A_27] : memref<10240x128xf32, #tpu.memory_space<vmem_shared>> -> memref<16x128xf32, #tpu.memory_space<vmem_shared>>
        tpu.wait_dma2 semaphore(%run_scoped3A : memref<!tpu.dma_semaphore, #tpu.memory_space<semaphore_mem>>) src(%dma_wait3A_28 : memref<16x128xf32, #tpu.memory_space<vmem_shared>>) dst(%dma_wait3A_25 : memref<16x128xf32, #tpu.memory_space<hbm>>)
        tpu.yield
      }) : () -> ()
    } else {
    }
    return
  }
}

#map = affine_map<(d0, d1) -> (0, 0)>
#map1 = affine_map<(d0, d1) -> (0, 0, 0)>
module attributes {stable_mosaic.version = 14 : i64} {
  func.func @k(%arg0: i32, %arg1: i32, %arg2: memref<10000x128xf32, #tpu.memory_space<hbm>>, %arg3: memref<2560x128xi32, #tpu.memory_space<hbm>>, %arg4: memref<2560x128xi32, #tpu.memory_space<hbm>>, %arg5: memref<128x128xf32, #tpu.memory_space<hbm>>, %arg6: memref<2x10000x128xf32, #tpu.memory_space<hbm>>, %arg7: memref<40x128xi32, #tpu.memory_space<vmem>>, %arg8: memref<40x128xi32, #tpu.memory_space<vmem>>, %arg9: memref<128x128xf32, #tpu.memory_space<vmem>>, %arg10: memref<128x128xf32, #tpu.memory_space<vmem>>, %arg11: memref<10240x128xf32, #tpu.memory_space<vmem_shared>>, %arg12: memref<!tpu.dma_semaphore, #tpu.memory_space<semaphore_mem>>, %arg13: memref<!tpu.dma_semaphore, #tpu.memory_space<semaphore_mem>>) attributes {dimension_semantics = [#tpu.dimension_semantics<core_parallel>, #tpu.dimension_semantics<subcore_parallel>], iteration_bounds = array<i64: 2, 16>, scalar_prefetch = 0 : i64, scratch_operands = 7 : i64, tpu.core_type = #tpu.core_type<sc_vector_subcore>, window_params = [{transform_indices = #map}, {transform_indices = #map}, {transform_indices = #map}, {transform_indices = #map}, {transform_indices = #map1}]} {
    %mul3A = arith.constant 16 : i32
    %mul3A_0 = arith.muli %arg0, %mul3A : i32
    %add3A = arith.addi %mul3A_0, %arg1 : i32
    %scan3A = arith.constant 0 : i32
    %scan3A_1 = arith.constant 5 : i32
    %scan3A_2 = arith.addi %scan3A, %scan3A_1 : i32
    %scan3A_3 = arith.constant 1 : i32
    scf.for %scan3A_17 = %scan3A to %scan3A_2 step %scan3A_3  : i32 {
      %mul3A_18 = arith.constant 1 : i32
      %mul3A_19 = arith.muli %scan3A_17, %mul3A_18 : i32
      %add3A_20 = arith.constant 0 : i32
      %add3A_21 = arith.addi %add3A_20, %mul3A_19 : i32
      %mul3A_22 = arith.constant 640 : i32
      %mul3A_23 = arith.muli %arg1, %mul3A_22 : i32
      %mul3A_24 = arith.constant 128 : i32
      %mul3A_25 = arith.muli %add3A_21, %mul3A_24 : i32
      %add3A_26 = arith.addi %mul3A_23, %mul3A_25 : i32
      "tpu.region"() ({
        %run_scoped3A = tpu.sem_alloc : memref<!tpu.dma_semaphore, #tpu.memory_space<semaphore_mem>>
        %dma_start3A = arith.constant 0 : i32
        %dma_start3A_27 = tpu.memref_slice %arg11[%add3A_26, %dma_start3A] : memref<10240x128xf32, #tpu.memory_space<vmem_shared>> -> memref<128x128xf32, #tpu.memory_space<vmem_shared>>
        tpu.enqueue_dma source(%arg5 : memref<128x128xf32, #tpu.memory_space<hbm>>) target(%dma_start3A_27 : memref<128x128xf32, #tpu.memory_space<vmem_shared>>) target_semaphore(%run_scoped3A : memref<!tpu.dma_semaphore, #tpu.memory_space<semaphore_mem>>)
        %dma_wait3A = arith.constant 0 : i32
        %dma_wait3A_28 = tpu.memref_slice %arg11[%add3A_26, %dma_wait3A] : memref<10240x128xf32, #tpu.memory_space<vmem_shared>> -> memref<128x128xf32, #tpu.memory_space<vmem_shared>>
        tpu.wait_dma2 semaphore(%run_scoped3A : memref<!tpu.dma_semaphore, #tpu.memory_space<semaphore_mem>>) src(%arg5 : memref<128x128xf32, #tpu.memory_space<hbm>>) dst(%dma_wait3A_28 : memref<128x128xf32, #tpu.memory_space<vmem_shared>>)
        tpu.yield
      }) : () -> ()
    }
    %scan3A_4 = arith.constant 5 : i32
    %barrier3A = arith.constant 0 : index
    tpu.barrier barrier_id(%barrier3A)
    %scan3A_5 = arith.constant 0 : i32
    %scan3A_6 = arith.constant 2 : i32
    %scan3A_7 = arith.addi %scan3A_5, %scan3A_6 : i32
    %scan3A_8 = arith.constant 1 : i32
    scf.for %scan3A_17 = %scan3A_5 to %scan3A_7 step %scan3A_8  : i32 {
      %mul3A_18 = arith.constant 1 : i32
      %mul3A_19 = arith.muli %scan3A_17, %mul3A_18 : i32
      %add3A_20 = arith.constant 0 : i32
      %add3A_21 = arith.addi %add3A_20, %mul3A_19 : i32
      %mul3A_22 = arith.constant 80 : i32
      %mul3A_23 = arith.muli %add3A, %mul3A_22 : i32
      %mul3A_24 = arith.constant 40 : i32
      %mul3A_25 = arith.muli %add3A_21, %mul3A_24 : i32
      %add3A_26 = arith.addi %mul3A_23, %mul3A_25 : i32
      "tpu.region"() ({
        %run_scoped3A = tpu.sem_alloc : memref<!tpu.dma_semaphore, #tpu.memory_space<semaphore_mem>>
        %dma_start3A_38 = arith.constant 0 : i32
        %dma_start3A_39 = tpu.memref_slice %arg3[%add3A_26, %dma_start3A_38] : memref<2560x128xi32, #tpu.memory_space<hbm>> -> memref<40x128xi32, #tpu.memory_space<hbm>>
        %dma_start3A_40 = arith.constant 0 : i32
        %dma_start3A_41 = tpu.memref_slice %arg3[%add3A_26, %dma_start3A_40] : memref<2560x128xi32, #tpu.memory_space<hbm>> -> memref<40x128xi32, #tpu.memory_space<hbm>>
        tpu.enqueue_dma source(%dma_start3A_41 : memref<40x128xi32, #tpu.memory_space<hbm>>) target(%arg7 : memref<40x128xi32, #tpu.memory_space<vmem>>) target_semaphore(%run_scoped3A : memref<!tpu.dma_semaphore, #tpu.memory_space<semaphore_mem>>)
        %dma_wait3A = arith.constant 0 : i32
        %dma_wait3A_42 = tpu.memref_slice %arg3[%add3A_26, %dma_wait3A] : memref<2560x128xi32, #tpu.memory_space<hbm>> -> memref<40x128xi32, #tpu.memory_space<hbm>>
        %dma_wait3A_43 = arith.constant 0 : i32
        %dma_wait3A_44 = tpu.memref_slice %arg3[%add3A_26, %dma_wait3A_43] : memref<2560x128xi32, #tpu.memory_space<hbm>> -> memref<40x128xi32, #tpu.memory_space<hbm>>
        tpu.wait_dma2 semaphore(%run_scoped3A : memref<!tpu.dma_semaphore, #tpu.memory_space<semaphore_mem>>) src(%dma_wait3A_44 : memref<40x128xi32, #tpu.memory_space<hbm>>) dst(%arg7 : memref<40x128xi32, #tpu.memory_space<vmem>>)
        tpu.yield
      }) : () -> ()
      "tpu.region"() ({
        %run_scoped3A = tpu.sem_alloc : memref<!tpu.dma_semaphore, #tpu.memory_space<semaphore_mem>>
        %dma_start3A_38 = arith.constant 0 : i32
        %dma_start3A_39 = tpu.memref_slice %arg4[%add3A_26, %dma_start3A_38] : memref<2560x128xi32, #tpu.memory_space<hbm>> -> memref<40x128xi32, #tpu.memory_space<hbm>>
        %dma_start3A_40 = arith.constant 0 : i32
        %dma_start3A_41 = tpu.memref_slice %arg4[%add3A_26, %dma_start3A_40] : memref<2560x128xi32, #tpu.memory_space<hbm>> -> memref<40x128xi32, #tpu.memory_space<hbm>>
        tpu.enqueue_dma source(%dma_start3A_41 : memref<40x128xi32, #tpu.memory_space<hbm>>) target(%arg8 : memref<40x128xi32, #tpu.memory_space<vmem>>) target_semaphore(%run_scoped3A : memref<!tpu.dma_semaphore, #tpu.memory_space<semaphore_mem>>)
        %dma_wait3A = arith.constant 0 : i32
        %dma_wait3A_42 = tpu.memref_slice %arg4[%add3A_26, %dma_wait3A] : memref<2560x128xi32, #tpu.memory_space<hbm>> -> memref<40x128xi32, #tpu.memory_space<hbm>>
        %dma_wait3A_43 = arith.constant 0 : i32
        %dma_wait3A_44 = tpu.memref_slice %arg4[%add3A_26, %dma_wait3A_43] : memref<2560x128xi32, #tpu.memory_space<hbm>> -> memref<40x128xi32, #tpu.memory_space<hbm>>
        tpu.wait_dma2 semaphore(%run_scoped3A : memref<!tpu.dma_semaphore, #tpu.memory_space<semaphore_mem>>) src(%dma_wait3A_44 : memref<40x128xi32, #tpu.memory_space<hbm>>) dst(%arg8 : memref<40x128xi32, #tpu.memory_space<vmem>>)
        tpu.yield
      }) : () -> ()
      %dma_start3A = arith.constant 0 : i32
      %dma_start3A_27 = arith.constant 0 : i32
      %dma_start3A_28 = tpu.memref_slice %arg7[%dma_start3A, %dma_start3A_27] : memref<40x128xi32, #tpu.memory_space<vmem>> -> memref<1x128xi32, #tpu.memory_space<vmem>>
      %dma_start3A_29 = tpu.memref_squeeze %dma_start3A_28 : memref<1x128xi32, #tpu.memory_space<vmem>> -> memref<128xi32, #tpu.memory_space<vmem>>
      %dma_start3A_30 = arith.constant 0 : i32
      %dma_start3A_31 = arith.constant 0 : i32
      %dma_start3A_32 = tpu.memref_slice %arg2[%dma_start3A_30, %dma_start3A_31] : memref<10000x128xf32, #tpu.memory_space<hbm>> -> memref<10000x128xf32, #tpu.memory_space<hbm>>
      tpu.enqueue_indirect_dma source(%dma_start3A_32 : memref<10000x128xf32, #tpu.memory_space<hbm>>) target(%arg9 : memref<128x128xf32, #tpu.memory_space<vmem>>) offsets(%dma_start3A_29 : memref<128xi32, #tpu.memory_space<vmem>>) semaphore(%arg12 : memref<!tpu.dma_semaphore, #tpu.memory_space<semaphore_mem>>)
      %scan3A_33 = arith.constant 0 : i32
      %scan3A_34 = arith.constant 20 : i32
      %scan3A_35 = arith.addi %scan3A_33, %scan3A_34 : i32
      %scan3A_36 = arith.constant 1 : i32
      scf.for %scan3A_38 = %scan3A_33 to %scan3A_35 step %scan3A_36  : i32 {
        %mul3A_39 = arith.constant 1 : i32
        %mul3A_40 = arith.muli %scan3A_38, %mul3A_39 : i32
        %add3A_41 = arith.constant 0 : i32
        %add3A_42 = arith.addi %add3A_41, %mul3A_40 : i32
        %mul3A_43 = arith.constant 2 : i32
        %mul3A_44 = arith.muli %mul3A_43, %add3A_42 : i32
        %dma_wait3A = arith.constant 0 : i32
        %dma_wait3A_45 = tpu.memref_slice %arg7[%mul3A_44, %dma_wait3A] : memref<40x128xi32, #tpu.memory_space<vmem>> -> memref<1x128xi32, #tpu.memory_space<vmem>>
        %dma_wait3A_46 = tpu.memref_squeeze %dma_wait3A_45 : memref<1x128xi32, #tpu.memory_space<vmem>> -> memref<128xi32, #tpu.memory_space<vmem>>
        %dma_wait3A_47 = arith.constant 0 : i32
        %dma_wait3A_48 = arith.constant 0 : i32
        %dma_wait3A_49 = tpu.memref_slice %arg2[%dma_wait3A_47, %dma_wait3A_48] : memref<10000x128xf32, #tpu.memory_space<hbm>> -> memref<10000x128xf32, #tpu.memory_space<hbm>>
        tpu.wait_indirect_dma semaphore(%arg12 : memref<!tpu.dma_semaphore, #tpu.memory_space<semaphore_mem>>) src(%dma_wait3A_49 : memref<10000x128xf32, #tpu.memory_space<hbm>>) dst(%arg9 : memref<128x128xf32, #tpu.memory_space<vmem>>)
        %add3A_50 = arith.constant 1 : i32
        %add3A_51 = arith.addi %mul3A_44, %add3A_50 : i32
        %dma_start3A_52 = arith.constant 0 : i32
        %dma_start3A_53 = tpu.memref_slice %arg7[%add3A_51, %dma_start3A_52] : memref<40x128xi32, #tpu.memory_space<vmem>> -> memref<1x128xi32, #tpu.memory_space<vmem>>
        %dma_start3A_54 = tpu.memref_squeeze %dma_start3A_53 : memref<1x128xi32, #tpu.memory_space<vmem>> -> memref<128xi32, #tpu.memory_space<vmem>>
        %dma_start3A_55 = arith.constant 0 : i32
        %dma_start3A_56 = arith.constant 0 : i32
        %dma_start3A_57 = tpu.memref_slice %arg2[%dma_start3A_55, %dma_start3A_56] : memref<10000x128xf32, #tpu.memory_space<hbm>> -> memref<10000x128xf32, #tpu.memory_space<hbm>>
        tpu.enqueue_indirect_dma source(%dma_start3A_57 : memref<10000x128xf32, #tpu.memory_space<hbm>>) target(%arg10 : memref<128x128xf32, #tpu.memory_space<vmem>>) offsets(%dma_start3A_54 : memref<128xi32, #tpu.memory_space<vmem>>) semaphore(%arg13 : memref<!tpu.dma_semaphore, #tpu.memory_space<semaphore_mem>>)
        "tpu.region"() ({
          %run_scoped3A = tpu.sem_alloc : memref<!tpu.dma_semaphore, #tpu.memory_space<semaphore_mem>>
          %dma_start3A_74 = arith.constant 0 : i32
          %dma_start3A_75 = tpu.memref_slice %arg8[%mul3A_44, %dma_start3A_74] : memref<40x128xi32, #tpu.memory_space<vmem>> -> memref<1x128xi32, #tpu.memory_space<vmem>>
          %dma_start3A_76 = tpu.memref_squeeze %dma_start3A_75 : memref<1x128xi32, #tpu.memory_space<vmem>> -> memref<128xi32, #tpu.memory_space<vmem>>
          %dma_start3A_77 = arith.constant 0 : i32
          %dma_start3A_78 = arith.constant 0 : i32
          %dma_start3A_79 = tpu.memref_slice %arg11[%dma_start3A_77, %dma_start3A_78] : memref<10240x128xf32, #tpu.memory_space<vmem_shared>> -> memref<10240x128xf32, #tpu.memory_space<vmem_shared>>
          tpu.enqueue_indirect_dma source(%arg9 : memref<128x128xf32, #tpu.memory_space<vmem>>) target(%dma_start3A_79 : memref<10240x128xf32, #tpu.memory_space<vmem_shared>>) offsets(%dma_start3A_76 : memref<128xi32, #tpu.memory_space<vmem>>) semaphore(%run_scoped3A : memref<!tpu.dma_semaphore, #tpu.memory_space<semaphore_mem>>) {add = true}
          %dma_wait3A_80 = arith.constant 0 : i32
          %dma_wait3A_81 = tpu.memref_slice %arg8[%mul3A_44, %dma_wait3A_80] : memref<40x128xi32, #tpu.memory_space<vmem>> -> memref<1x128xi32, #tpu.memory_space<vmem>>
          %dma_wait3A_82 = tpu.memref_squeeze %dma_wait3A_81 : memref<1x128xi32, #tpu.memory_space<vmem>> -> memref<128xi32, #tpu.memory_space<vmem>>
          %dma_wait3A_83 = arith.constant 0 : i32
          %dma_wait3A_84 = arith.constant 0 : i32
          %dma_wait3A_85 = tpu.memref_slice %arg11[%dma_wait3A_83, %dma_wait3A_84] : memref<10240x128xf32, #tpu.memory_space<vmem_shared>> -> memref<10240x128xf32, #tpu.memory_space<vmem_shared>>
          tpu.wait_indirect_dma semaphore(%run_scoped3A : memref<!tpu.dma_semaphore, #tpu.memory_space<semaphore_mem>>) src(%arg9 : memref<128x128xf32, #tpu.memory_space<vmem>>) dst(%dma_wait3A_85 : memref<10240x128xf32, #tpu.memory_space<vmem_shared>>)
          tpu.yield
        }) : () -> ()
        %add3A_58 = arith.constant 1 : i32
        %add3A_59 = arith.addi %mul3A_44, %add3A_58 : i32
        %dma_wait3A_60 = arith.constant 0 : i32
        %dma_wait3A_61 = tpu.memref_slice %arg7[%add3A_59, %dma_wait3A_60] : memref<40x128xi32, #tpu.memory_space<vmem>> -> memref<1x128xi32, #tpu.memory_space<vmem>>
        %dma_wait3A_62 = tpu.memref_squeeze %dma_wait3A_61 : memref<1x128xi32, #tpu.memory_space<vmem>> -> memref<128xi32, #tpu.memory_space<vmem>>
        %dma_wait3A_63 = arith.constant 0 : i32
        %dma_wait3A_64 = arith.constant 0 : i32
        %dma_wait3A_65 = tpu.memref_slice %arg2[%dma_wait3A_63, %dma_wait3A_64] : memref<10000x128xf32, #tpu.memory_space<hbm>> -> memref<10000x128xf32, #tpu.memory_space<hbm>>
        tpu.wait_indirect_dma semaphore(%arg13 : memref<!tpu.dma_semaphore, #tpu.memory_space<semaphore_mem>>) src(%dma_wait3A_65 : memref<10000x128xf32, #tpu.memory_space<hbm>>) dst(%arg10 : memref<128x128xf32, #tpu.memory_space<vmem>>)
        %add3A_66 = arith.constant 2 : i32
        %add3A_67 = arith.addi %mul3A_44, %add3A_66 : i32
        %lt3A = arith.constant 40 : i32
        %lt3A_68 = arith.cmpi slt, %add3A_67, %lt3A : i32
        %convert_element_type3A_69 = arith.extui %lt3A_68 : i1 to i32
        %cond3A_70 = arith.constant 0 : i32
        %cond3A_71 = arith.cmpi ne, %convert_element_type3A_69, %cond3A_70 : i32
        scf.if %cond3A_71 {
          %add3A_74 = arith.constant 2 : i32
          %add3A_75 = arith.addi %mul3A_44, %add3A_74 : i32
          %dma_start3A_76 = arith.constant 0 : i32
          %dma_start3A_77 = tpu.memref_slice %arg7[%add3A_75, %dma_start3A_76] : memref<40x128xi32, #tpu.memory_space<vmem>> -> memref<1x128xi32, #tpu.memory_space<vmem>>
          %dma_start3A_78 = tpu.memref_squeeze %dma_start3A_77 : memref<1x128xi32, #tpu.memory_space<vmem>> -> memref<128xi32, #tpu.memory_space<vmem>>
          %dma_start3A_79 = arith.constant 0 : i32
          %dma_start3A_80 = arith.constant 0 : i32
          %dma_start3A_81 = tpu.memref_slice %arg2[%dma_start3A_79, %dma_start3A_80] : memref<10000x128xf32, #tpu.memory_space<hbm>> -> memref<10000x128xf32, #tpu.memory_space<hbm>>
          tpu.enqueue_indirect_dma source(%dma_start3A_81 : memref<10000x128xf32, #tpu.memory_space<hbm>>) target(%arg9 : memref<128x128xf32, #tpu.memory_space<vmem>>) offsets(%dma_start3A_78 : memref<128xi32, #tpu.memory_space<vmem>>) semaphore(%arg12 : memref<!tpu.dma_semaphore, #tpu.memory_space<semaphore_mem>>)
        } else {
        }
        %add3A_72 = arith.constant 1 : i32
        %add3A_73 = arith.addi %mul3A_44, %add3A_72 : i32
        "tpu.region"() ({
          %run_scoped3A = tpu.sem_alloc : memref<!tpu.dma_semaphore, #tpu.memory_space<semaphore_mem>>
          %dma_start3A_74 = arith.constant 0 : i32
          %dma_start3A_75 = tpu.memref_slice %arg8[%add3A_73, %dma_start3A_74] : memref<40x128xi32, #tpu.memory_space<vmem>> -> memref<1x128xi32, #tpu.memory_space<vmem>>
          %dma_start3A_76 = tpu.memref_squeeze %dma_start3A_75 : memref<1x128xi32, #tpu.memory_space<vmem>> -> memref<128xi32, #tpu.memory_space<vmem>>
          %dma_start3A_77 = arith.constant 0 : i32
          %dma_start3A_78 = arith.constant 0 : i32
          %dma_start3A_79 = tpu.memref_slice %arg11[%dma_start3A_77, %dma_start3A_78] : memref<10240x128xf32, #tpu.memory_space<vmem_shared>> -> memref<10240x128xf32, #tpu.memory_space<vmem_shared>>
          tpu.enqueue_indirect_dma source(%arg10 : memref<128x128xf32, #tpu.memory_space<vmem>>) target(%dma_start3A_79 : memref<10240x128xf32, #tpu.memory_space<vmem_shared>>) offsets(%dma_start3A_76 : memref<128xi32, #tpu.memory_space<vmem>>) semaphore(%run_scoped3A : memref<!tpu.dma_semaphore, #tpu.memory_space<semaphore_mem>>) {add = true}
          %dma_wait3A_80 = arith.constant 0 : i32
          %dma_wait3A_81 = tpu.memref_slice %arg8[%add3A_73, %dma_wait3A_80] : memref<40x128xi32, #tpu.memory_space<vmem>> -> memref<1x128xi32, #tpu.memory_space<vmem>>
          %dma_wait3A_82 = tpu.memref_squeeze %dma_wait3A_81 : memref<1x128xi32, #tpu.memory_space<vmem>> -> memref<128xi32, #tpu.memory_space<vmem>>
          %dma_wait3A_83 = arith.constant 0 : i32
          %dma_wait3A_84 = arith.constant 0 : i32
          %dma_wait3A_85 = tpu.memref_slice %arg11[%dma_wait3A_83, %dma_wait3A_84] : memref<10240x128xf32, #tpu.memory_space<vmem_shared>> -> memref<10240x128xf32, #tpu.memory_space<vmem_shared>>
          tpu.wait_indirect_dma semaphore(%run_scoped3A : memref<!tpu.dma_semaphore, #tpu.memory_space<semaphore_mem>>) src(%arg10 : memref<128x128xf32, #tpu.memory_space<vmem>>) dst(%dma_wait3A_85 : memref<10240x128xf32, #tpu.memory_space<vmem_shared>>)
          tpu.yield
        }) : () -> ()
      }
      %scan3A_37 = arith.constant 20 : i32
    }
    %scan3A_9 = arith.constant 2 : i32
    %barrier3A_10 = arith.constant 0 : index
    tpu.barrier barrier_id(%barrier3A_10)
    %mul3A_11 = arith.constant 624 : i32
    %mul3A_12 = arith.muli %arg1, %mul3A_11 : i32
    %mul3A_13 = arith.constant 624 : i32
    %mul3A_14 = arith.muli %arg1, %mul3A_13 : i32
    "tpu.region"() ({
      %run_scoped3A = tpu.sem_alloc : memref<!tpu.dma_semaphore, #tpu.memory_space<semaphore_mem>>
      %dma_start3A = arith.constant 0 : i32
      %dma_start3A_17 = tpu.memref_slice %arg6[%arg0, %mul3A_14, %dma_start3A] : memref<2x10000x128xf32, #tpu.memory_space<hbm>> -> memref<1x624x128xf32, #tpu.memory_space<hbm>>
      %dma_start3A_18 = tpu.memref_squeeze %dma_start3A_17 : memref<1x624x128xf32, #tpu.memory_space<hbm>> -> memref<624x128xf32, #tpu.memory_space<hbm>>
      %dma_start3A_19 = arith.constant 0 : i32
      %dma_start3A_20 = tpu.memref_slice %arg11[%mul3A_12, %dma_start3A_19] : memref<10240x128xf32, #tpu.memory_space<vmem_shared>> -> memref<624x128xf32, #tpu.memory_space<vmem_shared>>
      tpu.enqueue_dma source(%dma_start3A_20 : memref<624x128xf32, #tpu.memory_space<vmem_shared>>) target(%dma_start3A_18 : memref<624x128xf32, #tpu.memory_space<hbm>>) target_semaphore(%run_scoped3A : memref<!tpu.dma_semaphore, #tpu.memory_space<semaphore_mem>>)
      %dma_wait3A = arith.constant 0 : i32
      %dma_wait3A_21 = tpu.memref_slice %arg6[%arg0, %mul3A_14, %dma_wait3A] : memref<2x10000x128xf32, #tpu.memory_space<hbm>> -> memref<1x624x128xf32, #tpu.memory_space<hbm>>
      %dma_wait3A_22 = tpu.memref_squeeze %dma_wait3A_21 : memref<1x624x128xf32, #tpu.memory_space<hbm>> -> memref<624x128xf32, #tpu.memory_space<hbm>>
      %dma_wait3A_23 = arith.constant 0 : i32
      %dma_wait3A_24 = tpu.memref_slice %arg11[%mul3A_12, %dma_wait3A_23] : memref<10240x128xf32, #tpu.memory_space<vmem_shared>> -> memref<624x128xf32, #tpu.memory_space<vmem_shared>>
      tpu.wait_dma2 semaphore(%run_scoped3A : memref<!tpu.dma_semaphore, #tpu.memory_space<semaphore_mem>>) src(%dma_wait3A_24 : memref<624x128xf32, #tpu.memory_space<vmem_shared>>) dst(%dma_wait3A_22 : memref<624x128xf32, #tpu.memory_space<hbm>>)
      tpu.yield
    }) : () -> ()
    %eq3A = arith.constant 15 : i32
    %eq3A_15 = arith.cmpi eq, %arg1, %eq3A : i32
    %convert_element_type3A = arith.extui %eq3A_15 : i1 to i32
    %cond3A = arith.constant 0 : i32
    %cond3A_16 = arith.cmpi ne, %convert_element_type3A, %cond3A : i32
    scf.if %cond3A_16 {
      "tpu.region"() ({
        %run_scoped3A = tpu.sem_alloc : memref<!tpu.dma_semaphore, #tpu.memory_space<semaphore_mem>>
        %dma_start3A = arith.constant 9984 : i32
        %dma_start3A_17 = arith.constant 0 : i32
        %dma_start3A_18 = tpu.memref_slice %arg6[%arg0, %dma_start3A, %dma_start3A_17] : memref<2x10000x128xf32, #tpu.memory_space<hbm>> -> memref<1x16x128xf32, #tpu.memory_space<hbm>>
        %dma_start3A_19 = tpu.memref_squeeze %dma_start3A_18 : memref<1x16x128xf32, #tpu.memory_space<hbm>> -> memref<16x128xf32, #tpu.memory_space<hbm>>
        %dma_start3A_20 = arith.constant 9984 : i32
        %dma_start3A_21 = arith.constant 0 : i32
        %dma_start3A_22 = tpu.memref_slice %arg11[%dma_start3A_20, %dma_start3A_21] : memref<10240x128xf32, #tpu.memory_space<vmem_shared>> -> memref<16x128xf32, #tpu.memory_space<vmem_shared>>
        tpu.enqueue_dma source(%dma_start3A_22 : memref<16x128xf32, #tpu.memory_space<vmem_shared>>) target(%dma_start3A_19 : memref<16x128xf32, #tpu.memory_space<hbm>>) target_semaphore(%run_scoped3A : memref<!tpu.dma_semaphore, #tpu.memory_space<semaphore_mem>>)
        %dma_wait3A = arith.constant 9984 : i32
        %dma_wait3A_23 = arith.constant 0 : i32
        %dma_wait3A_24 = tpu.memref_slice %arg6[%arg0, %dma_wait3A, %dma_wait3A_23] : memref<2x10000x128xf32, #tpu.memory_space<hbm>> -> memref<1x16x128xf32, #tpu.memory_space<hbm>>
        %dma_wait3A_25 = tpu.memref_squeeze %dma_wait3A_24 : memref<1x16x128xf32, #tpu.memory_space<hbm>> -> memref<16x128xf32, #tpu.memory_space<hbm>>
        %dma_wait3A_26 = arith.constant 9984 : i32
        %dma_wait3A_27 = arith.constant 0 : i32
        %dma_wait3A_28 = tpu.memref_slice %arg11[%dma_wait3A_26, %dma_wait3A_27] : memref<10240x128xf32, #tpu.memory_space<vmem_shared>> -> memref<16x128xf32, #tpu.memory_space<vmem_shared>>
        tpu.wait_dma2 semaphore(%run_scoped3A : memref<!tpu.dma_semaphore, #tpu.memory_space<semaphore_mem>>) src(%dma_wait3A_28 : memref<16x128xf32, #tpu.memory_space<vmem_shared>>) dst(%dma_wait3A_25 : memref<16x128xf32, #tpu.memory_space<hbm>>)
        tpu.yield
      }) : () -> ()
    } else {
    }
    return
  }
}

module attributes {stable_mosaic.version = 14 : i64} {
  func.func @_mlp_body(%arg0: memref<10000x128xf32, #tpu.memory_space<vmem>>, %arg1: memref<10000x128xf32, #tpu.memory_space<vmem>>, %arg2: memref<10000x128xf32, #tpu.memory_space<vmem>>, %arg3: memref<1x1xf32, #tpu.memory_space<vmem>>, %arg4: memref<128x256xf32, #tpu.memory_space<vmem>>, %arg5: memref<1x256xf32, #tpu.memory_space<vmem>>, %arg6: memref<1x256xf32, #tpu.memory_space<vmem>>, %arg7: memref<1x256xf32, #tpu.memory_space<vmem>>, %arg8: memref<256x128xf32, #tpu.memory_space<vmem>>, %arg9: memref<1x128xf32, #tpu.memory_space<vmem>>, %arg10: memref<1x128xf32, #tpu.memory_space<vmem>>, %arg11: memref<1x128xf32, #tpu.memory_space<vmem>>, %arg12: memref<10000x128xf32, #tpu.memory_space<vmem>>, %arg13: memref<10000x256xf32, #tpu.memory_space<vmem>>) attributes {dimension_semantics = [], scalar_prefetch = 0 : i64, scratch_operands = 1 : i64, tpu.core_type = #tpu.core_type<tc>} {
    %get3A = arith.constant 0 : index
    %get3A_0 = arith.constant 0 : index
    %get3A_1 = vector.load %arg3[%get3A, %get3A_0] : memref<1x1xf32, #tpu.memory_space<vmem>>, vector<1x1xf32>
    %get3A_2 = vector.extract %get3A_1[0, 0] : f32 from vector<1x1xf32>
    %add3A = arith.constant 1.000000e+00 : f32
    %add3A_3 = arith.addf %add3A, %get3A_2 : f32
    %get3A_4 = arith.constant 0 : index
    %get3A_5 = arith.constant 0 : index
    %get3A_6 = vector.load %arg0[%get3A_4, %get3A_5] : memref<10000x128xf32, #tpu.memory_space<vmem>>, vector<10000x128xf32>
    %mul3A = vector.broadcast %add3A_3 : f32 to vector<10000x128xf32>
    %mul3A_7 = arith.mulf %mul3A, %get3A_6 : vector<10000x128xf32>
    %get3A_8 = arith.constant 0 : index
    %get3A_9 = arith.constant 0 : index
    %get3A_10 = vector.load %arg1[%get3A_8, %get3A_9] : memref<10000x128xf32, #tpu.memory_space<vmem>>, vector<10000x128xf32>
    %add3A_11 = arith.addf %mul3A_7, %get3A_10 : vector<10000x128xf32>
    %get3A_12 = arith.constant 0 : index
    %get3A_13 = arith.constant 0 : index
    %get3A_14 = vector.load %arg2[%get3A_12, %get3A_13] : memref<10000x128xf32, #tpu.memory_space<vmem>>, vector<10000x128xf32>
    %add3A_15 = arith.addf %add3A_11, %get3A_14 : vector<10000x128xf32>
    %get3A_16 = arith.constant 0 : index
    %get3A_17 = arith.constant 0 : index
    %get3A_18 = vector.load %arg4[%get3A_16, %get3A_17] : memref<128x256xf32, #tpu.memory_space<vmem>>, vector<128x256xf32>
    %dot_general3A = arith.constant dense<0.000000e+00> : vector<10000x256xf32>
    %dot_general3A_19 = tpu.matmul %add3A_15, %get3A_18, %dot_general3A {dimension_numbers = #tpu.dot_dimension_numbers<[1], [0], [0], [1], [0, 0, 1, 1], [], []>, transpose_lhs_hint = false} : vector<10000x128xf32>, vector<128x256xf32>, vector<10000x256xf32> -> vector<10000x256xf32>
    %get3A_20 = arith.constant 0 : index
    %get3A_21 = arith.constant 0 : index
    %get3A_22 = vector.load %arg5[%get3A_20, %get3A_21] : memref<1x256xf32, #tpu.memory_space<vmem>>, vector<1x256xf32>
    %add3A_23 = vector.broadcast %get3A_22 : vector<1x256xf32> to vector<10000x256xf32>
    %add3A_24 = arith.addf %dot_general3A_19, %add3A_23 : vector<10000x256xf32>
    %swap3A = arith.constant 0 : index
    %swap3A_25 = arith.constant 0 : index
    %swap3A_26 = vector.load %arg13[%swap3A, %swap3A_25] : memref<10000x256xf32, #tpu.memory_space<vmem>>, vector<10000x256xf32>
    tpu.vector_store %arg13[%swap3A, %swap3A_25], %add3A_24 {strides = array<i32>} : memref<10000x256xf32, #tpu.memory_space<vmem>>, vector<10000x256xf32>,
    %broadcast_in_dim3A = arith.constant 0.000000e+00 : f32
    %broadcast_in_dim3A_27 = vector.broadcast %broadcast_in_dim3A : f32 to vector<8x256xf32>
    %scan3A = arith.constant 0 : i32
    %scan3A_28 = arith.constant 625 : i32
    %scan3A_29 = arith.addi %scan3A, %scan3A_28 : i32
    %scan3A_30 = arith.constant 1 : i32
    %scan3A_31 = scf.for %scan3A_234 = %scan3A to %scan3A_29 step %scan3A_30 iter_args(%scan3A_235 = %broadcast_in_dim3A_27) -> (vector<8x256xf32>)  : i32 {
      %mul3A_236 = arith.constant 8 : i32
      %mul3A_237 = arith.muli %scan3A_234, %mul3A_236 : i32
      %add3A_238 = arith.constant 0 : i32
      %add3A_239 = arith.addi %add3A_238, %mul3A_237 : i32
      %get3A_240 = arith.index_cast %add3A_239 : i32 to index
      %get3A_241 = arith.constant 0 : index
      %get3A_242 = vector.load %arg13[%get3A_240, %get3A_241] : memref<10000x256xf32, #tpu.memory_space<vmem>>, vector<8x256xf32>
      %add3A_243 = arith.addf %scan3A_235, %get3A_242 : vector<8x256xf32>
      scf.yield %add3A_243 : vector<8x256xf32>
    }
    %scan3A_32 = arith.constant 625 : i32
    %slice3A = vector.extract_strided_slice %scan3A_31 {offsets = [0, 0], sizes = [4, 256], strides = [1, 1]} : vector<8x256xf32> to vector<4x256xf32>
    %slice3A_33 = vector.extract_strided_slice %scan3A_31 {offsets = [4, 0], sizes = [4, 256], strides = [1, 1]} : vector<8x256xf32> to vector<4x256xf32>
    %add3A_34 = arith.addf %slice3A, %slice3A_33 : vector<4x256xf32>
    %slice3A_35 = vector.extract_strided_slice %add3A_34 {offsets = [0, 0], sizes = [2, 256], strides = [1, 1]} : vector<4x256xf32> to vector<2x256xf32>
    %slice3A_36 = vector.extract_strided_slice %add3A_34 {offsets = [2, 0], sizes = [2, 256], strides = [1, 1]} : vector<4x256xf32> to vector<2x256xf32>
    %add3A_37 = arith.addf %slice3A_35, %slice3A_36 : vector<2x256xf32>
    %slice3A_38 = vector.extract_strided_slice %add3A_37 {offsets = [0, 0], sizes = [1, 256], strides = [1, 1]} : vector<2x256xf32> to vector<1x256xf32>
    %slice3A_39 = vector.extract_strided_slice %add3A_37 {offsets = [1, 0], sizes = [1, 256], strides = [1, 1]} : vector<2x256xf32> to vector<1x256xf32>
    %add3A_40 = arith.addf %slice3A_38, %slice3A_39 : vector<1x256xf32>
    %broadcast_in_dim3A_41 = arith.constant 0.000000e+00 : f32
    %broadcast_in_dim3A_42 = vector.broadcast %broadcast_in_dim3A_41 : f32 to vector<8x256xf32>
    %scan3A_43 = arith.constant 0 : i32
    %scan3A_44 = arith.constant 625 : i32
    %scan3A_45 = arith.addi %scan3A_43, %scan3A_44 : i32
    %scan3A_46 = arith.constant 1 : i32
    %scan3A_47 = scf.for %scan3A_234 = %scan3A_43 to %scan3A_45 step %scan3A_46 iter_args(%scan3A_235 = %broadcast_in_dim3A_42) -> (vector<8x256xf32>)  : i32 {
      %mul3A_236 = arith.constant 8 : i32
      %mul3A_237 = arith.muli %scan3A_234, %mul3A_236 : i32
      %add3A_238 = arith.constant 5000 : i32
      %add3A_239 = arith.addi %add3A_238, %mul3A_237 : i32
      %get3A_240 = arith.index_cast %add3A_239 : i32 to index
      %get3A_241 = arith.constant 0 : index
      %get3A_242 = vector.load %arg13[%get3A_240, %get3A_241] : memref<10000x256xf32, #tpu.memory_space<vmem>>, vector<8x256xf32>
      %add3A_243 = arith.addf %scan3A_235, %get3A_242 : vector<8x256xf32>
      scf.yield %add3A_243 : vector<8x256xf32>
    }
    %scan3A_48 = arith.constant 625 : i32
    %slice3A_49 = vector.extract_strided_slice %scan3A_47 {offsets = [0, 0], sizes = [4, 256], strides = [1, 1]} : vector<8x256xf32> to vector<4x256xf32>
    %slice3A_50 = vector.extract_strided_slice %scan3A_47 {offsets = [4, 0], sizes = [4, 256], strides = [1, 1]} : vector<8x256xf32> to vector<4x256xf32>
    %add3A_51 = arith.addf %slice3A_49, %slice3A_50 : vector<4x256xf32>
    %slice3A_52 = vector.extract_strided_slice %add3A_51 {offsets = [0, 0], sizes = [2, 256], strides = [1, 1]} : vector<4x256xf32> to vector<2x256xf32>
    %slice3A_53 = vector.extract_strided_slice %add3A_51 {offsets = [2, 0], sizes = [2, 256], strides = [1, 1]} : vector<4x256xf32> to vector<2x256xf32>
    %add3A_54 = arith.addf %slice3A_52, %slice3A_53 : vector<2x256xf32>
    %slice3A_55 = vector.extract_strided_slice %add3A_54 {offsets = [0, 0], sizes = [1, 256], strides = [1, 1]} : vector<2x256xf32> to vector<1x256xf32>
    %slice3A_56 = vector.extract_strided_slice %add3A_54 {offsets = [1, 0], sizes = [1, 256], strides = [1, 1]} : vector<2x256xf32> to vector<1x256xf32>
    %add3A_57 = arith.addf %slice3A_55, %slice3A_56 : vector<1x256xf32>
    %add3A_58 = arith.addf %add3A_40, %add3A_57 : vector<1x256xf32>
    %mul3A_59 = arith.constant 9.99999974E-5 : f32
    %mul3A_60 = vector.broadcast %mul3A_59 : f32 to vector<1x256xf32>
    %mul3A_61 = arith.mulf %add3A_58, %mul3A_60 : vector<1x256xf32>
    %broadcast_in_dim3A_62 = arith.constant 0.000000e+00 : f32
    %broadcast_in_dim3A_63 = vector.broadcast %broadcast_in_dim3A_62 : f32 to vector<8x256xf32>
    %scan3A_64 = arith.constant 0 : i32
    %scan3A_65 = arith.constant 625 : i32
    %scan3A_66 = arith.addi %scan3A_64, %scan3A_65 : i32
    %scan3A_67 = arith.constant 1 : i32
    %scan3A_68 = scf.for %scan3A_234 = %scan3A_64 to %scan3A_66 step %scan3A_67 iter_args(%scan3A_235 = %broadcast_in_dim3A_63) -> (vector<8x256xf32>)  : i32 {
      %mul3A_236 = arith.constant 8 : i32
      %mul3A_237 = arith.muli %scan3A_234, %mul3A_236 : i32
      %add3A_238 = arith.constant 0 : i32
      %add3A_239 = arith.addi %add3A_238, %mul3A_237 : i32
      %get3A_240 = arith.index_cast %add3A_239 : i32 to index
      %get3A_241 = arith.constant 0 : index
      %get3A_242 = vector.load %arg13[%get3A_240, %get3A_241] : memref<10000x256xf32, #tpu.memory_space<vmem>>, vector<8x256xf32>
      %sub3A_243 = vector.broadcast %mul3A_61 : vector<1x256xf32> to vector<8x256xf32>
      %sub3A_244 = arith.subf %get3A_242, %sub3A_243 : vector<8x256xf32>
      %sub3A_245 = vector.broadcast %mul3A_61 : vector<1x256xf32> to vector<8x256xf32>
      %sub3A_246 = arith.subf %get3A_242, %sub3A_245 : vector<8x256xf32>
      %mul3A_247 = arith.mulf %sub3A_244, %sub3A_246 : vector<8x256xf32>
      %add3A_248 = arith.addf %scan3A_235, %mul3A_247 : vector<8x256xf32>
      scf.yield %add3A_248 : vector<8x256xf32>
    }
    %scan3A_69 = arith.constant 625 : i32
    %slice3A_70 = vector.extract_strided_slice %scan3A_68 {offsets = [0, 0], sizes = [4, 256], strides = [1, 1]} : vector<8x256xf32> to vector<4x256xf32>
    %slice3A_71 = vector.extract_strided_slice %scan3A_68 {offsets = [4, 0], sizes = [4, 256], strides = [1, 1]} : vector<8x256xf32> to vector<4x256xf32>
    %add3A_72 = arith.addf %slice3A_70, %slice3A_71 : vector<4x256xf32>
    %slice3A_73 = vector.extract_strided_slice %add3A_72 {offsets = [0, 0], sizes = [2, 256], strides = [1, 1]} : vector<4x256xf32> to vector<2x256xf32>
    %slice3A_74 = vector.extract_strided_slice %add3A_72 {offsets = [2, 0], sizes = [2, 256], strides = [1, 1]} : vector<4x256xf32> to vector<2x256xf32>
    %add3A_75 = arith.addf %slice3A_73, %slice3A_74 : vector<2x256xf32>
    %slice3A_76 = vector.extract_strided_slice %add3A_75 {offsets = [0, 0], sizes = [1, 256], strides = [1, 1]} : vector<2x256xf32> to vector<1x256xf32>
    %slice3A_77 = vector.extract_strided_slice %add3A_75 {offsets = [1, 0], sizes = [1, 256], strides = [1, 1]} : vector<2x256xf32> to vector<1x256xf32>
    %add3A_78 = arith.addf %slice3A_76, %slice3A_77 : vector<1x256xf32>
    %broadcast_in_dim3A_79 = arith.constant 0.000000e+00 : f32
    %broadcast_in_dim3A_80 = vector.broadcast %broadcast_in_dim3A_79 : f32 to vector<8x256xf32>
    %scan3A_81 = arith.constant 0 : i32
    %scan3A_82 = arith.constant 625 : i32
    %scan3A_83 = arith.addi %scan3A_81, %scan3A_82 : i32
    %scan3A_84 = arith.constant 1 : i32
    %scan3A_85 = scf.for %scan3A_234 = %scan3A_81 to %scan3A_83 step %scan3A_84 iter_args(%scan3A_235 = %broadcast_in_dim3A_80) -> (vector<8x256xf32>)  : i32 {
      %mul3A_236 = arith.constant 8 : i32
      %mul3A_237 = arith.muli %scan3A_234, %mul3A_236 : i32
      %add3A_238 = arith.constant 5000 : i32
      %add3A_239 = arith.addi %add3A_238, %mul3A_237 : i32
      %get3A_240 = arith.index_cast %add3A_239 : i32 to index
      %get3A_241 = arith.constant 0 : index
      %get3A_242 = vector.load %arg13[%get3A_240, %get3A_241] : memref<10000x256xf32, #tpu.memory_space<vmem>>, vector<8x256xf32>
      %sub3A_243 = vector.broadcast %mul3A_61 : vector<1x256xf32> to vector<8x256xf32>
      %sub3A_244 = arith.subf %get3A_242, %sub3A_243 : vector<8x256xf32>
      %sub3A_245 = vector.broadcast %mul3A_61 : vector<1x256xf32> to vector<8x256xf32>
      %sub3A_246 = arith.subf %get3A_242, %sub3A_245 : vector<8x256xf32>
      %mul3A_247 = arith.mulf %sub3A_244, %sub3A_246 : vector<8x256xf32>
      %add3A_248 = arith.addf %scan3A_235, %mul3A_247 : vector<8x256xf32>
      scf.yield %add3A_248 : vector<8x256xf32>
    }
    %scan3A_86 = arith.constant 625 : i32
    %slice3A_87 = vector.extract_strided_slice %scan3A_85 {offsets = [0, 0], sizes = [4, 256], strides = [1, 1]} : vector<8x256xf32> to vector<4x256xf32>
    %slice3A_88 = vector.extract_strided_slice %scan3A_85 {offsets = [4, 0], sizes = [4, 256], strides = [1, 1]} : vector<8x256xf32> to vector<4x256xf32>
    %add3A_89 = arith.addf %slice3A_87, %slice3A_88 : vector<4x256xf32>
    %slice3A_90 = vector.extract_strided_slice %add3A_89 {offsets = [0, 0], sizes = [2, 256], strides = [1, 1]} : vector<4x256xf32> to vector<2x256xf32>
    %slice3A_91 = vector.extract_strided_slice %add3A_89 {offsets = [2, 0], sizes = [2, 256], strides = [1, 1]} : vector<4x256xf32> to vector<2x256xf32>
    %add3A_92 = arith.addf %slice3A_90, %slice3A_91 : vector<2x256xf32>
    %slice3A_93 = vector.extract_strided_slice %add3A_92 {offsets = [0, 0], sizes = [1, 256], strides = [1, 1]} : vector<2x256xf32> to vector<1x256xf32>
    %slice3A_94 = vector.extract_strided_slice %add3A_92 {offsets = [1, 0], sizes = [1, 256], strides = [1, 1]} : vector<2x256xf32> to vector<1x256xf32>
    %add3A_95 = arith.addf %slice3A_93, %slice3A_94 : vector<1x256xf32>
    %add3A_96 = arith.addf %add3A_78, %add3A_95 : vector<1x256xf32>
    %mul3A_97 = arith.constant 9.99999974E-5 : f32
    %mul3A_98 = vector.broadcast %mul3A_97 : f32 to vector<1x256xf32>
    %mul3A_99 = arith.mulf %add3A_96, %mul3A_98 : vector<1x256xf32>
    %get3A_100 = arith.constant 0 : index
    %get3A_101 = arith.constant 0 : index
    %get3A_102 = vector.load %arg6[%get3A_100, %get3A_101] : memref<1x256xf32, #tpu.memory_space<vmem>>, vector<1x256xf32>
    %get3A_103 = arith.constant 0 : index
    %get3A_104 = arith.constant 0 : index
    %get3A_105 = vector.load %arg13[%get3A_103, %get3A_104] : memref<10000x256xf32, #tpu.memory_space<vmem>>, vector<10000x256xf32>
    %sub3A = vector.broadcast %mul3A_61 : vector<1x256xf32> to vector<10000x256xf32>
    %sub3A_106 = arith.subf %get3A_105, %sub3A : vector<10000x256xf32>
    %mul3A_107 = vector.broadcast %get3A_102 : vector<1x256xf32> to vector<10000x256xf32>
    %mul3A_108 = arith.mulf %mul3A_107, %sub3A_106 : vector<10000x256xf32>
    %add3A_109 = arith.constant 9.99999974E-6 : f32
    %add3A_110 = vector.broadcast %add3A_109 : f32 to vector<1x256xf32>
    %add3A_111 = arith.addf %mul3A_99, %add3A_110 : vector<1x256xf32>
    %rsqrt3A = math.rsqrt %add3A_111 : vector<1x256xf32>
    %mul3A_112 = vector.broadcast %rsqrt3A : vector<1x256xf32> to vector<10000x256xf32>
    %mul3A_113 = arith.mulf %mul3A_108, %mul3A_112 : vector<10000x256xf32>
    %get3A_114 = arith.constant 0 : index
    %get3A_115 = arith.constant 0 : index
    %get3A_116 = vector.load %arg7[%get3A_114, %get3A_115] : memref<1x256xf32, #tpu.memory_space<vmem>>, vector<1x256xf32>
    %add3A_117 = vector.broadcast %get3A_116 : vector<1x256xf32> to vector<10000x256xf32>
    %add3A_118 = arith.addf %mul3A_113, %add3A_117 : vector<10000x256xf32>
    %max3A = arith.constant 0.000000e+00 : f32
    %max3A_119 = vector.broadcast %max3A : f32 to vector<10000x256xf32>
    %max3A_120 = arith.maximumf %add3A_118, %max3A_119 : vector<10000x256xf32>
    %get3A_121 = arith.constant 0 : index
    %get3A_122 = arith.constant 0 : index
    %get3A_123 = vector.load %arg8[%get3A_121, %get3A_122] : memref<256x128xf32, #tpu.memory_space<vmem>>, vector<256x128xf32>
    %dot_general3A_124 = arith.constant dense<0.000000e+00> : vector<10000x128xf32>
    %dot_general3A_125 = tpu.matmul %max3A_120, %get3A_123, %dot_general3A_124 {dimension_numbers = #tpu.dot_dimension_numbers<[1], [0], [0], [1], [0, 0, 1, 1], [], []>, transpose_lhs_hint = false} : vector<10000x256xf32>, vector<256x128xf32>, vector<10000x128xf32> -> vector<10000x128xf32>
    %get3A_126 = arith.constant 0 : index
    %get3A_127 = arith.constant 0 : index
    %get3A_128 = vector.load %arg9[%get3A_126, %get3A_127] : memref<1x128xf32, #tpu.memory_space<vmem>>, vector<1x128xf32>
    %add3A_129 = vector.broadcast %get3A_128 : vector<1x128xf32> to vector<10000x128xf32>
    %add3A_130 = arith.addf %dot_general3A_125, %add3A_129 : vector<10000x128xf32>
    %swap3A_131 = arith.constant 0 : index
    %swap3A_132 = arith.constant 0 : index
    %swap3A_133 = vector.load %arg13[%swap3A_131, %swap3A_132] : memref<10000x256xf32, #tpu.memory_space<vmem>>, vector<10000x128xf32>
    tpu.vector_store %arg13[%swap3A_131, %swap3A_132], %add3A_130 {strides = array<i32>} : memref<10000x256xf32, #tpu.memory_space<vmem>>, vector<10000x128xf32>,
    %broadcast_in_dim3A_134 = arith.constant 0.000000e+00 : f32
    %broadcast_in_dim3A_135 = vector.broadcast %broadcast_in_dim3A_134 : f32 to vector<8x128xf32>
    %scan3A_136 = arith.constant 0 : i32
    %scan3A_137 = arith.constant 625 : i32
    %scan3A_138 = arith.addi %scan3A_136, %scan3A_137 : i32
    %scan3A_139 = arith.constant 1 : i32
    %scan3A_140 = scf.for %scan3A_234 = %scan3A_136 to %scan3A_138 step %scan3A_139 iter_args(%scan3A_235 = %broadcast_in_dim3A_135) -> (vector<8x128xf32>)  : i32 {
      %mul3A_236 = arith.constant 8 : i32
      %mul3A_237 = arith.muli %scan3A_234, %mul3A_236 : i32
      %add3A_238 = arith.constant 0 : i32
      %add3A_239 = arith.addi %add3A_238, %mul3A_237 : i32
      %get3A_240 = arith.index_cast %add3A_239 : i32 to index
      %get3A_241 = arith.constant 0 : index
      %get3A_242 = vector.load %arg13[%get3A_240, %get3A_241] : memref<10000x256xf32, #tpu.memory_space<vmem>>, vector<8x128xf32>
      %add3A_243 = arith.addf %scan3A_235, %get3A_242 : vector<8x128xf32>
      scf.yield %add3A_243 : vector<8x128xf32>
    }
    %scan3A_141 = arith.constant 625 : i32
    %slice3A_142 = vector.extract_strided_slice %scan3A_140 {offsets = [0, 0], sizes = [4, 128], strides = [1, 1]} : vector<8x128xf32> to vector<4x128xf32>
    %slice3A_143 = vector.extract_strided_slice %scan3A_140 {offsets = [4, 0], sizes = [4, 128], strides = [1, 1]} : vector<8x128xf32> to vector<4x128xf32>
    %add3A_144 = arith.addf %slice3A_142, %slice3A_143 : vector<4x128xf32>
    %slice3A_145 = vector.extract_strided_slice %add3A_144 {offsets = [0, 0], sizes = [2, 128], strides = [1, 1]} : vector<4x128xf32> to vector<2x128xf32>
    %slice3A_146 = vector.extract_strided_slice %add3A_144 {offsets = [2, 0], sizes = [2, 128], strides = [1, 1]} : vector<4x128xf32> to vector<2x128xf32>
    %add3A_147 = arith.addf %slice3A_145, %slice3A_146 : vector<2x128xf32>
    %slice3A_148 = vector.extract_strided_slice %add3A_147 {offsets = [0, 0], sizes = [1, 128], strides = [1, 1]} : vector<2x128xf32> to vector<1x128xf32>
    %slice3A_149 = vector.extract_strided_slice %add3A_147 {offsets = [1, 0], sizes = [1, 128], strides = [1, 1]} : vector<2x128xf32> to vector<1x128xf32>
    %add3A_150 = arith.addf %slice3A_148, %slice3A_149 : vector<1x128xf32>
    %broadcast_in_dim3A_151 = arith.constant 0.000000e+00 : f32
    %broadcast_in_dim3A_152 = vector.broadcast %broadcast_in_dim3A_151 : f32 to vector<8x128xf32>
    %scan3A_153 = arith.constant 0 : i32
    %scan3A_154 = arith.constant 625 : i32
    %scan3A_155 = arith.addi %scan3A_153, %scan3A_154 : i32
    %scan3A_156 = arith.constant 1 : i32
    %scan3A_157 = scf.for %scan3A_234 = %scan3A_153 to %scan3A_155 step %scan3A_156 iter_args(%scan3A_235 = %broadcast_in_dim3A_152) -> (vector<8x128xf32>)  : i32 {
      %mul3A_236 = arith.constant 8 : i32
      %mul3A_237 = arith.muli %scan3A_234, %mul3A_236 : i32
      %add3A_238 = arith.constant 5000 : i32
      %add3A_239 = arith.addi %add3A_238, %mul3A_237 : i32
      %get3A_240 = arith.index_cast %add3A_239 : i32 to index
      %get3A_241 = arith.constant 0 : index
      %get3A_242 = vector.load %arg13[%get3A_240, %get3A_241] : memref<10000x256xf32, #tpu.memory_space<vmem>>, vector<8x128xf32>
      %add3A_243 = arith.addf %scan3A_235, %get3A_242 : vector<8x128xf32>
      scf.yield %add3A_243 : vector<8x128xf32>
    }
    %scan3A_158 = arith.constant 625 : i32
    %slice3A_159 = vector.extract_strided_slice %scan3A_157 {offsets = [0, 0], sizes = [4, 128], strides = [1, 1]} : vector<8x128xf32> to vector<4x128xf32>
    %slice3A_160 = vector.extract_strided_slice %scan3A_157 {offsets = [4, 0], sizes = [4, 128], strides = [1, 1]} : vector<8x128xf32> to vector<4x128xf32>
    %add3A_161 = arith.addf %slice3A_159, %slice3A_160 : vector<4x128xf32>
    %slice3A_162 = vector.extract_strided_slice %add3A_161 {offsets = [0, 0], sizes = [2, 128], strides = [1, 1]} : vector<4x128xf32> to vector<2x128xf32>
    %slice3A_163 = vector.extract_strided_slice %add3A_161 {offsets = [2, 0], sizes = [2, 128], strides = [1, 1]} : vector<4x128xf32> to vector<2x128xf32>
    %add3A_164 = arith.addf %slice3A_162, %slice3A_163 : vector<2x128xf32>
    %slice3A_165 = vector.extract_strided_slice %add3A_164 {offsets = [0, 0], sizes = [1, 128], strides = [1, 1]} : vector<2x128xf32> to vector<1x128xf32>
    %slice3A_166 = vector.extract_strided_slice %add3A_164 {offsets = [1, 0], sizes = [1, 128], strides = [1, 1]} : vector<2x128xf32> to vector<1x128xf32>
    %add3A_167 = arith.addf %slice3A_165, %slice3A_166 : vector<1x128xf32>
    %add3A_168 = arith.addf %add3A_150, %add3A_167 : vector<1x128xf32>
    %mul3A_169 = arith.constant 9.99999974E-5 : f32
    %mul3A_170 = vector.broadcast %mul3A_169 : f32 to vector<1x128xf32>
    %mul3A_171 = arith.mulf %add3A_168, %mul3A_170 : vector<1x128xf32>
    %broadcast_in_dim3A_172 = arith.constant 0.000000e+00 : f32
    %broadcast_in_dim3A_173 = vector.broadcast %broadcast_in_dim3A_172 : f32 to vector<8x128xf32>
    %scan3A_174 = arith.constant 0 : i32
    %scan3A_175 = arith.constant 625 : i32
    %scan3A_176 = arith.addi %scan3A_174, %scan3A_175 : i32
    %scan3A_177 = arith.constant 1 : i32
    %scan3A_178 = scf.for %scan3A_234 = %scan3A_174 to %scan3A_176 step %scan3A_177 iter_args(%scan3A_235 = %broadcast_in_dim3A_173) -> (vector<8x128xf32>)  : i32 {
      %mul3A_236 = arith.constant 8 : i32
      %mul3A_237 = arith.muli %scan3A_234, %mul3A_236 : i32
      %add3A_238 = arith.constant 0 : i32
      %add3A_239 = arith.addi %add3A_238, %mul3A_237 : i32
      %get3A_240 = arith.index_cast %add3A_239 : i32 to index
      %get3A_241 = arith.constant 0 : index
      %get3A_242 = vector.load %arg13[%get3A_240, %get3A_241] : memref<10000x256xf32, #tpu.memory_space<vmem>>, vector<8x128xf32>
      %sub3A_243 = vector.broadcast %mul3A_171 : vector<1x128xf32> to vector<8x128xf32>
      %sub3A_244 = arith.subf %get3A_242, %sub3A_243 : vector<8x128xf32>
      %sub3A_245 = vector.broadcast %mul3A_171 : vector<1x128xf32> to vector<8x128xf32>
      %sub3A_246 = arith.subf %get3A_242, %sub3A_245 : vector<8x128xf32>
      %mul3A_247 = arith.mulf %sub3A_244, %sub3A_246 : vector<8x128xf32>
      %add3A_248 = arith.addf %scan3A_235, %mul3A_247 : vector<8x128xf32>
      scf.yield %add3A_248 : vector<8x128xf32>
    }
    %scan3A_179 = arith.constant 625 : i32
    %slice3A_180 = vector.extract_strided_slice %scan3A_178 {offsets = [0, 0], sizes = [4, 128], strides = [1, 1]} : vector<8x128xf32> to vector<4x128xf32>
    %slice3A_181 = vector.extract_strided_slice %scan3A_178 {offsets = [4, 0], sizes = [4, 128], strides = [1, 1]} : vector<8x128xf32> to vector<4x128xf32>
    %add3A_182 = arith.addf %slice3A_180, %slice3A_181 : vector<4x128xf32>
    %slice3A_183 = vector.extract_strided_slice %add3A_182 {offsets = [0, 0], sizes = [2, 128], strides = [1, 1]} : vector<4x128xf32> to vector<2x128xf32>
    %slice3A_184 = vector.extract_strided_slice %add3A_182 {offsets = [2, 0], sizes = [2, 128], strides = [1, 1]} : vector<4x128xf32> to vector<2x128xf32>
    %add3A_185 = arith.addf %slice3A_183, %slice3A_184 : vector<2x128xf32>
    %slice3A_186 = vector.extract_strided_slice %add3A_185 {offsets = [0, 0], sizes = [1, 128], strides = [1, 1]} : vector<2x128xf32> to vector<1x128xf32>
    %slice3A_187 = vector.extract_strided_slice %add3A_185 {offsets = [1, 0], sizes = [1, 128], strides = [1, 1]} : vector<2x128xf32> to vector<1x128xf32>
    %add3A_188 = arith.addf %slice3A_186, %slice3A_187 : vector<1x128xf32>
    %broadcast_in_dim3A_189 = arith.constant 0.000000e+00 : f32
    %broadcast_in_dim3A_190 = vector.broadcast %broadcast_in_dim3A_189 : f32 to vector<8x128xf32>
    %scan3A_191 = arith.constant 0 : i32
    %scan3A_192 = arith.constant 625 : i32
    %scan3A_193 = arith.addi %scan3A_191, %scan3A_192 : i32
    %scan3A_194 = arith.constant 1 : i32
    %scan3A_195 = scf.for %scan3A_234 = %scan3A_191 to %scan3A_193 step %scan3A_194 iter_args(%scan3A_235 = %broadcast_in_dim3A_190) -> (vector<8x128xf32>)  : i32 {
      %mul3A_236 = arith.constant 8 : i32
      %mul3A_237 = arith.muli %scan3A_234, %mul3A_236 : i32
      %add3A_238 = arith.constant 5000 : i32
      %add3A_239 = arith.addi %add3A_238, %mul3A_237 : i32
      %get3A_240 = arith.index_cast %add3A_239 : i32 to index
      %get3A_241 = arith.constant 0 : index
      %get3A_242 = vector.load %arg13[%get3A_240, %get3A_241] : memref<10000x256xf32, #tpu.memory_space<vmem>>, vector<8x128xf32>
      %sub3A_243 = vector.broadcast %mul3A_171 : vector<1x128xf32> to vector<8x128xf32>
      %sub3A_244 = arith.subf %get3A_242, %sub3A_243 : vector<8x128xf32>
      %sub3A_245 = vector.broadcast %mul3A_171 : vector<1x128xf32> to vector<8x128xf32>
      %sub3A_246 = arith.subf %get3A_242, %sub3A_245 : vector<8x128xf32>
      %mul3A_247 = arith.mulf %sub3A_244, %sub3A_246 : vector<8x128xf32>
      %add3A_248 = arith.addf %scan3A_235, %mul3A_247 : vector<8x128xf32>
      scf.yield %add3A_248 : vector<8x128xf32>
    }
    %scan3A_196 = arith.constant 625 : i32
    %slice3A_197 = vector.extract_strided_slice %scan3A_195 {offsets = [0, 0], sizes = [4, 128], strides = [1, 1]} : vector<8x128xf32> to vector<4x128xf32>
    %slice3A_198 = vector.extract_strided_slice %scan3A_195 {offsets = [4, 0], sizes = [4, 128], strides = [1, 1]} : vector<8x128xf32> to vector<4x128xf32>
    %add3A_199 = arith.addf %slice3A_197, %slice3A_198 : vector<4x128xf32>
    %slice3A_200 = vector.extract_strided_slice %add3A_199 {offsets = [0, 0], sizes = [2, 128], strides = [1, 1]} : vector<4x128xf32> to vector<2x128xf32>
    %slice3A_201 = vector.extract_strided_slice %add3A_199 {offsets = [2, 0], sizes = [2, 128], strides = [1, 1]} : vector<4x128xf32> to vector<2x128xf32>
    %add3A_202 = arith.addf %slice3A_200, %slice3A_201 : vector<2x128xf32>
    %slice3A_203 = vector.extract_strided_slice %add3A_202 {offsets = [0, 0], sizes = [1, 128], strides = [1, 1]} : vector<2x128xf32> to vector<1x128xf32>
    %slice3A_204 = vector.extract_strided_slice %add3A_202 {offsets = [1, 0], sizes = [1, 128], strides = [1, 1]} : vector<2x128xf32> to vector<1x128xf32>
    %add3A_205 = arith.addf %slice3A_203, %slice3A_204 : vector<1x128xf32>
    %add3A_206 = arith.addf %add3A_188, %add3A_205 : vector<1x128xf32>
    %mul3A_207 = arith.constant 9.99999974E-5 : f32
    %mul3A_208 = vector.broadcast %mul3A_207 : f32 to vector<1x128xf32>
    %mul3A_209 = arith.mulf %add3A_206, %mul3A_208 : vector<1x128xf32>
    %get3A_210 = arith.constant 0 : index
    %get3A_211 = arith.constant 0 : index
    %get3A_212 = vector.load %arg10[%get3A_210, %get3A_211] : memref<1x128xf32, #tpu.memory_space<vmem>>, vector<1x128xf32>
    %sub3A_213 = vector.broadcast %mul3A_171 : vector<1x128xf32> to vector<10000x128xf32>
    %sub3A_214 = arith.subf %add3A_130, %sub3A_213 : vector<10000x128xf32>
    %mul3A_215 = vector.broadcast %get3A_212 : vector<1x128xf32> to vector<10000x128xf32>
    %mul3A_216 = arith.mulf %mul3A_215, %sub3A_214 : vector<10000x128xf32>
    %add3A_217 = arith.constant 9.99999974E-6 : f32
    %add3A_218 = vector.broadcast %add3A_217 : f32 to vector<1x128xf32>
    %add3A_219 = arith.addf %mul3A_209, %add3A_218 : vector<1x128xf32>
    %rsqrt3A_220 = math.rsqrt %add3A_219 : vector<1x128xf32>
    %mul3A_221 = vector.broadcast %rsqrt3A_220 : vector<1x128xf32> to vector<10000x128xf32>
    %mul3A_222 = arith.mulf %mul3A_216, %mul3A_221 : vector<10000x128xf32>
    %get3A_223 = arith.constant 0 : index
    %get3A_224 = arith.constant 0 : index
    %get3A_225 = vector.load %arg11[%get3A_223, %get3A_224] : memref<1x128xf32, #tpu.memory_space<vmem>>, vector<1x128xf32>
    %add3A_226 = vector.broadcast %get3A_225 : vector<1x128xf32> to vector<10000x128xf32>
    %add3A_227 = arith.addf %mul3A_222, %add3A_226 : vector<10000x128xf32>
    %max3A_228 = arith.constant 0.000000e+00 : f32
    %max3A_229 = vector.broadcast %max3A_228 : f32 to vector<10000x128xf32>
    %max3A_230 = arith.maximumf %add3A_227, %max3A_229 : vector<10000x128xf32>
    %swap3A_231 = arith.constant 0 : index
    %swap3A_232 = arith.constant 0 : index
    %swap3A_233 = vector.load %arg12[%swap3A_231, %swap3A_232] : memref<10000x128xf32, #tpu.memory_space<vmem>>, vector<10000x128xf32>
    tpu.vector_store %arg12[%swap3A_231, %swap3A_232], %max3A_230 {strides = array<i32>} : memref<10000x128xf32, #tpu.memory_space<vmem>>, vector<10000x128xf32>,
    return
  }
}

module attributes {stable_mosaic.version = 14 : i64} {
  func.func @_pool_cls_body(%arg0: memref<10000x128xf32, #tpu.memory_space<vmem>>, %arg1: memref<1x10000xi32, #tpu.memory_space<vmem>>, %arg2: memref<10000x1xi32, #tpu.memory_space<vmem>>, %arg3: memref<384x128xf32, #tpu.memory_space<vmem>>, %arg4: memref<1x128xf32, #tpu.memory_space<vmem>>, %arg5: memref<1x128xf32, #tpu.memory_space<vmem>>, %arg6: memref<1x128xf32, #tpu.memory_space<vmem>>, %arg7: memref<128x64xf32, #tpu.memory_space<vmem>>, %arg8: memref<1x64xf32, #tpu.memory_space<vmem>>, %arg9: memref<64x2xf32, #tpu.memory_space<vmem>>, %arg10: memref<1x2xf32, #tpu.memory_space<vmem>>, %arg11: memref<64x2xf32, #tpu.memory_space<vmem>>, %arg12: memref<64x128xf32, #tpu.memory_space<vmem>>) attributes {dimension_semantics = [], scalar_prefetch = 0 : i64, scratch_operands = 1 : i64, tpu.core_type = #tpu.core_type<tc>} {
    %get3A = arith.constant 0 : index
    %get3A_0 = arith.constant 0 : index
    %get3A_1 = vector.load %arg0[%get3A, %get3A_0] : memref<10000x128xf32, #tpu.memory_space<vmem>>, vector<10000x128xf32>
    %iota3A = tpu.iota {dimensions = array<i32: 0>} : vector<64x10000xi32>
    %get3A_2 = arith.constant 0 : index
    %get3A_3 = arith.constant 0 : index
    %get3A_4 = vector.load %arg1[%get3A_2, %get3A_3] : memref<1x10000xi32, #tpu.memory_space<vmem>>, vector<1x10000xi32>
    %eq3A = vector.broadcast %get3A_4 : vector<1x10000xi32> to vector<64x10000xi32>
    %eq3A_5 = arith.cmpi eq, %eq3A, %iota3A : vector<64x10000xi32>
    %convert_element_type3A = arith.extui %eq3A_5 : vector<64x10000xi1> to vector<64x10000xi32>
    %convert_element_type3A_6 = arith.sitofp %convert_element_type3A : vector<64x10000xi32> to vector<64x10000xf32>
    %dot_general3A = arith.constant dense<0.000000e+00> : vector<64x128xf32>
    %dot_general3A_7 = tpu.matmul %convert_element_type3A_6, %get3A_1, %dot_general3A {dimension_numbers = #tpu.dot_dimension_numbers<[1], [0], [0], [1], [0, 0, 1, 1], [], []>, precision = #tpu.contract_precision<fp32>, transpose_lhs_hint = false} : vector<64x10000xf32>, vector<10000x128xf32>, vector<64x128xf32> -> vector<64x128xf32>
    %reduce_sum3A = arith.constant dense<0.000000e+00> : vector<64xf32>
    %reduce_sum3A_8 = vector.multi_reduction <add>, %convert_element_type3A_6, %reduce_sum3A [1] : vector<64x10000xf32> to vector<64xf32>
    %broadcast_in_dim3A = vector.shape_cast %reduce_sum3A_8 : vector<64xf32> to vector<64x1xf32>
    %max3A = arith.constant 1.000000e+00 : f32
    %max3A_9 = vector.broadcast %max3A : f32 to vector<64x1xf32>
    %max3A_10 = arith.maximumf %broadcast_in_dim3A, %max3A_9 : vector<64x1xf32>
    %div3A = vector.broadcast %max3A_10 : vector<64x1xf32> to vector<64x128xf32>
    %div3A_11 = arith.divf %dot_general3A_7, %div3A : vector<64x128xf32>
    %get3A_12 = arith.constant 0 : index
    %get3A_13 = arith.constant 0 : index
    %get3A_14 = vector.load %arg2[%get3A_12, %get3A_13] : memref<10000x1xi32, #tpu.memory_space<vmem>>, vector<10000x1xi32>
    %scan3A = arith.constant 0 : i32
    %scan3A_15 = arith.constant 64 : i32
    %scan3A_16 = arith.addi %scan3A, %scan3A_15 : i32
    %scan3A_17 = arith.constant 1 : i32
    scf.for %scan3A_96 = %scan3A to %scan3A_16 step %scan3A_17  : i32 {
      %eq3A_97 = vector.broadcast %scan3A_96 : i32 to vector<10000x1xi32>
      %eq3A_98 = arith.cmpi eq, %get3A_14, %eq3A_97 : vector<10000x1xi32>
      %jit3A_99 = arith.constant 0xFF800000 : f32
      %broadcast_in_dim3A_100 = vector.shape_cast %eq3A_98 : vector<10000x1xi1> to vector<10000x1xi1>
      %broadcast_in_dim3A_101 = vector.broadcast %broadcast_in_dim3A_100 : vector<10000x1xi1> to vector<10000x128xi1>
      %broadcast_in_dim3A_102 = vector.broadcast %jit3A_99 : f32 to vector<10000x128xf32>
      %select_n3A_103 = arith.select %broadcast_in_dim3A_101, %get3A_1, %broadcast_in_dim3A_102 : vector<10000x128xi1>, vector<10000x128xf32>
      %reduce_max3A = arith.constant dense<0xFF800000> : vector<128xf32>
      %reduce_max3A_104 = vector.multi_reduction <maximumf>, %select_n3A_103, %reduce_max3A [0] : vector<10000x128xf32> to vector<128xf32>
      %broadcast_in_dim3A_105 = vector.shape_cast %reduce_max3A_104 : vector<128xf32> to vector<1x128xf32>
      %swap3A_106 = arith.index_cast %scan3A_96 : i32 to index
      %swap3A_107 = arith.constant 0 : index
      %swap3A_108 = vector.load %arg12[%swap3A_106, %swap3A_107] : memref<64x128xf32, #tpu.memory_space<vmem>>, vector<1x128xf32>
      tpu.vector_store %arg12[%swap3A_106, %swap3A_107], %broadcast_in_dim3A_105 {strides = array<i32>} : memref<64x128xf32, #tpu.memory_space<vmem>>, vector<1x128xf32>,
    }
    %scan3A_18 = arith.constant 64 : i32
    %gt3A = arith.constant 0.000000e+00 : f32
    %gt3A_19 = vector.broadcast %gt3A : f32 to vector<64x1xf32>
    %gt3A_20 = arith.cmpf ogt, %broadcast_in_dim3A, %gt3A_19 : vector<64x1xf32>
    %get3A_21 = arith.constant 0 : index
    %get3A_22 = arith.constant 0 : index
    %get3A_23 = vector.load %arg12[%get3A_21, %get3A_22] : memref<64x128xf32, #tpu.memory_space<vmem>>, vector<64x128xf32>
    %jit3A = arith.constant 0.000000e+00 : f32
    %broadcast_in_dim3A_24 = vector.shape_cast %gt3A_20 : vector<64x1xi1> to vector<64x1xi1>
    %broadcast_in_dim3A_25 = vector.broadcast %broadcast_in_dim3A_24 : vector<64x1xi1> to vector<64x128xi1>
    %broadcast_in_dim3A_26 = vector.broadcast %jit3A : f32 to vector<64x128xf32>
    %select_n3A = arith.select %broadcast_in_dim3A_25, %get3A_23, %broadcast_in_dim3A_26 : vector<64x128xi1>, vector<64x128xf32>
    %concatenate3A = tpu.concatenate %dot_general3A_7, %div3A_11, %select_n3A in 1 : vector<64x128xf32>, vector<64x128xf32>, vector<64x128xf32> -> vector<64x384xf32>
    %get3A_27 = arith.constant 0 : index
    %get3A_28 = arith.constant 0 : index
    %get3A_29 = vector.load %arg3[%get3A_27, %get3A_28] : memref<384x128xf32, #tpu.memory_space<vmem>>, vector<384x128xf32>
    %dot_general3A_30 = arith.constant dense<0.000000e+00> : vector<64x128xf32>
    %dot_general3A_31 = tpu.matmul %concatenate3A, %get3A_29, %dot_general3A_30 {dimension_numbers = #tpu.dot_dimension_numbers<[1], [0], [0], [1], [0, 0, 1, 1], [], []>, transpose_lhs_hint = false} : vector<64x384xf32>, vector<384x128xf32>, vector<64x128xf32> -> vector<64x128xf32>
    %get3A_32 = arith.constant 0 : index
    %get3A_33 = arith.constant 0 : index
    %get3A_34 = vector.load %arg4[%get3A_32, %get3A_33] : memref<1x128xf32, #tpu.memory_space<vmem>>, vector<1x128xf32>
    %add3A = vector.broadcast %get3A_34 : vector<1x128xf32> to vector<64x128xf32>
    %add3A_35 = arith.addf %dot_general3A_31, %add3A : vector<64x128xf32>
    %reduce_sum3A_36 = arith.constant dense<0.000000e+00> : vector<128xf32>
    %reduce_sum3A_37 = vector.multi_reduction <add>, %add3A_35, %reduce_sum3A_36 [0] : vector<64x128xf32> to vector<128xf32>
    %broadcast_in_dim3A_38 = vector.shape_cast %reduce_sum3A_37 : vector<128xf32> to vector<1x128xf32>
    %div3A_39 = arith.constant 6.400000e+01 : f32
    %div3A_40 = vector.broadcast %div3A_39 : f32 to vector<1x128xf32>
    %div3A_41 = arith.divf %broadcast_in_dim3A_38, %div3A_40 : vector<1x128xf32>
    %sub3A = vector.broadcast %div3A_41 : vector<1x128xf32> to vector<64x128xf32>
    %sub3A_42 = arith.subf %add3A_35, %sub3A : vector<64x128xf32>
    %sub3A_43 = vector.broadcast %div3A_41 : vector<1x128xf32> to vector<64x128xf32>
    %sub3A_44 = arith.subf %add3A_35, %sub3A_43 : vector<64x128xf32>
    %mul3A = arith.mulf %sub3A_42, %sub3A_44 : vector<64x128xf32>
    %reduce_sum3A_45 = arith.constant dense<0.000000e+00> : vector<128xf32>
    %reduce_sum3A_46 = vector.multi_reduction <add>, %mul3A, %reduce_sum3A_45 [0] : vector<64x128xf32> to vector<128xf32>
    %broadcast_in_dim3A_47 = vector.shape_cast %reduce_sum3A_46 : vector<128xf32> to vector<1x128xf32>
    %div3A_48 = arith.constant 6.400000e+01 : f32
    %div3A_49 = vector.broadcast %div3A_48 : f32 to vector<1x128xf32>
    %div3A_50 = arith.divf %broadcast_in_dim3A_47, %div3A_49 : vector<1x128xf32>
    %get3A_51 = arith.constant 0 : index
    %get3A_52 = arith.constant 0 : index
    %get3A_53 = vector.load %arg5[%get3A_51, %get3A_52] : memref<1x128xf32, #tpu.memory_space<vmem>>, vector<1x128xf32>
    %sub3A_54 = vector.broadcast %div3A_41 : vector<1x128xf32> to vector<64x128xf32>
    %sub3A_55 = arith.subf %add3A_35, %sub3A_54 : vector<64x128xf32>
    %mul3A_56 = vector.broadcast %get3A_53 : vector<1x128xf32> to vector<64x128xf32>
    %mul3A_57 = arith.mulf %mul3A_56, %sub3A_55 : vector<64x128xf32>
    %add3A_58 = arith.constant 9.99999974E-6 : f32
    %add3A_59 = vector.broadcast %add3A_58 : f32 to vector<1x128xf32>
    %add3A_60 = arith.addf %div3A_50, %add3A_59 : vector<1x128xf32>
    %rsqrt3A = math.rsqrt %add3A_60 : vector<1x128xf32>
    %mul3A_61 = vector.broadcast %rsqrt3A : vector<1x128xf32> to vector<64x128xf32>
    %mul3A_62 = arith.mulf %mul3A_57, %mul3A_61 : vector<64x128xf32>
    %get3A_63 = arith.constant 0 : index
    %get3A_64 = arith.constant 0 : index
    %get3A_65 = vector.load %arg6[%get3A_63, %get3A_64] : memref<1x128xf32, #tpu.memory_space<vmem>>, vector<1x128xf32>
    %add3A_66 = vector.broadcast %get3A_65 : vector<1x128xf32> to vector<64x128xf32>
    %add3A_67 = arith.addf %mul3A_62, %add3A_66 : vector<64x128xf32>
    %max3A_68 = arith.constant 0.000000e+00 : f32
    %max3A_69 = vector.broadcast %max3A_68 : f32 to vector<64x128xf32>
    %max3A_70 = arith.maximumf %add3A_67, %max3A_69 : vector<64x128xf32>
    %get3A_71 = arith.constant 0 : index
    %get3A_72 = arith.constant 0 : index
    %get3A_73 = vector.load %arg7[%get3A_71, %get3A_72] : memref<128x64xf32, #tpu.memory_space<vmem>>, vector<128x64xf32>
    %dot_general3A_74 = arith.constant dense<0.000000e+00> : vector<64x64xf32>
    %dot_general3A_75 = tpu.matmul %max3A_70, %get3A_73, %dot_general3A_74 {dimension_numbers = #tpu.dot_dimension_numbers<[1], [0], [0], [1], [0, 0, 1, 1], [], []>, transpose_lhs_hint = false} : vector<64x128xf32>, vector<128x64xf32>, vector<64x64xf32> -> vector<64x64xf32>
    %get3A_76 = arith.constant 0 : index
    %get3A_77 = arith.constant 0 : index
    %get3A_78 = vector.load %arg8[%get3A_76, %get3A_77] : memref<1x64xf32, #tpu.memory_space<vmem>>, vector<1x64xf32>
    %add3A_79 = vector.broadcast %get3A_78 : vector<1x64xf32> to vector<64x64xf32>
    %add3A_80 = arith.addf %dot_general3A_75, %add3A_79 : vector<64x64xf32>
    %max3A_81 = arith.constant 0.000000e+00 : f32
    %max3A_82 = vector.broadcast %max3A_81 : f32 to vector<64x64xf32>
    %max3A_83 = arith.maximumf %add3A_80, %max3A_82 : vector<64x64xf32>
    %get3A_84 = arith.constant 0 : index
    %get3A_85 = arith.constant 0 : index
    %get3A_86 = vector.load %arg9[%get3A_84, %get3A_85] : memref<64x2xf32, #tpu.memory_space<vmem>>, vector<64x2xf32>
    %dot_general3A_87 = arith.constant dense<0.000000e+00> : vector<64x2xf32>
    %dot_general3A_88 = tpu.matmul %max3A_83, %get3A_86, %dot_general3A_87 {dimension_numbers = #tpu.dot_dimension_numbers<[1], [0], [0], [1], [0, 0, 1, 1], [], []>, transpose_lhs_hint = false} : vector<64x64xf32>, vector<64x2xf32>, vector<64x2xf32> -> vector<64x2xf32>
    %get3A_89 = arith.constant 0 : index
    %get3A_90 = arith.constant 0 : index
    %get3A_91 = vector.load %arg10[%get3A_89, %get3A_90] : memref<1x2xf32, #tpu.memory_space<vmem>>, vector<1x2xf32>
    %add3A_92 = vector.broadcast %get3A_91 : vector<1x2xf32> to vector<64x2xf32>
    %add3A_93 = arith.addf %dot_general3A_88, %add3A_92 : vector<64x2xf32>
    %swap3A = arith.constant 0 : index
    %swap3A_94 = arith.constant 0 : index
    %swap3A_95 = vector.load %arg11[%swap3A, %swap3A_94] : memref<64x2xf32, #tpu.memory_space<vmem>>, vector<64x2xf32>
    tpu.vector_store %arg11[%swap3A, %swap3A_94], %add3A_93 {strides = array<i32>} : memref<64x2xf32, #tpu.memory_space<vmem>>, vector<64x2xf32>,
    return
  }
}

</mosaic_0001>

<sc_bundles>
// kernel: kernel.11.cloned.1.call-start
scs
__scs_entry_jumppad:
0x0: {  	(pc) =	sbr.rel $0x88, $3  }
0x1: {  	(tag) =	ssettag $0x0;
	lr =	simm.s32 $0x1  }
0x2: {  	[smem:$0x3F72] =	sst lr;
	_ =	strace $0xD0000000  }
0x3: {  	_ = 	snop  }
0x4: {  	_ = 	snop  }
0x5: {  	_ = 	snop  }
0x6: {  	_ = 	snop  }
0x7: {  	_ = 	snop  }
__scs_overlays_trampoline_lowered:
0x8: {  	[smem:$0x3F81] =	sst s0  }
0x9: {  	[smem:$0x3F82] =	sst s1  }
0xa: {  	[smem:$0x3F83] =	sst s2  }
0xb: {  	[smem:$0x3F84] =	sst s3  }
0xc: {  	[smem:$0x3F85] =	sst s4  }
0xd: {  	[smem:$0x3F86] =	sst s5  }
0xe: {  	[smem:$0x3F87] =	sst s6  }
0xf: {  	[smem:$0x3F88] =	sst s7  }
0x10: {  	[smem:$0x3F89] =	sst s8  }
0x11: {  	[smem:$0x3F8A] =	sst s9;
	s0 =	simm.s32 @!p0 $0x0  }
0x12: {  	s1 =	sld [smem:$0x3F70];
	s0 =	simm.s32 @p0 $0x1  }
0x13: {  	[smem:$0x3F8B] =	sst s0;
	s0 =	simm.s32 @!p1 $0x0  }
0x14: {  	s2 =	sld [smem:$0x3F6F];
	s0 =	simm.s32 @p1 $0x1  }
0x15: {  	[smem:$0x3F8C] =	sst s0;
	s0 =	simm.s32 @!p2 $0x0  }
0x16: {  	s3 =	sld [smem:$0x3FDB];
	s0 =	simm.s32 @p2 $0x1  }
0x17: {  	s4 =	simm.s32 $0x1BF5;
	[smem:$0x3F8E] =	sst s0  }
0x18: {  	s0 =	sld [smem:$0x3F71];
	_ =	swait.ge [sflag:s4], $0x0  }
0x19: {  	s7 =	sld [smem:$0x3F72]  }
0x1a: {  	s8 =	sadd.s32 $0xFFFFE003, lr  }
0x1b: {  	s9 =	sadd.s32 $0xFFFFFEF7, lr;
	s5 =	simm.s32 $0xFFFFFFFF;
	p2 =	slt.u32 s8, $0xFFFFF086  }
0x1c: {  	p1 =	slt.u32 s9, $0xF7A;
	s5 =	simm.s32 @!p2 $0x0  }
0x1d: {  	s5 =	simm.s32 @p1 $0x1;
	p0 =	seq.s32 s7, s2  }
0x1e: {  	s7 =	smul.u32 @!p0 $0xF7A, s2;
	p2 =	seq.s32 @!p0 s5, $0x0  }
0x1f: {  	s9 =	smul.u32 $0xF7A, s1;
	s8 =	simm.s32 @!p0 $0x1BF5;
	p2 =	por !p2, p0  }
0x20: {  	[sflag:s8] =	ssyncset.s32 @!p0 $0xFFFFF086;
	s6 =	sadd.s32 @!p0 s3, s7;
	s7 =	simm.s32 @!p0 $0x108  }
0x21: {  	s3 =	sadd.s32 s3, s9;
	s6 =	sadd.s32 @!p0 $0x88, s6;
	s7 =	simm.s32 @p2 $0x1082  }
0x22: {  	[simem:s7], [sflag:s8] =	dma.local @!p0 [hbm:s6], $0xF7A  }
0x23: {  	s9 =	sor.u32 $0xD0000000, s2;
	s6 =	simm.s32 $0x108;
	_ =	swait.ge @!p0 [sflag:s8], $0x0  }
0x24: {  	s3 =	sadd.s32 $0x88, s3;
	s6 =	simm.s32 @!p1 $0x1082;
	[sflag:s4] =	ssyncset.s32 $0xFFFFF086  }
0x25: {  	[simem:s6], [sflag:s4] =	dma.local [hbm:s3], $0xF7A  }
0x26: {  	[smem:$0x3F72] =	sst s1;
	(tag) =	ssettag s2;
	_ =	strace s9  }
0x27: {  	s1 =	sld [smem:$0x3F82]  }
0x28: {  	s2 =	sld [smem:$0x3F83]  }
0x29: {  	s4 =	sld [smem:$0x3F85]  }
0x2a: {  	p0 =	seq.s32 s5, $0x0;
	s5 =	sld [smem:$0x3F86]  }
0x2b: {  	s6 =	sld [smem:$0x3F87]  }
0x2c: {  	s7 =	sld [smem:$0x3F88]  }
0x2d: {  	s3 =	simm.s32 $0x108;
	s8 =	sld [smem:$0x3F89]  }
0x2e: {  	s3 =	simm.s32 @!p0 $0x1082;
	s9 =	sld [smem:$0x3F8A]  }
0x2f: {  	lr =	sadd.s32 s0, s3;
	s0 =	sld [smem:$0x3F81]  }
0x30: {  	s3 =	sld [smem:$0x3F84]  }
0x31: {  	[smem:$0x3F8D] =	sst s10  }
0x32: {  	s10 =	sld [smem:$0x3F8B];
	_ =	sdelay $0x3  }
0x33: {  	p0 =	seq.s32 s10, $0x1;
	s10 =	sld [smem:$0x3F8D];
	_ =	sdelay $0x3  }
0x34: {  	[smem:$0x3F8D] =	sst s10  }
0x35: {  	s10 =	sld [smem:$0x3F8C];
	_ =	sdelay $0x3  }
0x36: {  	p1 =	seq.s32 s10, $0x1;
	s10 =	sld [smem:$0x3F8D];
	_ =	sdelay $0x3  }
0x37: {  	[smem:$0x3F8D] =	sst s10  }
0x38: {  	s10 =	sld [smem:$0x3F8E]  }
0x39: {  	_ = 	snop;
	(pc) =	sbr.ind lr, $3  }
0x3a: {  	_ = 	snop  }
0x3b: {  	_ = 	snop  }
0x3c: {  	p2 =	seq.s32 s10, $0x1;
	s10 =	sld [smem:$0x3F8D]  }
0x3d: {  	_ =	shalt  }
0x3e: {  	_ =	shalt  }
0x3f: {  	_ =	shalt  }
0x40: {  	_ =	shalt  }
0x41: {  	_ =	shalt  }
0x42: {  	_ =	shalt  }
0x43: {  	_ =	shalt  }
0x44: {  	_ =	shalt  }
0x45: {  	_ =	shalt  }
0x46: {  	_ =	shalt  }
0x47: {  	_ =	shalt  }
0x48: {  	_ =	shalt  }
0x49: {  	_ =	shalt  }
0x4a: {  	_ =	shalt  }
0x4b: {  	_ =	shalt  }
0x4c: {  	_ =	shalt  }
0x4d: {  	_ =	shalt  }
0x4e: {  	_ =	shalt  }
0x4f: {  	_ =	shalt  }
0x50: {  	_ =	shalt  }
0x51: {  	_ =	shalt  }
0x52: {  	_ =	shalt  }
0x53: {  	_ =	shalt  }
0x54: {  	_ =	shalt  }
0x55: {  	_ =	shalt  }
0x56: {  	_ =	shalt  }
0x57: {  	_ =	shalt  }
0x58: {  	_ =	shalt  }
0x59: {  	_ =	shalt  }
0x5a: {  	_ =	shalt  }
0x5b: {  	_ =	shalt  }
0x5c: {  	_ =	shalt  }
0x5d: {  	_ =	shalt  }
0x5e: {  	_ =	shalt  }
0x5f: {  	_ =	shalt  }
0x60: {  	_ =	shalt  }
0x61: {  	_ =	shalt  }
0x62: {  	_ =	shalt  }
0x63: {  	_ =	shalt  }
0x64: {  	_ =	shalt  }
0x65: {  	_ =	shalt  }
0x66: {  	_ =	shalt  }
0x67: {  	_ =	shalt  }
0x68: {  	_ =	shalt  }
0x69: {  	_ =	shalt  }
0x6a: {  	_ =	shalt  }
0x6b: {  	_ =	shalt  }
0x6c: {  	_ =	shalt  }
0x6d: {  	_ =	shalt  }
0x6e: {  	_ =	shalt  }
0x6f: {  	_ =	shalt  }
0x70: {  	_ =	shalt  }
0x71: {  	_ =	shalt  }
0x72: {  	_ =	shalt  }
0x73: {  	_ =	shalt  }
0x74: {  	_ =	shalt  }
0x75: {  	_ =	shalt  }
0x76: {  	_ =	shalt  }
0x77: {  	_ =	shalt  }
0x78: {  	_ =	shalt  }
0x79: {  	_ =	shalt  }
0x7a: {  	_ =	shalt  }
0x7b: {  	_ =	shalt  }
0x7c: {  	_ =	shalt  }
0x7d: {  	_ =	shalt  }
0x7e: {  	_ =	shalt  }
0x7f: {  	_ =	shalt  }
0x80: {  	_ =	shalt  }
0x81: {  	_ =	shalt  }
0x82: {  	_ =	shalt  }
0x83: {  	_ =	shalt  }
0x84: {  	_ =	shalt  }
0x85: {  	_ =	shalt  }
0x86: {  	_ =	shalt  }
0x87: {  	_ =	shalt  }
.Lfunc_end0:
.L_simem_size_0:
called_computation_lowered:
.L_overlay_start_0:
0x88: {  	s2 =	sld [smem:$0x3FD9]  }
0x89: {  	s3 =	sld [smem:$0x3FFE];
	_ =	sdelay $0x1  }
0x8a: {  	s1 =	srdreg.scid  }
0x8b: {  	s0 =	sand.u32 $0x1, s1  }
0x8c: {  	s17 =	sshll.u32 s0, $0xA;
	s2 =	sadd.s32 s3, s2  }
0x8d: {  	s2 =	sadd.s32 s2, s17  }
0x8e: {  	[smem:$0x3F99] =	sst s2  }
0x8f: {  	_ = 	snop  }
0x90: {  	s2 =	sld [smem:$0x3FC9];
	(tm) =	ssettm $0x1  }
0x91: {  	s18 =	sld [smem:$0x3FFB];
	_ =	sdelay $0x3  }
0x92: {  	_ =	strace s18  }
0x93: {  	s3 =	sld [smem:$0x3FFC];
	_ =	sdelay $0x3  }
0x94: {  	_ =	strace s3  }
0x95: {  	s3 =	sld [smem:$0x3FFD];
	_ =	sdelay $0x3  }
0x96: {  	_ =	strace s3  }
0x97: {  	_ =	strace $0x8FFFFFFF  }
0x98: {  	s19 =	sld [smem:$0x3FDB];
	_ =	sdelay $0x1  }
0x99: {  	s4 =	simm.s32 $_scs_section_size  }
0x9a: {  	s5 =	simm.s32 $_size__tile_overlayer_lowered;
	s6 =	simm.s32 $_tile_overlayer_lowered  }
0x9b: {  	s22 =	simm.s32 $0x1BFF;
	s21 =	sshll.u32 s6, $0x1;
	s3 =	sadd.s32 s4, s19  }
0x9c: {  	s7 =	simm.s32 $0x0;
	s20 =	sshll.u32 s5, $0x1;
	s5 =	sadd.s32 s21, s3  }
0x9d: {  	[timem:s7], [sflag:s22] =	dma.local [hbm:s5], s20  }
0x9e: {  	_ =	swait.ge [sflag:s22], s20  }
0x9f: {  	s4 =	ssub.s32 $0x0, s20;
	[sflag:s22] =	ssyncset.done $0x0  }
0xa0: {  	[sflag:s22] =	ssyncadd.s32 s4;
	_ =	sdelay $0x1  }
0xa1: {  	s23 =	simm.s32 $0x1B8B  }
0xa2: {  	_ =	swait.ge [sflag:s23], $0x1  }
0xa3: {  	[sflag:s23] =	ssyncset.done $0x0  }
0xa4: {  	s25 =	simm.s32 $0x1B8E;
	s24 =	sld [smem:$0x3FFE];
	[sflag:s23] =	ssyncadd.s32 $0xFFFFFFFF  }
0xa5: {  	s26 =	simm.s32 $execute0_lowered;
	[smem:$0x3FD2] =	sst s25  }
0xa6: {  	s5 =	sshll.u32 s26, $0x1;
	_ =	strace $0x80000046;
	[dreg:$0x1] =	wrdreg $0xFFFFFFFF  }
0xa7: {  	s28 =	simm.s32 $_size_execute0_lowered;
	s3 =	sadd.s32 s3, s5;
	[dreg:$0x0] =	wrdreg $0x0  }
0xa8: {  	s5 =	sshll.u32 s28, $0x1;
	[dreg:$0x2] =	wrdreg s3  }
0xa9: {  	[dreg:$0x3] =	wrdreg s5  }
0xaa: {  	[dreg:$0x4] =	wrdreg $0xC0  }
0xab: {  	_ =	task [dreg:s7], $0x5FFFF  }
0xac: {  	[dreg:$0x1] =	wrdreg $0xFFFFFFFF  }
0xad: {  	[dreg:$0x0] =	wrdreg $0x60  }
0xae: {  	[dreg:$0x2] =	wrdreg s2  }
0xaf: {  	[dreg:$0x3] =	wrdreg s24  }
0xb0: {  	[dreg:$0x4] =	wrdreg $0xA8000  }
0xb1: {  	[dreg:$0x5] =	wrdreg $0x9  }
0xb2: {  	_ =	task.clear_ibuf [dreg:s7], $0x6FFFF;
	_ =	strace $0x90000046  }
0xb3: {  	s29 =	simm.s32 $0x9;
	_ =	strace $0x80000048  }
0xb4: {  	_ =	swait.ge [sflag:s29], $0x1  }
0xb5: {  	[sflag:s29] =	ssyncadd.s32 $0xFFFFFFFF  }
0xb6: {  	_ =	strace $0x90000048  }
0xb7: {  	_ =	sfence  }
0xb8: {  	s30 =	sld [smem:$0x0];
	_ =	sdelay $0x2  }
0xb9: {  	s31 =	sshll.u32 s1, $0xD;
	s1 =	sshrl.u32 s1, $0x2  }
0xba: {  	s3 =	sand.u32 $0x4000, s31;
	s1 =	sadd.s32 s1, s30  }
0xbb: {  	s0 =	sor.u32 s3, s0;
	s1 =	sshll.u32 s1, $0x11  }
0xbc: {  	s0 =	sor.u32 s1, s0  }
0xbd: {  	s0 =	sadd.s32 $0x8F2B, s0  }
0xbe: {  	[sflag:s0] =	ssyncadd.remote.s32 $0x1  }
0xbf: {  	_ =	sfence.sel $0xFFFF  }
0xc0: {  	[dreg:$0x0] =	wrdreg $0xFFFFFFFF;
	(pc) =	sbr.abs _section_cstart, $3  }
0xc1: {  	[dreg:$0x1] =	wrdreg $0xFFFFFFFF  }
0xc2: {  	_ =	task.clear_ibuf [dreg:s7], $0x2FFFF;
	_ =	strace $0x9FFFFFFF  }
0xc3: {  	(tm) =	ssettm $0x7FFFFFFF  }
tec
execute0_lowered:
.L_overlay_start_1:
0x0: {  	(tag) =	ssettag $0x1  }
0x1: {  	s1 =	rddreg [dreg:$0x0]  }
0x2: {  	s0 =	rddreg [dreg:$0x1]  }
0x3: {  	s2 =	rddreg [dreg:$0x2];
	s3 =	simm.s32 $0x0  }
0x4: {  	s5 =	srdreg.scid;
	s23 =	stileid.u32;
	s20 =	simm.s32 $0x1400  }
0x5: {  	s21 =	simm.s32 $0x80;
	s22 =	simm.s32 $0x2800;
	s28 =	simm.s32 $0x2  }
0x6: {  	s29 =	simm.s32 $0x1380;
	s30 =	simm.s32 $0x2700;
	s31 =	simm.s32 $0x2780  }
0x7: {  	[smem:$0x7FF] =	sst s3;
	s4 =	sadd.s32 $0x8A00, s0;
	s13 =	sadd.s32 $0x12A00, s0  }
0x8: {  	s6 =	sand.u32 $0x1, s5;
	s5 =	sadd.s32 $0x1CA00, s0;
	s8 =	smul.u32 $0x50000, s23  }
0x9: {  	s0 =	sadd.s32 $0x1D200, s0;
	s11 =	smul.u32 $0x13800, s23;
	s24 =	sshll.u32 s23, $0x6  }
0xa: {  	s26 =	smul.u32 $0x4E000, s23;
	p0 =	sne.s32 s23, $0xF;
	_ =	strace $0x80000047  }
0xb: {  	s7 =	ssub.s32 $0x2, s6;
	s10 =	smul.u32 $0x138800, s6;
	s6 =	sshll.u32 s6, $0x4  }
0xc: {  	s9 =	sshrl.u32 s7, $0x1;
	s8 =	sshrl.u32 s8, $0x2;
	s12 =	sor.u32 s23, s6  }
0xd: {  	s6 =	sor.u32 $0x1C03, s24;
	s23 =	simm.s32 $0x1;
	s9 =	ssub.s32 s7, s9  }
0xe: {  	s14 =	sadd.s32 s8, s2;
	s25 =	sadd.s32 s11, s10;
	s10 =	sshrl.u32 s10, $0x3  }
0xf: {  	s8 =	sshrl.u32 s26, $0x2;
	s12 =	smul.u32 $0x500, s12;
	s26 =	simm.s32 $0x6800  }
0x10: {  	s7 =	sshrl.u32 s25, $0x3;
	s24 =	sadd.s32 s8, s2;
	s9 =	smax.u32 s9, $0x1  }
0x11: {  	s16 =	sadd.s32 $0x4000, s14;
	s17 =	sadd.s32 $0x8000, s14;
	s18 =	sadd.s32 $0xC000, s14  }
0x12: {  	s19 =	sadd.s32 $0x10000, s14;
	s14 =	sshrl.u32 s14, $0x3;
	s7 =	sadd.s32 s0, s7  }
0x13: {  	s0 =	sadd.s32 s0, s10;
	s10 =	sadd.s32 s4, s12;
	s11 =	sadd.s32 s13, s12  }
0x14: {  	s15 =	sadd.s32 $0x280, s12;
	s16 =	sshrl.u32 s16, $0x3;
	s17 =	sshrl.u32 s17, $0x3  }
0x15: {  	s18 =	sshrl.u32 s18, $0x3;
	s19 =	sshrl.u32 s19, $0x3;
	s24 =	sshrl.u32 s24, $0x3  }
0x16: {  	[dreg:$0x4] =	wrdreg s7;
	s0 =	sadd.s32 $0x27000, s0;
	s12 =	sadd.s32 s4, s15  }
0x17: {  	s13 =	sadd.s32 s13, s15;
	[dreg:$0x5] =	wrdreg s0;
	s0 =	sadd.s32 $0x138000, s2  }
0x18: {  	s15 =	simm.s32 $0x3;
	s25 =	sshrl.u32 @!p0 s0, $0x3;
	s0 =	simm.s32 $0x0  }
.LBB2_1:
0x19: {  	[spmem:s14], [sflag:s6] =	dma.local [hbm:s5], $0x800  }
0x1a: {  	_ =	swait.ge [sflag:s15], $0x800  }
0x1b: {  	[sflag:s15] =	ssyncset.done $0x0  }
0x1c: {  	[sflag:s15] =	ssyncadd.s32 $0xFFFFF800  }
0x1d: {  	[spmem:s16], [sflag:s6] =	dma.local [hbm:s5], $0x800  }
0x1e: {  	_ =	swait.ge [sflag:s15], $0x800  }
0x1f: {  	[sflag:s15] =	ssyncset.done $0x0  }
0x20: {  	[sflag:s15] =	ssyncadd.s32 $0xFFFFF800  }
0x21: {  	[spmem:s17], [sflag:s6] =	dma.local [hbm:s5], $0x800  }
0x22: {  	_ =	swait.ge [sflag:s15], $0x800  }
0x23: {  	[sflag:s15] =	ssyncset.done $0x0  }
0x24: {  	[sflag:s15] =	ssyncadd.s32 $0xFFFFF800  }
0x25: {  	[spmem:s18], [sflag:s6] =	dma.local [hbm:s5], $0x800  }
0x26: {  	_ =	swait.ge [sflag:s15], $0x800  }
0x27: {  	[sflag:s15] =	ssyncset.done $0x0  }
0x28: {  	[sflag:s15] =	ssyncadd.s32 $0xFFFFF800  }
0x29: {  	[spmem:s19], [sflag:s6] =	dma.local [hbm:s5], $0x800  }
0x2a: {  	_ =	swait.ge [sflag:s15], $0x800  }
0x2b: {  	[sflag:s15] =	ssyncset.done $0x0  }
0x2c: {  	[sflag:s15] =	ssyncadd.s32 $0xFFFFF800  }
0x2d: {  	[bflag:$0x0] =	sbarrier.arrive $0xFFFF  }
0x2e: {  	[tilespmem:s3], [sflag:$0x3] =	stream.linear.gather [hbm4b:s10+s3], $0x1400, $0x38;
	[tilespmem:$0x1E800] =	vst v63  }
0x2f: {  	_ =	swait.ge [sflag:s15], $0x1400  }
0x30: {  	[sflag:s15] =	ssyncset.done $0x0  }
0x31: {  	[sflag:s15] =	ssyncadd.s32 $0xFFFFEC00  }
0x32: {  	[tilespmem:s20], [sflag:$0x3] =	stream.linear.gather [hbm4b:s11+s3], $0x1400, $0x38;
	[tilespmem:$0x1E800] =	vst v63  }
0x33: {  	_ =	swait.ge [sflag:s15], $0x1400  }
0x34: {  	[sflag:s15] =	ssyncset.done $0x0  }
0x35: {  	[sflag:s15] =	ssyncadd.s32 $0xFFFFEC00  }
0x36: {  	[tilespmem:s22], [sflag:$0x1] =	stream.indirect.gather [hbm4b:s1+s21], $0x80, s3, s21, $0xb8;
	[tilespmem:$0x1E800] =	vst v63  }
0x37: {  	_ =	swait.ge [sflag:s23], $0x4000  }
0x38: {  	[sflag:s23] =	ssyncset.done $0x0  }
0x39: {  	s4 =	simm.s32 $0x80;
	[sflag:s23] =	ssyncadd.s32 $0xFFFFC000  }
0x3a: {  	[tilespmem:s26], [sflag:$0x2] =	stream.indirect.gather [hbm4b:s1+s21], $0x80, s4, s21, $0xb8;
	[tilespmem:$0x1E800] =	vst v63  }
0x3b: {  	s8 =	simm.s32 $0x1400  }
0x3c: {  	[spmem:s2] =	stream.indirect.scatter.add.f32 [tilespmem:s22], [sflag:$0x3], $0x80, s8, s21, $0xb8;
	[tilespmem:$0x1E800] =	vst v63  }
0x3d: {  	_ =	swait.ge [sflag:s15], $0x4000  }
0x3e: {  	[sflag:s15] =	ssyncset.done $0x0  }
0x3f: {  	[sflag:s15] =	ssyncadd.s32 $0xFFFFC000  }
0x40: {  	_ =	swait.ge [sflag:s28], $0x4000  }
0x41: {  	[sflag:s28] =	ssyncset.done $0x0  }
0x42: {  	s7 =	simm.s32 $0x100;
	[sflag:s28] =	ssyncadd.s32 $0xFFFFC000  }
0x43: {  	[tilespmem:s22], [sflag:$0x1] =	stream.indirect.gather [hbm4b:s1+s21], $0x80, s7, s21, $0xb8;
	[tilespmem:$0x1E800] =	vst v63  }
0x44: {  	s8 =	simm.s32 $0x1480  }
0x45: {  	[spmem:s2] =	stream.indirect.scatter.add.f32 [tilespmem:s26], [sflag:$0x3], $0x80, s8, s21, $0xb8;
	[tilespmem:$0x1E800] =	vst v63  }
0x46: {  	_ =	swait.ge [sflag:s15], $0x4000  }
0x47: {  	s4 =	simm.s32 $0x400;
	[sflag:s15] =	ssyncset.done $0x0  }
.LBB2_2:
0x48: {  	p1 =	sne.s32 s4, $0x4800  }
0x49: {  	[sflag:s15] =	ssyncadd.s32 $0xFFFFC000;
	s7 =	smov.u32 s4;
	s4 =	sadd.s32 $0x400, s4  }
0x4a: {  	_ = 	snop  }
0x4b: {  	_ =	swait.ge [sflag:s23], $0x4000  }
0x4c: {  	s7 =	sshra.s32 s7, $0x2;
	[sflag:s23] =	ssyncset.done $0x0  }
0x4d: {  	s8 =	sadd.s32 $0x80, s7;
	[sflag:s23] =	ssyncadd.s32 $0xFFFFC000  }
0x4e: {  	[tilespmem:s26], [sflag:$0x2] =	stream.indirect.gather [hbm4b:s1+s21], $0x80, s8, s21, $0xb8;
	[tilespmem:$0x1E800] =	vst v63  }
0x4f: {  	s8 =	sadd.s32 $0x1400, s7  }
0x50: {  	[spmem:s2] =	stream.indirect.scatter.add.f32 [tilespmem:s22], [sflag:$0x3], $0x80, s8, s21, $0xb8;
	[tilespmem:$0x1E800] =	vst v63  }
0x51: {  	_ =	swait.ge [sflag:s15], $0x4000  }
0x52: {  	[sflag:s15] =	ssyncset.done $0x0  }
0x53: {  	[sflag:s15] =	ssyncadd.s32 $0xFFFFC000  }
0x54: {  	_ =	swait.ge [sflag:s28], $0x4000  }
0x55: {  	[sflag:s28] =	ssyncset.done $0x0  }
0x56: {  	s8 =	sadd.s32 $0x100, s7;
	[sflag:s28] =	ssyncadd.s32 $0xFFFFC000  }
0x57: {  	[tilespmem:s22], [sflag:$0x1] =	stream.indirect.gather [hbm4b:s1+s21], $0x80, s8, s21, $0xb8;
	[tilespmem:$0x1E800] =	vst v63  }
.Ltmp0:
0x58: {  	_ = 	snop;
	(pc) =	sbr.rel @p1 .LBB2_2-.Ltmp0, $4  }
0x59: {  	s7 =	sadd.s32 $0x1480, s7  }
0x5a: {  	[spmem:s2] =	stream.indirect.scatter.add.f32 [tilespmem:s26], [sflag:$0x3], $0x80, s7, s21, $0xb8;
	[tilespmem:$0x1E800] =	vst v63  }
0x5b: {  	_ =	swait.ge [sflag:s15], $0x4000  }
0x5c: {  	[sflag:s15] =	ssyncset.done $0x0  }
0x5d: {  	[sflag:s15] =	ssyncadd.s32 $0xFFFFC000  }
0x5e: {  	_ =	swait.ge [sflag:s23], $0x4000  }
0x5f: {  	[sflag:s23] =	ssyncset.done $0x0  }
0x60: {  	[sflag:s23] =	ssyncadd.s32 $0xFFFFC000  }
0x61: {  	[tilespmem:s26], [sflag:$0x2] =	stream.indirect.gather [hbm4b:s1+s21], $0x80, s29, s21, $0xb8;
	[tilespmem:$0x1E800] =	vst v63  }
0x62: {  	_ = 	snop  }
0x63: {  	[spmem:s2] =	stream.indirect.scatter.add.f32 [tilespmem:s22], [sflag:$0x3], $0x80, s30, s21, $0xb8;
	[tilespmem:$0x1E800] =	vst v63  }
0x64: {  	_ =	swait.ge [sflag:s15], $0x4000  }
0x65: {  	[sflag:s15] =	ssyncset.done $0x0  }
0x66: {  	[sflag:s15] =	ssyncadd.s32 $0xFFFFC000  }
0x67: {  	_ =	swait.ge [sflag:s28], $0x4000  }
0x68: {  	[sflag:s28] =	ssyncset.done $0x0  }
0x69: {  	[sflag:s28] =	ssyncadd.s32 $0xFFFFC000  }
0x6a: {  	[spmem:s2] =	stream.indirect.scatter.add.f32 [tilespmem:s26], [sflag:$0x3], $0x80, s31, s21, $0xb8;
	[tilespmem:$0x1E800] =	vst v63  }
0x6b: {  	_ =	swait.ge [sflag:s15], $0x4000  }
0x6c: {  	[sflag:s15] =	ssyncset.done $0x0  }
0x6d: {  	s4 =	simm.s32 $0x0;
	[sflag:s15] =	ssyncadd.s32 $0xFFFFC000  }
0x6e: {  	[tilespmem:s4], [sflag:$0x3] =	stream.linear.gather [hbm4b:s12+s4], $0x1400, $0x38;
	[tilespmem:$0x1E800] =	vst v63  }
0x6f: {  	_ =	swait.ge [sflag:s15], $0x1400  }
0x70: {  	[sflag:s15] =	ssyncset.done $0x0  }
0x71: {  	[sflag:s15] =	ssyncadd.s32 $0xFFFFEC00  }
0x72: {  	[tilespmem:s20], [sflag:$0x3] =	stream.linear.gather [hbm4b:s13+s4], $0x1400, $0x38;
	[tilespmem:$0x1E800] =	vst v63  }
0x73: {  	_ =	swait.ge [sflag:s15], $0x1400  }
0x74: {  	[sflag:s15] =	ssyncset.done $0x0  }
0x75: {  	[sflag:s15] =	ssyncadd.s32 $0xFFFFEC00  }
0x76: {  	[tilespmem:s22], [sflag:$0x1] =	stream.indirect.gather [hbm4b:s1+s21], $0x80, s4, s21, $0xb8;
	[tilespmem:$0x1E800] =	vst v63  }
0x77: {  	_ =	swait.ge [sflag:s23], $0x4000  }
0x78: {  	[sflag:s23] =	ssyncset.done $0x0  }
0x79: {  	s7 =	simm.s32 $0x80;
	[sflag:s23] =	ssyncadd.s32 $0xFFFFC000  }
0x7a: {  	[tilespmem:s26], [sflag:$0x2] =	stream.indirect.gather [hbm4b:s1+s21], $0x80, s7, s21, $0xb8;
	[tilespmem:$0x1E800] =	vst v63  }
0x7b: {  	s8 =	simm.s32 $0x1400  }
0x7c: {  	[spmem:s2] =	stream.indirect.scatter.add.f32 [tilespmem:s22], [sflag:$0x3], $0x80, s8, s21, $0xb8;
	[tilespmem:$0x1E800] =	vst v63  }
0x7d: {  	_ =	swait.ge [sflag:s15], $0x4000  }
0x7e: {  	[sflag:s15] =	ssyncset.done $0x0  }
0x7f: {  	[sflag:s15] =	ssyncadd.s32 $0xFFFFC000  }
0x80: {  	_ =	swait.ge [sflag:s28], $0x4000  }
0x81: {  	[sflag:s28] =	ssyncset.done $0x0  }
0x82: {  	s7 =	simm.s32 $0x100;
	[sflag:s28] =	ssyncadd.s32 $0xFFFFC000  }
0x83: {  	[tilespmem:s22], [sflag:$0x1] =	stream.indirect.gather [hbm4b:s1+s21], $0x80, s7, s21, $0xb8;
	[tilespmem:$0x1E800] =	vst v63  }
0x84: {  	s8 =	simm.s32 $0x1480  }
0x85: {  	[spmem:s2] =	stream.indirect.scatter.add.f32 [tilespmem:s26], [sflag:$0x3], $0x80, s8, s21, $0xb8;
	[tilespmem:$0x1E800] =	vst v63  }
0x86: {  	_ =	swait.ge [sflag:s15], $0x4000  }
0x87: {  	s4 =	simm.s32 $0x400;
	[sflag:s15] =	ssyncset.done $0x0  }
.LBB2_4:
0x88: {  	p1 =	sne.s32 s4, $0x4800  }
0x89: {  	[sflag:s15] =	ssyncadd.s32 $0xFFFFC000;
	s7 =	smov.u32 s4;
	s4 =	sadd.s32 $0x400, s4  }
0x8a: {  	_ = 	snop  }
0x8b: {  	_ =	swait.ge [sflag:s23], $0x4000  }
0x8c: {  	s7 =	sshra.s32 s7, $0x2;
	[sflag:s23] =	ssyncset.done $0x0  }
0x8d: {  	s8 =	sadd.s32 $0x80, s7;
	[sflag:s23] =	ssyncadd.s32 $0xFFFFC000  }
0x8e: {  	[tilespmem:s26], [sflag:$0x2] =	stream.indirect.gather [hbm4b:s1+s21], $0x80, s8, s21, $0xb8;
	[tilespmem:$0x1E800] =	vst v63  }
0x8f: {  	s8 =	sadd.s32 $0x1400, s7  }
0x90: {  	[spmem:s2] =	stream.indirect.scatter.add.f32 [tilespmem:s22], [sflag:$0x3], $0x80, s8, s21, $0xb8;
	[tilespmem:$0x1E800] =	vst v63  }
0x91: {  	_ =	swait.ge [sflag:s15], $0x4000  }
0x92: {  	[sflag:s15] =	ssyncset.done $0x0  }
0x93: {  	[sflag:s15] =	ssyncadd.s32 $0xFFFFC000  }
0x94: {  	_ =	swait.ge [sflag:s28], $0x4000  }
0x95: {  	[sflag:s28] =	ssyncset.done $0x0  }
0x96: {  	s8 =	sadd.s32 $0x100, s7;
	[sflag:s28] =	ssyncadd.s32 $0xFFFFC000  }
0x97: {  	[tilespmem:s22], [sflag:$0x1] =	stream.indirect.gather [hbm4b:s1+s21], $0x80, s8, s21, $0xb8;
	[tilespmem:$0x1E800] =	vst v63  }
.Ltmp1:
0x98: {  	_ = 	snop;
	(pc) =	sbr.rel @p1 .LBB2_4-.Ltmp1, $4  }
0x99: {  	s7 =	sadd.s32 $0x1480, s7  }
0x9a: {  	[spmem:s2] =	stream.indirect.scatter.add.f32 [tilespmem:s26], [sflag:$0x3], $0x80, s7, s21, $0xb8;
	[tilespmem:$0x1E800] =	vst v63  }
0x9b: {  	_ =	swait.ge [sflag:s15], $0x4000  }
0x9c: {  	[sflag:s15] =	ssyncset.done $0x0  }
0x9d: {  	[sflag:s15] =	ssyncadd.s32 $0xFFFFC000  }
0x9e: {  	_ =	swait.ge [sflag:s23], $0x4000  }
0x9f: {  	[sflag:s23] =	ssyncset.done $0x0  }
0xa0: {  	[sflag:s23] =	ssyncadd.s32 $0xFFFFC000  }
0xa1: {  	[tilespmem:s26], [sflag:$0x2] =	stream.indirect.gather [hbm4b:s1+s21], $0x80, s29, s21, $0xb8;
	[tilespmem:$0x1E800] =	vst v63  }
0xa2: {  	_ = 	snop  }
0xa3: {  	[spmem:s2] =	stream.indirect.scatter.add.f32 [tilespmem:s22], [sflag:$0x3], $0x80, s30, s21, $0xb8;
	[tilespmem:$0x1E800] =	vst v63  }
0xa4: {  	_ =	swait.ge [sflag:s15], $0x4000  }
0xa5: {  	[sflag:s15] =	ssyncset.done $0x0  }
0xa6: {  	[sflag:s15] =	ssyncadd.s32 $0xFFFFC000  }
0xa7: {  	_ =	swait.ge [sflag:s28], $0x4000  }
0xa8: {  	[sflag:s28] =	ssyncset.done $0x0  }
0xa9: {  	[sflag:s28] =	ssyncadd.s32 $0xFFFFC000  }
0xaa: {  	[spmem:s2] =	stream.indirect.scatter.add.f32 [tilespmem:s26], [sflag:$0x3], $0x80, s31, s21, $0xb8;
	[tilespmem:$0x1E800] =	vst v63  }
0xab: {  	_ =	swait.ge [sflag:s15], $0x4000  }
0xac: {  	[sflag:s15] =	ssyncset.done $0x0  }
0xad: {  	[sflag:s15] =	ssyncadd.s32 $0xFFFFC000  }
0xae: {  	[bflag:$0x0] =	sbarrier.arrive $0xFFFF  }
0xaf: {  	s4 =	rddreg [dreg:$0x4]  }
0xb0: {  	[hbm:s4], [sflag:s6] =	dma.local [spmem:s24], $0x2700  }
0xb1: {  	_ =	swait.ge [sflag:s15], $0x2700  }
0xb2: {  	s0 =	sadd.s32 $0x1, s0;
	[sflag:s15] =	ssyncset.done $0x0  }
0xb3: {  	p1 =	sne.s32 s0, s9;
	s4 =	rddreg [dreg:$0x5];
	[sflag:s15] =	ssyncadd.s32 $0xFFFFD900  }
0xb4: {  	[hbm:s4], [sflag:s6] =	dma.local @!p0 [spmem:s25], $0x100  }
.Ltmp2:
0xb5: {  	_ = 	snop;
	(pc) =	sbr.rel @p1 .LBB2_1-.Ltmp2, $4  }
0xb6: {  	s4 =	simm.s32 @!p0 $0x3  }
0xb7: {  	_ =	swait.ge @!p0 [sflag:s4], $0x100  }
0xb8: {  	[sflag:s4] =	ssyncset.done @!p0 $0x0  }
0xb9: {  	[sflag:s4] =	ssyncadd.s32 @!p0 $0xFFFFFF00  }
0xba: {  	_ =	sfence.sel $0x180000  }
0xbb: {  	[bflag:$0x0] =	sbarrier.arrive $0xFFFF  }
0xbc: {  	_ =	strace $0x90000047  }
0xbd: {  	s0 =	stileid.u32;
	[bflag:$0x2] =	sbarrier.arrive $0xFFFF  }
0xbe: {  	p0 =	sne.s32 s0, $0x0;
	s0 =	rddreg [dreg:$0x3]  }
0xbf: {  	s0 =	sadd.s32 @!p0 $0x100000, s0  }
0xc0: {  	[sflag:s0] =	ssyncadd.tile.s32 @!p0 $0x1;
	_ =	shalt  }
.Lfunc_end2:
_tile_overlayer_lowered:
.L_overlay_start_2:
0xc1: {  	(tag) =	ssettag $0x2  }
0xc2: {  	s0 =	rddreg [dreg:$0x0];
	s2 =	stileid.u32  }
0xc3: {  	s1 =	rddreg [dreg:$0x1];
	p0 =	sne.s32 s2, $0x0  }
0xc4: {  	s3 =	rddreg [dreg:$0x2];
	[bflag:$0x3] =	sbarrier.arrive $0xFFFF;
	s2 =	simm.s32 @!p0 $0x1C03  }
0xc5: {  	[timem:s3], [sflag:s2] =	dma.local @!p0 [hbm:s0], s1  }
0xc6: {  	s0 =	simm.s32 @!p0 $0x3  }
0xc7: {  	_ =	swait.ge @!p0 [sflag:s0], s1  }
0xc8: {  	s1 =	ssub.s32 @!p0 $0x0, s1;
	[sflag:s0] =	ssyncset.done @!p0 $0x0  }
0xc9: {  	[sflag:s0] =	ssyncadd.s32 @!p0 s1  }
0xca: {  	[bflag:$0x3] =	sbarrier.arrive $0xFFFF  }
0xcb: {  	_ =	shalt  }

// kernel: kernel.14.cloned.1.call-start
scs
__scs_entry_jumppad:
0x0: {  	(pc) =	sbr.rel $0x88, $3  }
0x1: {  	(tag) =	ssettag $0x0;
	lr =	simm.s32 $0x1  }
0x2: {  	[smem:$0x3F72] =	sst lr;
	_ =	strace $0xD0000000  }
0x3: {  	_ = 	snop  }
0x4: {  	_ = 	snop  }
0x5: {  	_ = 	snop  }
0x6: {  	_ = 	snop  }
0x7: {  	_ = 	snop  }
__scs_overlays_trampoline_lowered:
0x8: {  	[smem:$0x3F81] =	sst s0  }
0x9: {  	[smem:$0x3F82] =	sst s1  }
0xa: {  	[smem:$0x3F83] =	sst s2  }
0xb: {  	[smem:$0x3F84] =	sst s3  }
0xc: {  	[smem:$0x3F85] =	sst s4  }
0xd: {  	[smem:$0x3F86] =	sst s5  }
0xe: {  	[smem:$0x3F87] =	sst s6  }
0xf: {  	[smem:$0x3F88] =	sst s7  }
0x10: {  	[smem:$0x3F89] =	sst s8  }
0x11: {  	[smem:$0x3F8A] =	sst s9;
	s0 =	simm.s32 @!p0 $0x0  }
0x12: {  	s1 =	sld [smem:$0x3F70];
	s0 =	simm.s32 @p0 $0x1  }
0x13: {  	[smem:$0x3F8B] =	sst s0;
	s0 =	simm.s32 @!p1 $0x0  }
0x14: {  	s2 =	sld [smem:$0x3F6F];
	s0 =	simm.s32 @p1 $0x1  }
0x15: {  	[smem:$0x3F8C] =	sst s0;
	s0 =	simm.s32 @!p2 $0x0  }
0x16: {  	s3 =	sld [smem:$0x3FDB];
	s0 =	simm.s32 @p2 $0x1  }
0x17: {  	s4 =	simm.s32 $0x1BF5;
	[smem:$0x3F8E] =	sst s0  }
0x18: {  	s0 =	sld [smem:$0x3F71];
	_ =	swait.ge [sflag:s4], $0x0  }
0x19: {  	s7 =	sld [smem:$0x3F72]  }
0x1a: {  	s8 =	sadd.s32 $0xFFFFE003, lr  }
0x1b: {  	s9 =	sadd.s32 $0xFFFFFEF7, lr;
	s5 =	simm.s32 $0xFFFFFFFF;
	p2 =	slt.u32 s8, $0xFFFFF086  }
0x1c: {  	p1 =	slt.u32 s9, $0xF7A;
	s5 =	simm.s32 @!p2 $0x0  }
0x1d: {  	s5 =	simm.s32 @p1 $0x1;
	p0 =	seq.s32 s7, s2  }
0x1e: {  	s7 =	smul.u32 @!p0 $0xF7A, s2;
	p2 =	seq.s32 @!p0 s5, $0x0  }
0x1f: {  	s9 =	smul.u32 $0xF7A, s1;
	s8 =	simm.s32 @!p0 $0x1BF5;
	p2 =	por !p2, p0  }
0x20: {  	[sflag:s8] =	ssyncset.s32 @!p0 $0xFFFFF086;
	s6 =	sadd.s32 @!p0 s3, s7;
	s7 =	simm.s32 @!p0 $0x108  }
0x21: {  	s3 =	sadd.s32 s3, s9;
	s6 =	sadd.s32 @!p0 $0x88, s6;
	s7 =	simm.s32 @p2 $0x1082  }
0x22: {  	[simem:s7], [sflag:s8] =	dma.local @!p0 [hbm:s6], $0xF7A  }
0x23: {  	s9 =	sor.u32 $0xD0000000, s2;
	s6 =	simm.s32 $0x108;
	_ =	swait.ge @!p0 [sflag:s8], $0x0  }
0x24: {  	s3 =	sadd.s32 $0x88, s3;
	s6 =	simm.s32 @!p1 $0x1082;
	[sflag:s4] =	ssyncset.s32 $0xFFFFF086  }
0x25: {  	[simem:s6], [sflag:s4] =	dma.local [hbm:s3], $0xF7A  }
0x26: {  	[smem:$0x3F72] =	sst s1;
	(tag) =	ssettag s2;
	_ =	strace s9  }
0x27: {  	s1 =	sld [smem:$0x3F82]  }
0x28: {  	s2 =	sld [smem:$0x3F83]  }
0x29: {  	s4 =	sld [smem:$0x3F85]  }
0x2a: {  	p0 =	seq.s32 s5, $0x0;
	s5 =	sld [smem:$0x3F86]  }
0x2b: {  	s6 =	sld [smem:$0x3F87]  }
0x2c: {  	s7 =	sld [smem:$0x3F88]  }
0x2d: {  	s3 =	simm.s32 $0x108;
	s8 =	sld [smem:$0x3F89]  }
0x2e: {  	s3 =	simm.s32 @!p0 $0x1082;
	s9 =	sld [smem:$0x3F8A]  }
0x2f: {  	lr =	sadd.s32 s0, s3;
	s0 =	sld [smem:$0x3F81]  }
0x30: {  	s3 =	sld [smem:$0x3F84]  }
0x31: {  	[smem:$0x3F8D] =	sst s10  }
0x32: {  	s10 =	sld [smem:$0x3F8B];
	_ =	sdelay $0x3  }
0x33: {  	p0 =	seq.s32 s10, $0x1;
	s10 =	sld [smem:$0x3F8D];
	_ =	sdelay $0x3  }
0x34: {  	[smem:$0x3F8D] =	sst s10  }
0x35: {  	s10 =	sld [smem:$0x3F8C];
	_ =	sdelay $0x3  }
0x36: {  	p1 =	seq.s32 s10, $0x1;
	s10 =	sld [smem:$0x3F8D];
	_ =	sdelay $0x3  }
0x37: {  	[smem:$0x3F8D] =	sst s10  }
0x38: {  	s10 =	sld [smem:$0x3F8E]  }
0x39: {  	_ = 	snop;
	(pc) =	sbr.ind lr, $3  }
0x3a: {  	_ = 	snop  }
0x3b: {  	_ = 	snop  }
0x3c: {  	p2 =	seq.s32 s10, $0x1;
	s10 =	sld [smem:$0x3F8D]  }
0x3d: {  	_ =	shalt  }
0x3e: {  	_ =	shalt  }
0x3f: {  	_ =	shalt  }
0x40: {  	_ =	shalt  }
0x41: {  	_ =	shalt  }
0x42: {  	_ =	shalt  }
0x43: {  	_ =	shalt  }
0x44: {  	_ =	shalt  }
0x45: {  	_ =	shalt  }
0x46: {  	_ =	shalt  }
0x47: {  	_ =	shalt  }
0x48: {  	_ =	shalt  }
0x49: {  	_ =	shalt  }
0x4a: {  	_ =	shalt  }
0x4b: {  	_ =	shalt  }
0x4c: {  	_ =	shalt  }
0x4d: {  	_ =	shalt  }
0x4e: {  	_ =	shalt  }
0x4f: {  	_ =	shalt  }
0x50: {  	_ =	shalt  }
0x51: {  	_ =	shalt  }
0x52: {  	_ =	shalt  }
0x53: {  	_ =	shalt  }
0x54: {  	_ =	shalt  }
0x55: {  	_ =	shalt  }
0x56: {  	_ =	shalt  }
0x57: {  	_ =	shalt  }
0x58: {  	_ =	shalt  }
0x59: {  	_ =	shalt  }
0x5a: {  	_ =	shalt  }
0x5b: {  	_ =	shalt  }
0x5c: {  	_ =	shalt  }
0x5d: {  	_ =	shalt  }
0x5e: {  	_ =	shalt  }
0x5f: {  	_ =	shalt  }
0x60: {  	_ =	shalt  }
0x61: {  	_ =	shalt  }
0x62: {  	_ =	shalt  }
0x63: {  	_ =	shalt  }
0x64: {  	_ =	shalt  }
0x65: {  	_ =	shalt  }
0x66: {  	_ =	shalt  }
0x67: {  	_ =	shalt  }
0x68: {  	_ =	shalt  }
0x69: {  	_ =	shalt  }
0x6a: {  	_ =	shalt  }
0x6b: {  	_ =	shalt  }
0x6c: {  	_ =	shalt  }
0x6d: {  	_ =	shalt  }
0x6e: {  	_ =	shalt  }
0x6f: {  	_ =	shalt  }
0x70: {  	_ =	shalt  }
0x71: {  	_ =	shalt  }
0x72: {  	_ =	shalt  }
0x73: {  	_ =	shalt  }
0x74: {  	_ =	shalt  }
0x75: {  	_ =	shalt  }
0x76: {  	_ =	shalt  }
0x77: {  	_ =	shalt  }
0x78: {  	_ =	shalt  }
0x79: {  	_ =	shalt  }
0x7a: {  	_ =	shalt  }
0x7b: {  	_ =	shalt  }
0x7c: {  	_ =	shalt  }
0x7d: {  	_ =	shalt  }
0x7e: {  	_ =	shalt  }
0x7f: {  	_ =	shalt  }
0x80: {  	_ =	shalt  }
0x81: {  	_ =	shalt  }
0x82: {  	_ =	shalt  }
0x83: {  	_ =	shalt  }
0x84: {  	_ =	shalt  }
0x85: {  	_ =	shalt  }
0x86: {  	_ =	shalt  }
0x87: {  	_ =	shalt  }
.Lfunc_end0:
.L_simem_size_0:
called_computation.1_lowered:
.L_overlay_start_0:
0x88: {  	s2 =	sld [smem:$0x3FD9]  }
0x89: {  	s3 =	sld [smem:$0x3FFE];
	_ =	sdelay $0x1  }
0x8a: {  	s1 =	srdreg.scid  }
0x8b: {  	s0 =	sand.u32 $0x1, s1  }
0x8c: {  	s16 =	sshll.u32 s0, $0xA;
	s2 =	sadd.s32 s3, s2  }
0x8d: {  	s2 =	sadd.s32 s2, s16  }
0x8e: {  	[smem:$0x3F99] =	sst s2  }
0x8f: {  	_ = 	snop  }
0x90: {  	(tm) =	ssettm $0x1  }
0x91: {  	s17 =	sld [smem:$0x3FFB];
	_ =	sdelay $0x3  }
0x92: {  	_ =	strace s17  }
0x93: {  	s2 =	sld [smem:$0x3FFC];
	_ =	sdelay $0x3  }
0x94: {  	_ =	strace s2  }
0x95: {  	s2 =	sld [smem:$0x3FFD];
	_ =	sdelay $0x3  }
0x96: {  	_ =	strace s2  }
0x97: {  	_ =	strace $0x8FFFFFFF  }
0x98: {  	s18 =	sld [smem:$0x3FDB];
	_ =	sdelay $0x1  }
0x99: {  	s19 =	simm.s32 $_scs_section_size  }
0x9a: {  	s4 =	simm.s32 $_size__tile_overlayer_lowered;
	s5 =	simm.s32 $_tile_overlayer_lowered  }
0x9b: {  	s22 =	simm.s32 $0x1BFF;
	s21 =	sshll.u32 s5, $0x1;
	s2 =	sadd.s32 s19, s18  }
0x9c: {  	s6 =	simm.s32 $0x0;
	s20 =	sshll.u32 s4, $0x1;
	s4 =	sadd.s32 s21, s2  }
0x9d: {  	[timem:s6], [sflag:s22] =	dma.local [hbm:s4], s20  }
0x9e: {  	_ =	swait.ge [sflag:s22], s20  }
0x9f: {  	s3 =	ssub.s32 $0x0, s20;
	[sflag:s22] =	ssyncset.done $0x0  }
0xa0: {  	[sflag:s22] =	ssyncadd.s32 s3;
	_ =	sdelay $0x1  }
0xa1: {  	s23 =	simm.s32 $0x1B8B  }
0xa2: {  	_ =	swait.ge [sflag:s23], $0x1  }
0xa3: {  	[sflag:s23] =	ssyncset.done $0x0  }
0xa4: {  	s25 =	simm.s32 $0x1B8E;
	s24 =	sld [smem:$0x3FFE];
	[sflag:s23] =	ssyncadd.s32 $0xFFFFFFFF  }
0xa5: {  	s26 =	simm.s32 $execute0_lowered;
	[smem:$0x3FD2] =	sst s25  }
0xa6: {  	s4 =	sshll.u32 s26, $0x1;
	_ =	strace $0x80000049;
	[dreg:$0x1] =	wrdreg $0xFFFFFFFF  }
0xa7: {  	s28 =	simm.s32 $_size_execute0_lowered;
	s2 =	sadd.s32 s2, s4;
	[dreg:$0x0] =	wrdreg $0x0  }
0xa8: {  	s4 =	sshll.u32 s28, $0x1;
	[dreg:$0x2] =	wrdreg s2  }
0xa9: {  	[dreg:$0x3] =	wrdreg s4  }
0xaa: {  	[dreg:$0x4] =	wrdreg $0xC0  }
0xab: {  	_ =	task [dreg:s6], $0x5FFFF  }
0xac: {  	[dreg:$0x1] =	wrdreg $0xFFFFFFFF  }
0xad: {  	[dreg:$0x0] =	wrdreg $0x60  }
0xae: {  	[dreg:$0x2] =	wrdreg s24  }
0xaf: {  	[dreg:$0x3] =	wrdreg $0xA8000  }
0xb0: {  	[dreg:$0x4] =	wrdreg $0x9  }
0xb1: {  	_ =	task.clear_ibuf [dreg:s6], $0x5FFFF;
	_ =	strace $0x90000049  }
0xb2: {  	s29 =	simm.s32 $0x9;
	_ =	strace $0x8000004B  }
0xb3: {  	_ =	swait.ge [sflag:s29], $0x1  }
0xb4: {  	[sflag:s29] =	ssyncadd.s32 $0xFFFFFFFF  }
0xb5: {  	_ =	strace $0x9000004B  }
0xb6: {  	_ =	sfence  }
0xb7: {  	s30 =	sld [smem:$0x0];
	_ =	sdelay $0x2  }
0xb8: {  	s31 =	sshll.u32 s1, $0xD;
	s1 =	sshrl.u32 s1, $0x2  }
0xb9: {  	s3 =	sand.u32 $0x4000, s31;
	s1 =	sadd.s32 s1, s30  }
0xba: {  	s0 =	sor.u32 s3, s0;
	s1 =	sshll.u32 s1, $0x11  }
0xbb: {  	s0 =	sor.u32 s1, s0  }
0xbc: {  	s0 =	sadd.s32 $0x8F2B, s0  }
0xbd: {  	[sflag:s0] =	ssyncadd.remote.s32 $0x1  }
0xbe: {  	_ =	sfence.sel $0xFFFF  }
0xbf: {  	[dreg:$0x0] =	wrdreg $0xFFFFFFFF;
	(pc) =	sbr.abs _section_cstart, $3  }
0xc0: {  	[dreg:$0x1] =	wrdreg $0xFFFFFFFF  }
0xc1: {  	_ =	task.clear_ibuf [dreg:s6], $0x2FFFF;
	_ =	strace $0x9FFFFFFF  }
0xc2: {  	(tm) =	ssettm $0x7FFFFFFF  }
0xc3: {  	_ =	shalt  }
tec
execute0_lowered:
.L_overlay_start_1:
0x0: {  	(tag) =	ssettag $0x1  }
0x1: {  	s0 =	rddreg [dreg:$0x0]  }
0x2: {  	s1 =	rddreg [dreg:$0x1];
	s2 =	simm.s32 $0x0;
	s5 =	srdreg.scid  }
0x3: {  	s23 =	stileid.u32;
	s20 =	simm.s32 $0x1400;
	s21 =	simm.s32 $0x80  }
0x4: {  	s22 =	simm.s32 $0x2800;
	s28 =	simm.s32 $0x2;
	s29 =	simm.s32 $0x1380  }
0x5: {  	s30 =	simm.s32 $0x2700;
	s31 =	simm.s32 $0x2780;
	[smem:$0x7FF] =	sst s2  }
0x6: {  	s4 =	sadd.s32 $0x1D200, s0;
	s3 =	sadd.s32 $0x8A00, s0;
	s13 =	sadd.s32 $0x12A00, s0  }
0x7: {  	s6 =	sand.u32 $0x1, s5;
	s5 =	sadd.s32 $0x1CA00, s0;
	s8 =	smul.u32 $0x50000, s23  }
0x8: {  	s0 =	sadd.s32 $0x44400, s0;
	s11 =	smul.u32 $0x13800, s23;
	s24 =	sshll.u32 s23, $0x6  }
0x9: {  	s26 =	smul.u32 $0x4E000, s23;
	p0 =	sne.s32 s23, $0xF;
	_ =	strace $0x8000004A  }
0xa: {  	s7 =	ssub.s32 $0x2, s6;
	s10 =	smul.u32 $0x138800, s6;
	s6 =	sshll.u32 s6, $0x4  }
0xb: {  	s9 =	sshrl.u32 s7, $0x1;
	s8 =	sshrl.u32 s8, $0x2;
	s12 =	sor.u32 s23, s6  }
0xc: {  	s6 =	sor.u32 $0x1C03, s24;
	s23 =	simm.s32 $0x1;
	s9 =	ssub.s32 s7, s9  }
0xd: {  	s14 =	sadd.s32 s8, s1;
	s25 =	sadd.s32 s11, s10;
	s10 =	sshrl.u32 s10, $0x3  }
0xe: {  	s8 =	sshrl.u32 s26, $0x2;
	s12 =	smul.u32 $0x500, s12;
	s26 =	simm.s32 $0x6800  }
0xf: {  	s7 =	sshrl.u32 s25, $0x3;
	s24 =	sadd.s32 s8, s1;
	s9 =	smax.u32 s9, $0x1  }
0x10: {  	s16 =	sadd.s32 $0x4000, s14;
	s17 =	sadd.s32 $0x8000, s14;
	s18 =	sadd.s32 $0xC000, s14  }
0x11: {  	s19 =	sadd.s32 $0x10000, s14;
	s14 =	sshrl.u32 s14, $0x3;
	s7 =	sadd.s32 s0, s7  }
0x12: {  	s0 =	sadd.s32 s0, s10;
	s10 =	sadd.s32 s3, s12;
	s11 =	sadd.s32 s13, s12  }
0x13: {  	s15 =	sadd.s32 $0x280, s12;
	s16 =	sshrl.u32 s16, $0x3;
	s17 =	sshrl.u32 s17, $0x3  }
0x14: {  	s18 =	sshrl.u32 s18, $0x3;
	s19 =	sshrl.u32 s19, $0x3;
	s24 =	sshrl.u32 s24, $0x3  }
0x15: {  	[dreg:$0x3] =	wrdreg s7;
	s0 =	sadd.s32 $0x27000, s0;
	s12 =	sadd.s32 s3, s15  }
0x16: {  	s13 =	sadd.s32 s13, s15;
	[dreg:$0x4] =	wrdreg s0;
	s0 =	sadd.s32 $0x138000, s1  }
0x17: {  	s15 =	simm.s32 $0x3;
	s25 =	sshrl.u32 @!p0 s0, $0x3;
	s0 =	simm.s32 $0x0  }
.LBB2_1:
0x18: {  	[spmem:s14], [sflag:s6] =	dma.local [hbm:s5], $0x800  }
0x19: {  	_ =	swait.ge [sflag:s15], $0x800  }
0x1a: {  	[sflag:s15] =	ssyncset.done $0x0  }
0x1b: {  	[sflag:s15] =	ssyncadd.s32 $0xFFFFF800  }
0x1c: {  	[spmem:s16], [sflag:s6] =	dma.local [hbm:s5], $0x800  }
0x1d: {  	_ =	swait.ge [sflag:s15], $0x800  }
0x1e: {  	[sflag:s15] =	ssyncset.done $0x0  }
0x1f: {  	[sflag:s15] =	ssyncadd.s32 $0xFFFFF800  }
0x20: {  	[spmem:s17], [sflag:s6] =	dma.local [hbm:s5], $0x800  }
0x21: {  	_ =	swait.ge [sflag:s15], $0x800  }
0x22: {  	[sflag:s15] =	ssyncset.done $0x0  }
0x23: {  	[sflag:s15] =	ssyncadd.s32 $0xFFFFF800  }
0x24: {  	[spmem:s18], [sflag:s6] =	dma.local [hbm:s5], $0x800  }
0x25: {  	_ =	swait.ge [sflag:s15], $0x800  }
0x26: {  	[sflag:s15] =	ssyncset.done $0x0  }
0x27: {  	[sflag:s15] =	ssyncadd.s32 $0xFFFFF800  }
0x28: {  	[spmem:s19], [sflag:s6] =	dma.local [hbm:s5], $0x800  }
0x29: {  	_ =	swait.ge [sflag:s15], $0x800  }
0x2a: {  	[sflag:s15] =	ssyncset.done $0x0  }
0x2b: {  	[sflag:s15] =	ssyncadd.s32 $0xFFFFF800  }
0x2c: {  	[bflag:$0x0] =	sbarrier.arrive $0xFFFF  }
0x2d: {  	[tilespmem:s2], [sflag:$0x3] =	stream.linear.gather [hbm4b:s10+s2], $0x1400, $0x38;
	[tilespmem:$0x1E800] =	vst v63  }
0x2e: {  	_ =	swait.ge [sflag:s15], $0x1400  }
0x2f: {  	[sflag:s15] =	ssyncset.done $0x0  }
0x30: {  	[sflag:s15] =	ssyncadd.s32 $0xFFFFEC00  }
0x31: {  	[tilespmem:s20], [sflag:$0x3] =	stream.linear.gather [hbm4b:s11+s2], $0x1400, $0x38;
	[tilespmem:$0x1E800] =	vst v63  }
0x32: {  	_ =	swait.ge [sflag:s15], $0x1400  }
0x33: {  	[sflag:s15] =	ssyncset.done $0x0  }
0x34: {  	[sflag:s15] =	ssyncadd.s32 $0xFFFFEC00  }
0x35: {  	[tilespmem:s22], [sflag:$0x1] =	stream.indirect.gather [hbm4b:s4+s21], $0x80, s2, s21, $0xb8;
	[tilespmem:$0x1E800] =	vst v63  }
0x36: {  	_ =	swait.ge [sflag:s23], $0x4000  }
0x37: {  	[sflag:s23] =	ssyncset.done $0x0  }
0x38: {  	s3 =	simm.s32 $0x80;
	[sflag:s23] =	ssyncadd.s32 $0xFFFFC000  }
0x39: {  	[tilespmem:s26], [sflag:$0x2] =	stream.indirect.gather [hbm4b:s4+s21], $0x80, s3, s21, $0xb8;
	[tilespmem:$0x1E800] =	vst v63  }
0x3a: {  	s8 =	simm.s32 $0x1400  }
0x3b: {  	[spmem:s1] =	stream.indirect.scatter.add.f32 [tilespmem:s22], [sflag:$0x3], $0x80, s8, s21, $0xb8;
	[tilespmem:$0x1E800] =	vst v63  }
0x3c: {  	_ =	swait.ge [sflag:s15], $0x4000  }
0x3d: {  	[sflag:s15] =	ssyncset.done $0x0  }
0x3e: {  	[sflag:s15] =	ssyncadd.s32 $0xFFFFC000  }
0x3f: {  	_ =	swait.ge [sflag:s28], $0x4000  }
0x40: {  	[sflag:s28] =	ssyncset.done $0x0  }
0x41: {  	s7 =	simm.s32 $0x100;
	[sflag:s28] =	ssyncadd.s32 $0xFFFFC000  }
0x42: {  	[tilespmem:s22], [sflag:$0x1] =	stream.indirect.gather [hbm4b:s4+s21], $0x80, s7, s21, $0xb8;
	[tilespmem:$0x1E800] =	vst v63  }
0x43: {  	s8 =	simm.s32 $0x1480  }
0x44: {  	[spmem:s1] =	stream.indirect.scatter.add.f32 [tilespmem:s26], [sflag:$0x3], $0x80, s8, s21, $0xb8;
	[tilespmem:$0x1E800] =	vst v63  }
0x45: {  	_ =	swait.ge [sflag:s15], $0x4000  }
0x46: {  	s3 =	simm.s32 $0x400;
	[sflag:s15] =	ssyncset.done $0x0  }
.LBB2_2:
0x47: {  	p1 =	sne.s32 s3, $0x4800  }
0x48: {  	[sflag:s15] =	ssyncadd.s32 $0xFFFFC000;
	s7 =	smov.u32 s3;
	s3 =	sadd.s32 $0x400, s3  }
0x49: {  	_ = 	snop  }
0x4a: {  	_ =	swait.ge [sflag:s23], $0x4000  }
0x4b: {  	s7 =	sshra.s32 s7, $0x2;
	[sflag:s23] =	ssyncset.done $0x0  }
0x4c: {  	s8 =	sadd.s32 $0x80, s7;
	[sflag:s23] =	ssyncadd.s32 $0xFFFFC000  }
0x4d: {  	[tilespmem:s26], [sflag:$0x2] =	stream.indirect.gather [hbm4b:s4+s21], $0x80, s8, s21, $0xb8;
	[tilespmem:$0x1E800] =	vst v63  }
0x4e: {  	s8 =	sadd.s32 $0x1400, s7  }
0x4f: {  	[spmem:s1] =	stream.indirect.scatter.add.f32 [tilespmem:s22], [sflag:$0x3], $0x80, s8, s21, $0xb8;
	[tilespmem:$0x1E800] =	vst v63  }
0x50: {  	_ =	swait.ge [sflag:s15], $0x4000  }
0x51: {  	[sflag:s15] =	ssyncset.done $0x0  }
0x52: {  	[sflag:s15] =	ssyncadd.s32 $0xFFFFC000  }
0x53: {  	_ =	swait.ge [sflag:s28], $0x4000  }
0x54: {  	[sflag:s28] =	ssyncset.done $0x0  }
0x55: {  	s8 =	sadd.s32 $0x100, s7;
	[sflag:s28] =	ssyncadd.s32 $0xFFFFC000  }
0x56: {  	[tilespmem:s22], [sflag:$0x1] =	stream.indirect.gather [hbm4b:s4+s21], $0x80, s8, s21, $0xb8;
	[tilespmem:$0x1E800] =	vst v63  }
.Ltmp0:
0x57: {  	_ = 	snop;
	(pc) =	sbr.rel @p1 .LBB2_2-.Ltmp0, $4  }
0x58: {  	s7 =	sadd.s32 $0x1480, s7  }
0x59: {  	[spmem:s1] =	stream.indirect.scatter.add.f32 [tilespmem:s26], [sflag:$0x3], $0x80, s7, s21, $0xb8;
	[tilespmem:$0x1E800] =	vst v63  }
0x5a: {  	_ =	swait.ge [sflag:s15], $0x4000  }
0x5b: {  	[sflag:s15] =	ssyncset.done $0x0  }
0x5c: {  	[sflag:s15] =	ssyncadd.s32 $0xFFFFC000  }
0x5d: {  	_ =	swait.ge [sflag:s23], $0x4000  }
0x5e: {  	[sflag:s23] =	ssyncset.done $0x0  }
0x5f: {  	[sflag:s23] =	ssyncadd.s32 $0xFFFFC000  }
0x60: {  	[tilespmem:s26], [sflag:$0x2] =	stream.indirect.gather [hbm4b:s4+s21], $0x80, s29, s21, $0xb8;
	[tilespmem:$0x1E800] =	vst v63  }
0x61: {  	_ = 	snop  }
0x62: {  	[spmem:s1] =	stream.indirect.scatter.add.f32 [tilespmem:s22], [sflag:$0x3], $0x80, s30, s21, $0xb8;
	[tilespmem:$0x1E800] =	vst v63  }
0x63: {  	_ =	swait.ge [sflag:s15], $0x4000  }
0x64: {  	[sflag:s15] =	ssyncset.done $0x0  }
0x65: {  	[sflag:s15] =	ssyncadd.s32 $0xFFFFC000  }
0x66: {  	_ =	swait.ge [sflag:s28], $0x4000  }
0x67: {  	[sflag:s28] =	ssyncset.done $0x0  }
0x68: {  	[sflag:s28] =	ssyncadd.s32 $0xFFFFC000  }
0x69: {  	[spmem:s1] =	stream.indirect.scatter.add.f32 [tilespmem:s26], [sflag:$0x3], $0x80, s31, s21, $0xb8;
	[tilespmem:$0x1E800] =	vst v63  }
0x6a: {  	_ =	swait.ge [sflag:s15], $0x4000  }
0x6b: {  	[sflag:s15] =	ssyncset.done $0x0  }
0x6c: {  	s3 =	simm.s32 $0x0;
	[sflag:s15] =	ssyncadd.s32 $0xFFFFC000  }
0x6d: {  	[tilespmem:s3], [sflag:$0x3] =	stream.linear.gather [hbm4b:s12+s3], $0x1400, $0x38;
	[tilespmem:$0x1E800] =	vst v63  }
0x6e: {  	_ =	swait.ge [sflag:s15], $0x1400  }
0x6f: {  	[sflag:s15] =	ssyncset.done $0x0  }
0x70: {  	[sflag:s15] =	ssyncadd.s32 $0xFFFFEC00  }
0x71: {  	[tilespmem:s20], [sflag:$0x3] =	stream.linear.gather [hbm4b:s13+s3], $0x1400, $0x38;
	[tilespmem:$0x1E800] =	vst v63  }
0x72: {  	_ =	swait.ge [sflag:s15], $0x1400  }
0x73: {  	[sflag:s15] =	ssyncset.done $0x0  }
0x74: {  	[sflag:s15] =	ssyncadd.s32 $0xFFFFEC00  }
0x75: {  	[tilespmem:s22], [sflag:$0x1] =	stream.indirect.gather [hbm4b:s4+s21], $0x80, s3, s21, $0xb8;
	[tilespmem:$0x1E800] =	vst v63  }
0x76: {  	_ =	swait.ge [sflag:s23], $0x4000  }
0x77: {  	[sflag:s23] =	ssyncset.done $0x0  }
0x78: {  	s7 =	simm.s32 $0x80;
	[sflag:s23] =	ssyncadd.s32 $0xFFFFC000  }
0x79: {  	[tilespmem:s26], [sflag:$0x2] =	stream.indirect.gather [hbm4b:s4+s21], $0x80, s7, s21, $0xb8;
	[tilespmem:$0x1E800] =	vst v63  }
0x7a: {  	s8 =	simm.s32 $0x1400  }
0x7b: {  	[spmem:s1] =	stream.indirect.scatter.add.f32 [tilespmem:s22], [sflag:$0x3], $0x80, s8, s21, $0xb8;
	[tilespmem:$0x1E800] =	vst v63  }
0x7c: {  	_ =	swait.ge [sflag:s15], $0x4000  }
0x7d: {  	[sflag:s15] =	ssyncset.done $0x0  }
0x7e: {  	[sflag:s15] =	ssyncadd.s32 $0xFFFFC000  }
0x7f: {  	_ =	swait.ge [sflag:s28], $0x4000  }
0x80: {  	[sflag:s28] =	ssyncset.done $0x0  }
0x81: {  	s7 =	simm.s32 $0x100;
	[sflag:s28] =	ssyncadd.s32 $0xFFFFC000  }
0x82: {  	[tilespmem:s22], [sflag:$0x1] =	stream.indirect.gather [hbm4b:s4+s21], $0x80, s7, s21, $0xb8;
	[tilespmem:$0x1E800] =	vst v63  }
0x83: {  	s8 =	simm.s32 $0x1480  }
0x84: {  	[spmem:s1] =	stream.indirect.scatter.add.f32 [tilespmem:s26], [sflag:$0x3], $0x80, s8, s21, $0xb8;
	[tilespmem:$0x1E800] =	vst v63  }
0x85: {  	_ =	swait.ge [sflag:s15], $0x4000  }
0x86: {  	s3 =	simm.s32 $0x400;
	[sflag:s15] =	ssyncset.done $0x0  }
.LBB2_4:
0x87: {  	p1 =	sne.s32 s3, $0x4800  }
0x88: {  	[sflag:s15] =	ssyncadd.s32 $0xFFFFC000;
	s7 =	smov.u32 s3;
	s3 =	sadd.s32 $0x400, s3  }
0x89: {  	_ = 	snop  }
0x8a: {  	_ =	swait.ge [sflag:s23], $0x4000  }
0x8b: {  	s7 =	sshra.s32 s7, $0x2;
	[sflag:s23] =	ssyncset.done $0x0  }
0x8c: {  	s8 =	sadd.s32 $0x80, s7;
	[sflag:s23] =	ssyncadd.s32 $0xFFFFC000  }
0x8d: {  	[tilespmem:s26], [sflag:$0x2] =	stream.indirect.gather [hbm4b:s4+s21], $0x80, s8, s21, $0xb8;
	[tilespmem:$0x1E800] =	vst v63  }
0x8e: {  	s8 =	sadd.s32 $0x1400, s7  }
0x8f: {  	[spmem:s1] =	stream.indirect.scatter.add.f32 [tilespmem:s22], [sflag:$0x3], $0x80, s8, s21, $0xb8;
	[tilespmem:$0x1E800] =	vst v63  }
0x90: {  	_ =	swait.ge [sflag:s15], $0x4000  }
0x91: {  	[sflag:s15] =	ssyncset.done $0x0  }
0x92: {  	[sflag:s15] =	ssyncadd.s32 $0xFFFFC000  }
0x93: {  	_ =	swait.ge [sflag:s28], $0x4000  }
0x94: {  	[sflag:s28] =	ssyncset.done $0x0  }
0x95: {  	s8 =	sadd.s32 $0x100, s7;
	[sflag:s28] =	ssyncadd.s32 $0xFFFFC000  }
0x96: {  	[tilespmem:s22], [sflag:$0x1] =	stream.indirect.gather [hbm4b:s4+s21], $0x80, s8, s21, $0xb8;
	[tilespmem:$0x1E800] =	vst v63  }
.Ltmp1:
0x97: {  	_ = 	snop;
	(pc) =	sbr.rel @p1 .LBB2_4-.Ltmp1, $4  }
0x98: {  	s7 =	sadd.s32 $0x1480, s7  }
0x99: {  	[spmem:s1] =	stream.indirect.scatter.add.f32 [tilespmem:s26], [sflag:$0x3], $0x80, s7, s21, $0xb8;
	[tilespmem:$0x1E800] =	vst v63  }
0x9a: {  	_ =	swait.ge [sflag:s15], $0x4000  }
0x9b: {  	[sflag:s15] =	ssyncset.done $0x0  }
0x9c: {  	[sflag:s15] =	ssyncadd.s32 $0xFFFFC000  }
0x9d: {  	_ =	swait.ge [sflag:s23], $0x4000  }
0x9e: {  	[sflag:s23] =	ssyncset.done $0x0  }
0x9f: {  	[sflag:s23] =	ssyncadd.s32 $0xFFFFC000  }
0xa0: {  	[tilespmem:s26], [sflag:$0x2] =	stream.indirect.gather [hbm4b:s4+s21], $0x80, s29, s21, $0xb8;
	[tilespmem:$0x1E800] =	vst v63  }
0xa1: {  	_ = 	snop  }
0xa2: {  	[spmem:s1] =	stream.indirect.scatter.add.f32 [tilespmem:s22], [sflag:$0x3], $0x80, s30, s21, $0xb8;
	[tilespmem:$0x1E800] =	vst v63  }
0xa3: {  	_ =	swait.ge [sflag:s15], $0x4000  }
0xa4: {  	[sflag:s15] =	ssyncset.done $0x0  }
0xa5: {  	[sflag:s15] =	ssyncadd.s32 $0xFFFFC000  }
0xa6: {  	_ =	swait.ge [sflag:s28], $0x4000  }
0xa7: {  	[sflag:s28] =	ssyncset.done $0x0  }
0xa8: {  	[sflag:s28] =	ssyncadd.s32 $0xFFFFC000  }
0xa9: {  	[spmem:s1] =	stream.indirect.scatter.add.f32 [tilespmem:s26], [sflag:$0x3], $0x80, s31, s21, $0xb8;
	[tilespmem:$0x1E800] =	vst v63  }
0xaa: {  	_ =	swait.ge [sflag:s15], $0x4000  }
0xab: {  	[sflag:s15] =	ssyncset.done $0x0  }
0xac: {  	[sflag:s15] =	ssyncadd.s32 $0xFFFFC000  }
0xad: {  	[bflag:$0x0] =	sbarrier.arrive $0xFFFF  }
0xae: {  	s3 =	rddreg [dreg:$0x3]  }
0xaf: {  	[hbm:s3], [sflag:s6] =	dma.local [spmem:s24], $0x2700  }
0xb0: {  	_ =	swait.ge [sflag:s15], $0x2700  }
0xb1: {  	s0 =	sadd.s32 $0x1, s0;
	[sflag:s15] =	ssyncset.done $0x0  }
0xb2: {  	p1 =	sne.s32 s0, s9;
	s3 =	rddreg [dreg:$0x4];
	[sflag:s15] =	ssyncadd.s32 $0xFFFFD900  }
0xb3: {  	[hbm:s3], [sflag:s6] =	dma.local @!p0 [spmem:s25], $0x100  }
.Ltmp2:
0xb4: {  	_ = 	snop;
	(pc) =	sbr.rel @p1 .LBB2_1-.Ltmp2, $4  }
0xb5: {  	s3 =	simm.s32 @!p0 $0x3  }
0xb6: {  	_ =	swait.ge @!p0 [sflag:s3], $0x100  }
0xb7: {  	[sflag:s3] =	ssyncset.done @!p0 $0x0  }
0xb8: {  	[sflag:s3] =	ssyncadd.s32 @!p0 $0xFFFFFF00  }
0xb9: {  	_ =	sfence.sel $0x180000  }
0xba: {  	[bflag:$0x0] =	sbarrier.arrive $0xFFFF  }
0xbb: {  	_ =	strace $0x9000004A  }
0xbc: {  	s0 =	stileid.u32;
	[bflag:$0x2] =	sbarrier.arrive $0xFFFF  }
0xbd: {  	p0 =	sne.s32 s0, $0x0;
	s0 =	rddreg [dreg:$0x2]  }
0xbe: {  	s0 =	sadd.s32 @!p0 $0x100000, s0  }
0xbf: {  	[sflag:s0] =	ssyncadd.tile.s32 @!p0 $0x1;
	_ =	shalt  }
.Lfunc_end2:
_tile_overlayer_lowered:
.L_overlay_start_2:
0xc0: {  	(tag) =	ssettag $0x2  }
0xc1: {  	s0 =	rddreg [dreg:$0x0];
	s2 =	stileid.u32  }
0xc2: {  	s1 =	rddreg [dreg:$0x1];
	p0 =	sne.s32 s2, $0x0  }
0xc3: {  	s3 =	rddreg [dreg:$0x2];
	[bflag:$0x3] =	sbarrier.arrive $0xFFFF;
	s2 =	simm.s32 @!p0 $0x1C03  }
0xc4: {  	[timem:s3], [sflag:s2] =	dma.local @!p0 [hbm:s0], s1  }
0xc5: {  	s0 =	simm.s32 @!p0 $0x3  }
0xc6: {  	_ =	swait.ge @!p0 [sflag:s0], s1  }
0xc7: {  	s1 =	ssub.s32 @!p0 $0x0, s1;
	[sflag:s0] =	ssyncset.done @!p0 $0x0  }
0xc8: {  	[sflag:s0] =	ssyncadd.s32 @!p0 s1  }
0xc9: {  	[bflag:$0x3] =	sbarrier.arrive $0xFFFF  }
0xca: {  	_ =	shalt  }

// kernel: kernel.17.cloned.1.call-start
scs
__scs_entry_jumppad:
0x0: {  	(pc) =	sbr.rel $0x88, $3  }
0x1: {  	(tag) =	ssettag $0x0;
	lr =	simm.s32 $0x1  }
0x2: {  	[smem:$0x3F72] =	sst lr;
	_ =	strace $0xD0000000  }
0x3: {  	_ = 	snop  }
0x4: {  	_ = 	snop  }
0x5: {  	_ = 	snop  }
0x6: {  	_ = 	snop  }
0x7: {  	_ = 	snop  }
__scs_overlays_trampoline_lowered:
0x8: {  	[smem:$0x3F81] =	sst s0  }
0x9: {  	[smem:$0x3F82] =	sst s1  }
0xa: {  	[smem:$0x3F83] =	sst s2  }
0xb: {  	[smem:$0x3F84] =	sst s3  }
0xc: {  	[smem:$0x3F85] =	sst s4  }
0xd: {  	[smem:$0x3F86] =	sst s5  }
0xe: {  	[smem:$0x3F87] =	sst s6  }
0xf: {  	[smem:$0x3F88] =	sst s7  }
0x10: {  	[smem:$0x3F89] =	sst s8  }
0x11: {  	[smem:$0x3F8A] =	sst s9;
	s0 =	simm.s32 @!p0 $0x0  }
0x12: {  	s1 =	sld [smem:$0x3F70];
	s0 =	simm.s32 @p0 $0x1  }
0x13: {  	[smem:$0x3F8B] =	sst s0;
	s0 =	simm.s32 @!p1 $0x0  }
0x14: {  	s2 =	sld [smem:$0x3F6F];
	s0 =	simm.s32 @p1 $0x1  }
0x15: {  	[smem:$0x3F8C] =	sst s0;
	s0 =	simm.s32 @!p2 $0x0  }
0x16: {  	s3 =	sld [smem:$0x3FDB];
	s0 =	simm.s32 @p2 $0x1  }
0x17: {  	s4 =	simm.s32 $0x1BF5;
	[smem:$0x3F8E] =	sst s0  }
0x18: {  	s0 =	sld [smem:$0x3F71];
	_ =	swait.ge [sflag:s4], $0x0  }
0x19: {  	s7 =	sld [smem:$0x3F72]  }
0x1a: {  	s8 =	sadd.s32 $0xFFFFE003, lr  }
0x1b: {  	s9 =	sadd.s32 $0xFFFFFEF7, lr;
	s5 =	simm.s32 $0xFFFFFFFF;
	p2 =	slt.u32 s8, $0xFFFFF086  }
0x1c: {  	p1 =	slt.u32 s9, $0xF7A;
	s5 =	simm.s32 @!p2 $0x0  }
0x1d: {  	s5 =	simm.s32 @p1 $0x1;
	p0 =	seq.s32 s7, s2  }
0x1e: {  	s7 =	smul.u32 @!p0 $0xF7A, s2;
	p2 =	seq.s32 @!p0 s5, $0x0  }
0x1f: {  	s9 =	smul.u32 $0xF7A, s1;
	s8 =	simm.s32 @!p0 $0x1BF5;
	p2 =	por !p2, p0  }
0x20: {  	[sflag:s8] =	ssyncset.s32 @!p0 $0xFFFFF086;
	s6 =	sadd.s32 @!p0 s3, s7;
	s7 =	simm.s32 @!p0 $0x108  }
0x21: {  	s3 =	sadd.s32 s3, s9;
	s6 =	sadd.s32 @!p0 $0x88, s6;
	s7 =	simm.s32 @p2 $0x1082  }
0x22: {  	[simem:s7], [sflag:s8] =	dma.local @!p0 [hbm:s6], $0xF7A  }
0x23: {  	s9 =	sor.u32 $0xD0000000, s2;
	s6 =	simm.s32 $0x108;
	_ =	swait.ge @!p0 [sflag:s8], $0x0  }
0x24: {  	s3 =	sadd.s32 $0x88, s3;
	s6 =	simm.s32 @!p1 $0x1082;
	[sflag:s4] =	ssyncset.s32 $0xFFFFF086  }
0x25: {  	[simem:s6], [sflag:s4] =	dma.local [hbm:s3], $0xF7A  }
0x26: {  	[smem:$0x3F72] =	sst s1;
	(tag) =	ssettag s2;
	_ =	strace s9  }
0x27: {  	s1 =	sld [smem:$0x3F82]  }
0x28: {  	s2 =	sld [smem:$0x3F83]  }
0x29: {  	s4 =	sld [smem:$0x3F85]  }
0x2a: {  	p0 =	seq.s32 s5, $0x0;
	s5 =	sld [smem:$0x3F86]  }
0x2b: {  	s6 =	sld [smem:$0x3F87]  }
0x2c: {  	s7 =	sld [smem:$0x3F88]  }
0x2d: {  	s3 =	simm.s32 $0x108;
	s8 =	sld [smem:$0x3F89]  }
0x2e: {  	s3 =	simm.s32 @!p0 $0x1082;
	s9 =	sld [smem:$0x3F8A]  }
0x2f: {  	lr =	sadd.s32 s0, s3;
	s0 =	sld [smem:$0x3F81]  }
0x30: {  	s3 =	sld [smem:$0x3F84]  }
0x31: {  	[smem:$0x3F8D] =	sst s10  }
0x32: {  	s10 =	sld [smem:$0x3F8B];
	_ =	sdelay $0x3  }
0x33: {  	p0 =	seq.s32 s10, $0x1;
	s10 =	sld [smem:$0x3F8D];
	_ =	sdelay $0x3  }
0x34: {  	[smem:$0x3F8D] =	sst s10  }
0x35: {  	s10 =	sld [smem:$0x3F8C];
	_ =	sdelay $0x3  }
0x36: {  	p1 =	seq.s32 s10, $0x1;
	s10 =	sld [smem:$0x3F8D];
	_ =	sdelay $0x3  }
0x37: {  	[smem:$0x3F8D] =	sst s10  }
0x38: {  	s10 =	sld [smem:$0x3F8E]  }
0x39: {  	_ = 	snop;
	(pc) =	sbr.ind lr, $3  }
0x3a: {  	_ = 	snop  }
0x3b: {  	_ = 	snop  }
0x3c: {  	p2 =	seq.s32 s10, $0x1;
	s10 =	sld [smem:$0x3F8D]  }
0x3d: {  	_ =	shalt  }
0x3e: {  	_ =	shalt  }
0x3f: {  	_ =	shalt  }
0x40: {  	_ =	shalt  }
0x41: {  	_ =	shalt  }
0x42: {  	_ =	shalt  }
0x43: {  	_ =	shalt  }
0x44: {  	_ =	shalt  }
0x45: {  	_ =	shalt  }
0x46: {  	_ =	shalt  }
0x47: {  	_ =	shalt  }
0x48: {  	_ =	shalt  }
0x49: {  	_ =	shalt  }
0x4a: {  	_ =	shalt  }
0x4b: {  	_ =	shalt  }
0x4c: {  	_ =	shalt  }
0x4d: {  	_ =	shalt  }
0x4e: {  	_ =	shalt  }
0x4f: {  	_ =	shalt  }
0x50: {  	_ =	shalt  }
0x51: {  	_ =	shalt  }
0x52: {  	_ =	shalt  }
0x53: {  	_ =	shalt  }
0x54: {  	_ =	shalt  }
0x55: {  	_ =	shalt  }
0x56: {  	_ =	shalt  }
0x57: {  	_ =	shalt  }
0x58: {  	_ =	shalt  }
0x59: {  	_ =	shalt  }
0x5a: {  	_ =	shalt  }
0x5b: {  	_ =	shalt  }
0x5c: {  	_ =	shalt  }
0x5d: {  	_ =	shalt  }
0x5e: {  	_ =	shalt  }
0x5f: {  	_ =	shalt  }
0x60: {  	_ =	shalt  }
0x61: {  	_ =	shalt  }
0x62: {  	_ =	shalt  }
0x63: {  	_ =	shalt  }
0x64: {  	_ =	shalt  }
0x65: {  	_ =	shalt  }
0x66: {  	_ =	shalt  }
0x67: {  	_ =	shalt  }
0x68: {  	_ =	shalt  }
0x69: {  	_ =	shalt  }
0x6a: {  	_ =	shalt  }
0x6b: {  	_ =	shalt  }
0x6c: {  	_ =	shalt  }
0x6d: {  	_ =	shalt  }
0x6e: {  	_ =	shalt  }
0x6f: {  	_ =	shalt  }
0x70: {  	_ =	shalt  }
0x71: {  	_ =	shalt  }
0x72: {  	_ =	shalt  }
0x73: {  	_ =	shalt  }
0x74: {  	_ =	shalt  }
0x75: {  	_ =	shalt  }
0x76: {  	_ =	shalt  }
0x77: {  	_ =	shalt  }
0x78: {  	_ =	shalt  }
0x79: {  	_ =	shalt  }
0x7a: {  	_ =	shalt  }
0x7b: {  	_ =	shalt  }
0x7c: {  	_ =	shalt  }
0x7d: {  	_ =	shalt  }
0x7e: {  	_ =	shalt  }
0x7f: {  	_ =	shalt  }
0x80: {  	_ =	shalt  }
0x81: {  	_ =	shalt  }
0x82: {  	_ =	shalt  }
0x83: {  	_ =	shalt  }
0x84: {  	_ =	shalt  }
0x85: {  	_ =	shalt  }
0x86: {  	_ =	shalt  }
0x87: {  	_ =	shalt  }
.Lfunc_end0:
.L_simem_size_0:
called_computation.2_lowered:
.L_overlay_start_0:
0x88: {  	s2 =	sld [smem:$0x3FD9]  }
0x89: {  	s3 =	sld [smem:$0x3FFE];
	_ =	sdelay $0x1  }
0x8a: {  	s1 =	srdreg.scid  }
0x8b: {  	s0 =	sand.u32 $0x1, s1  }
0x8c: {  	s16 =	sshll.u32 s0, $0xA;
	s2 =	sadd.s32 s3, s2  }
0x8d: {  	s2 =	sadd.s32 s2, s16  }
0x8e: {  	[smem:$0x3F99] =	sst s2  }
0x8f: {  	_ = 	snop  }
0x90: {  	(tm) =	ssettm $0x1  }
0x91: {  	s17 =	sld [smem:$0x3FFB];
	_ =	sdelay $0x3  }
0x92: {  	_ =	strace s17  }
0x93: {  	s2 =	sld [smem:$0x3FFC];
	_ =	sdelay $0x3  }
0x94: {  	_ =	strace s2  }
0x95: {  	s2 =	sld [smem:$0x3FFD];
	_ =	sdelay $0x3  }
0x96: {  	_ =	strace s2  }
0x97: {  	_ =	strace $0x8FFFFFFF  }
0x98: {  	s18 =	sld [smem:$0x3FDB];
	_ =	sdelay $0x1  }
0x99: {  	s19 =	simm.s32 $_scs_section_size  }
0x9a: {  	s4 =	simm.s32 $_size__tile_overlayer_lowered;
	s5 =	simm.s32 $_tile_overlayer_lowered  }
0x9b: {  	s22 =	simm.s32 $0x1BFF;
	s21 =	sshll.u32 s5, $0x1;
	s2 =	sadd.s32 s19, s18  }
0x9c: {  	s6 =	simm.s32 $0x0;
	s20 =	sshll.u32 s4, $0x1;
	s4 =	sadd.s32 s21, s2  }
0x9d: {  	[timem:s6], [sflag:s22] =	dma.local [hbm:s4], s20  }
0x9e: {  	_ =	swait.ge [sflag:s22], s20  }
0x9f: {  	s3 =	ssub.s32 $0x0, s20;
	[sflag:s22] =	ssyncset.done $0x0  }
0xa0: {  	[sflag:s22] =	ssyncadd.s32 s3;
	_ =	sdelay $0x1  }
0xa1: {  	s23 =	simm.s32 $0x1B8B  }
0xa2: {  	_ =	swait.ge [sflag:s23], $0x1  }
0xa3: {  	[sflag:s23] =	ssyncset.done $0x0  }
0xa4: {  	s25 =	simm.s32 $0x1B8E;
	s24 =	sld [smem:$0x3FFE];
	[sflag:s23] =	ssyncadd.s32 $0xFFFFFFFF  }
0xa5: {  	s26 =	simm.s32 $execute0_lowered;
	[smem:$0x3FD2] =	sst s25  }
0xa6: {  	s4 =	sshll.u32 s26, $0x1;
	_ =	strace $0x8000004C;
	[dreg:$0x1] =	wrdreg $0xFFFFFFFF  }
0xa7: {  	s28 =	simm.s32 $_size_execute0_lowered;
	s2 =	sadd.s32 s2, s4;
	[dreg:$0x0] =	wrdreg $0x0  }
0xa8: {  	s4 =	sshll.u32 s28, $0x1;
	[dreg:$0x2] =	wrdreg s2  }
0xa9: {  	[dreg:$0x3] =	wrdreg s4  }
0xaa: {  	[dreg:$0x4] =	wrdreg $0xC0  }
0xab: {  	_ =	task [dreg:s6], $0x5FFFF  }
0xac: {  	[dreg:$0x1] =	wrdreg $0xFFFFFFFF  }
0xad: {  	[dreg:$0x0] =	wrdreg $0x60  }
0xae: {  	[dreg:$0x2] =	wrdreg s24  }
0xaf: {  	[dreg:$0x3] =	wrdreg $0xA8000  }
0xb0: {  	[dreg:$0x4] =	wrdreg $0x9  }
0xb1: {  	_ =	task.clear_ibuf [dreg:s6], $0x5FFFF;
	_ =	strace $0x9000004C  }
0xb2: {  	s29 =	simm.s32 $0x9;
	_ =	strace $0x8000004E  }
0xb3: {  	_ =	swait.ge [sflag:s29], $0x1  }
0xb4: {  	[sflag:s29] =	ssyncadd.s32 $0xFFFFFFFF  }
0xb5: {  	_ =	strace $0x9000004E  }
0xb6: {  	_ =	sfence  }
0xb7: {  	s30 =	sld [smem:$0x0];
	_ =	sdelay $0x2  }
0xb8: {  	s31 =	sshll.u32 s1, $0xD;
	s1 =	sshrl.u32 s1, $0x2  }
0xb9: {  	s3 =	sand.u32 $0x4000, s31;
	s1 =	sadd.s32 s1, s30  }
0xba: {  	s0 =	sor.u32 s3, s0;
	s1 =	sshll.u32 s1, $0x11  }
0xbb: {  	s0 =	sor.u32 s1, s0  }
0xbc: {  	s0 =	sadd.s32 $0x8F2B, s0  }
0xbd: {  	[sflag:s0] =	ssyncadd.remote.s32 $0x1  }
0xbe: {  	_ =	sfence.sel $0xFFFF  }
0xbf: {  	[dreg:$0x0] =	wrdreg $0xFFFFFFFF;
	(pc) =	sbr.abs _section_cstart, $3  }
0xc0: {  	[dreg:$0x1] =	wrdreg $0xFFFFFFFF  }
0xc1: {  	_ =	task.clear_ibuf [dreg:s6], $0x2FFFF;
	_ =	strace $0x9FFFFFFF  }
0xc2: {  	(tm) =	ssettm $0x7FFFFFFF  }
0xc3: {  	_ =	shalt  }
tec
execute0_lowered:
.L_overlay_start_1:
0x0: {  	(tag) =	ssettag $0x1  }
0x1: {  	s0 =	rddreg [dreg:$0x0]  }
0x2: {  	s1 =	rddreg [dreg:$0x1];
	s2 =	simm.s32 $0x0;
	s5 =	srdreg.scid  }
0x3: {  	s23 =	stileid.u32;
	s20 =	simm.s32 $0x1400;
	s21 =	simm.s32 $0x80  }
0x4: {  	s22 =	simm.s32 $0x2800;
	s28 =	simm.s32 $0x2;
	s29 =	simm.s32 $0x1380  }
0x5: {  	s30 =	simm.s32 $0x2700;
	s31 =	simm.s32 $0x2780;
	[smem:$0x7FF] =	sst s2  }
0x6: {  	s4 =	sadd.s32 $0x1D200, s0;
	s3 =	sadd.s32 $0x8A00, s0;
	s13 =	sadd.s32 $0x12A00, s0  }
0x7: {  	s6 =	sand.u32 $0x1, s5;
	s5 =	sadd.s32 $0x1CA00, s0;
	s8 =	smul.u32 $0x50000, s23  }
0x8: {  	s0 =	sadd.s32 $0x44400, s0;
	s11 =	smul.u32 $0x13800, s23;
	s24 =	sshll.u32 s23, $0x6  }
0x9: {  	s26 =	smul.u32 $0x4E000, s23;
	p0 =	sne.s32 s23, $0xF;
	_ =	strace $0x8000004D  }
0xa: {  	s7 =	ssub.s32 $0x2, s6;
	s10 =	smul.u32 $0x138800, s6;
	s6 =	sshll.u32 s6, $0x4  }
0xb: {  	s9 =	sshrl.u32 s7, $0x1;
	s8 =	sshrl.u32 s8, $0x2;
	s12 =	sor.u32 s23, s6  }
0xc: {  	s6 =	sor.u32 $0x1C03, s24;
	s23 =	simm.s32 $0x1;
	s9 =	ssub.s32 s7, s9  }
0xd: {  	s14 =	sadd.s32 s8, s1;
	s25 =	sadd.s32 s11, s10;
	s10 =	sshrl.u32 s10, $0x3  }
0xe: {  	s8 =	sshrl.u32 s26, $0x2;
	s12 =	smul.u32 $0x500, s12;
	s26 =	simm.s32 $0x6800  }
0xf: {  	s7 =	sshrl.u32 s25, $0x3;
	s24 =	sadd.s32 s8, s1;
	s9 =	smax.u32 s9, $0x1  }
0x10: {  	s16 =	sadd.s32 $0x4000, s14;
	s17 =	sadd.s32 $0x8000, s14;
	s18 =	sadd.s32 $0xC000, s14  }
0x11: {  	s19 =	sadd.s32 $0x10000, s14;
	s14 =	sshrl.u32 s14, $0x3;
	s7 =	sadd.s32 s0, s7  }
0x12: {  	s0 =	sadd.s32 s0, s10;
	s10 =	sadd.s32 s3, s12;
	s11 =	sadd.s32 s13, s12  }
0x13: {  	s15 =	sadd.s32 $0x280, s12;
	s16 =	sshrl.u32 s16, $0x3;
	s17 =	sshrl.u32 s17, $0x3  }
0x14: {  	s18 =	sshrl.u32 s18, $0x3;
	s19 =	sshrl.u32 s19, $0x3;
	s24 =	sshrl.u32 s24, $0x3  }
0x15: {  	[dreg:$0x3] =	wrdreg s7;
	s0 =	sadd.s32 $0x27000, s0;
	s12 =	sadd.s32 s3, s15  }
0x16: {  	s13 =	sadd.s32 s13, s15;
	[dreg:$0x4] =	wrdreg s0;
	s0 =	sadd.s32 $0x138000, s1  }
0x17: {  	s15 =	simm.s32 $0x3;
	s25 =	sshrl.u32 @!p0 s0, $0x3;
	s0 =	simm.s32 $0x0  }
.LBB2_1:
0x18: {  	[spmem:s14], [sflag:s6] =	dma.local [hbm:s5], $0x800  }
0x19: {  	_ =	swait.ge [sflag:s15], $0x800  }
0x1a: {  	[sflag:s15] =	ssyncset.done $0x0  }
0x1b: {  	[sflag:s15] =	ssyncadd.s32 $0xFFFFF800  }
0x1c: {  	[spmem:s16], [sflag:s6] =	dma.local [hbm:s5], $0x800  }
0x1d: {  	_ =	swait.ge [sflag:s15], $0x800  }
0x1e: {  	[sflag:s15] =	ssyncset.done $0x0  }
0x1f: {  	[sflag:s15] =	ssyncadd.s32 $0xFFFFF800  }
0x20: {  	[spmem:s17], [sflag:s6] =	dma.local [hbm:s5], $0x800  }
0x21: {  	_ =	swait.ge [sflag:s15], $0x800  }
0x22: {  	[sflag:s15] =	ssyncset.done $0x0  }
0x23: {  	[sflag:s15] =	ssyncadd.s32 $0xFFFFF800  }
0x24: {  	[spmem:s18], [sflag:s6] =	dma.local [hbm:s5], $0x800  }
0x25: {  	_ =	swait.ge [sflag:s15], $0x800  }
0x26: {  	[sflag:s15] =	ssyncset.done $0x0  }
0x27: {  	[sflag:s15] =	ssyncadd.s32 $0xFFFFF800  }
0x28: {  	[spmem:s19], [sflag:s6] =	dma.local [hbm:s5], $0x800  }
0x29: {  	_ =	swait.ge [sflag:s15], $0x800  }
0x2a: {  	[sflag:s15] =	ssyncset.done $0x0  }
0x2b: {  	[sflag:s15] =	ssyncadd.s32 $0xFFFFF800  }
0x2c: {  	[bflag:$0x0] =	sbarrier.arrive $0xFFFF  }
0x2d: {  	[tilespmem:s2], [sflag:$0x3] =	stream.linear.gather [hbm4b:s10+s2], $0x1400, $0x38;
	[tilespmem:$0x1E800] =	vst v63  }
0x2e: {  	_ =	swait.ge [sflag:s15], $0x1400  }
0x2f: {  	[sflag:s15] =	ssyncset.done $0x0  }
0x30: {  	[sflag:s15] =	ssyncadd.s32 $0xFFFFEC00  }
0x31: {  	[tilespmem:s20], [sflag:$0x3] =	stream.linear.gather [hbm4b:s11+s2], $0x1400, $0x38;
	[tilespmem:$0x1E800] =	vst v63  }
0x32: {  	_ =	swait.ge [sflag:s15], $0x1400  }
0x33: {  	[sflag:s15] =	ssyncset.done $0x0  }
0x34: {  	[sflag:s15] =	ssyncadd.s32 $0xFFFFEC00  }
0x35: {  	[tilespmem:s22], [sflag:$0x1] =	stream.indirect.gather [hbm4b:s4+s21], $0x80, s2, s21, $0xb8;
	[tilespmem:$0x1E800] =	vst v63  }
0x36: {  	_ =	swait.ge [sflag:s23], $0x4000  }
0x37: {  	[sflag:s23] =	ssyncset.done $0x0  }
0x38: {  	s3 =	simm.s32 $0x80;
	[sflag:s23] =	ssyncadd.s32 $0xFFFFC000  }
0x39: {  	[tilespmem:s26], [sflag:$0x2] =	stream.indirect.gather [hbm4b:s4+s21], $0x80, s3, s21, $0xb8;
	[tilespmem:$0x1E800] =	vst v63  }
0x3a: {  	s8 =	simm.s32 $0x1400  }
0x3b: {  	[spmem:s1] =	stream.indirect.scatter.add.f32 [tilespmem:s22], [sflag:$0x3], $0x80, s8, s21, $0xb8;
	[tilespmem:$0x1E800] =	vst v63  }
0x3c: {  	_ =	swait.ge [sflag:s15], $0x4000  }
0x3d: {  	[sflag:s15] =	ssyncset.done $0x0  }
0x3e: {  	[sflag:s15] =	ssyncadd.s32 $0xFFFFC000  }
0x3f: {  	_ =	swait.ge [sflag:s28], $0x4000  }
0x40: {  	[sflag:s28] =	ssyncset.done $0x0  }
0x41: {  	s7 =	simm.s32 $0x100;
	[sflag:s28] =	ssyncadd.s32 $0xFFFFC000  }
0x42: {  	[tilespmem:s22], [sflag:$0x1] =	stream.indirect.gather [hbm4b:s4+s21], $0x80, s7, s21, $0xb8;
	[tilespmem:$0x1E800] =	vst v63  }
0x43: {  	s8 =	simm.s32 $0x1480  }
0x44: {  	[spmem:s1] =	stream.indirect.scatter.add.f32 [tilespmem:s26], [sflag:$0x3], $0x80, s8, s21, $0xb8;
	[tilespmem:$0x1E800] =	vst v63  }
0x45: {  	_ =	swait.ge [sflag:s15], $0x4000  }
0x46: {  	s3 =	simm.s32 $0x400;
	[sflag:s15] =	ssyncset.done $0x0  }
.LBB2_2:
0x47: {  	p1 =	sne.s32 s3, $0x4800  }
0x48: {  	[sflag:s15] =	ssyncadd.s32 $0xFFFFC000;
	s7 =	smov.u32 s3;
	s3 =	sadd.s32 $0x400, s3  }
0x49: {  	_ = 	snop  }
0x4a: {  	_ =	swait.ge [sflag:s23], $0x4000  }
0x4b: {  	s7 =	sshra.s32 s7, $0x2;
	[sflag:s23] =	ssyncset.done $0x0  }
0x4c: {  	s8 =	sadd.s32 $0x80, s7;
	[sflag:s23] =	ssyncadd.s32 $0xFFFFC000  }
0x4d: {  	[tilespmem:s26], [sflag:$0x2] =	stream.indirect.gather [hbm4b:s4+s21], $0x80, s8, s21, $0xb8;
	[tilespmem:$0x1E800] =	vst v63  }
0x4e: {  	s8 =	sadd.s32 $0x1400, s7  }
0x4f: {  	[spmem:s1] =	stream.indirect.scatter.add.f32 [tilespmem:s22], [sflag:$0x3], $0x80, s8, s21, $0xb8;
	[tilespmem:$0x1E800] =	vst v63  }
0x50: {  	_ =	swait.ge [sflag:s15], $0x4000  }
0x51: {  	[sflag:s15] =	ssyncset.done $0x0  }
0x52: {  	[sflag:s15] =	ssyncadd.s32 $0xFFFFC000  }
0x53: {  	_ =	swait.ge [sflag:s28], $0x4000  }
0x54: {  	[sflag:s28] =	ssyncset.done $0x0  }
0x55: {  	s8 =	sadd.s32 $0x100, s7;
	[sflag:s28] =	ssyncadd.s32 $0xFFFFC000  }
0x56: {  	[tilespmem:s22], [sflag:$0x1] =	stream.indirect.gather [hbm4b:s4+s21], $0x80, s8, s21, $0xb8;
	[tilespmem:$0x1E800] =	vst v63  }
.Ltmp0:
0x57: {  	_ = 	snop;
	(pc) =	sbr.rel @p1 .LBB2_2-.Ltmp0, $4  }
0x58: {  	s7 =	sadd.s32 $0x1480, s7  }
0x59: {  	[spmem:s1] =	stream.indirect.scatter.add.f32 [tilespmem:s26], [sflag:$0x3], $0x80, s7, s21, $0xb8;
	[tilespmem:$0x1E800] =	vst v63  }
0x5a: {  	_ =	swait.ge [sflag:s15], $0x4000  }
0x5b: {  	[sflag:s15] =	ssyncset.done $0x0  }
0x5c: {  	[sflag:s15] =	ssyncadd.s32 $0xFFFFC000  }
0x5d: {  	_ =	swait.ge [sflag:s23], $0x4000  }
0x5e: {  	[sflag:s23] =	ssyncset.done $0x0  }
0x5f: {  	[sflag:s23] =	ssyncadd.s32 $0xFFFFC000  }
0x60: {  	[tilespmem:s26], [sflag:$0x2] =	stream.indirect.gather [hbm4b:s4+s21], $0x80, s29, s21, $0xb8;
	[tilespmem:$0x1E800] =	vst v63  }
0x61: {  	_ = 	snop  }
0x62: {  	[spmem:s1] =	stream.indirect.scatter.add.f32 [tilespmem:s22], [sflag:$0x3], $0x80, s30, s21, $0xb8;
	[tilespmem:$0x1E800] =	vst v63  }
0x63: {  	_ =	swait.ge [sflag:s15], $0x4000  }
0x64: {  	[sflag:s15] =	ssyncset.done $0x0  }
0x65: {  	[sflag:s15] =	ssyncadd.s32 $0xFFFFC000  }
0x66: {  	_ =	swait.ge [sflag:s28], $0x4000  }
0x67: {  	[sflag:s28] =	ssyncset.done $0x0  }
0x68: {  	[sflag:s28] =	ssyncadd.s32 $0xFFFFC000  }
0x69: {  	[spmem:s1] =	stream.indirect.scatter.add.f32 [tilespmem:s26], [sflag:$0x3], $0x80, s31, s21, $0xb8;
	[tilespmem:$0x1E800] =	vst v63  }
0x6a: {  	_ =	swait.ge [sflag:s15], $0x4000  }
0x6b: {  	[sflag:s15] =	ssyncset.done $0x0  }
0x6c: {  	s3 =	simm.s32 $0x0;
	[sflag:s15] =	ssyncadd.s32 $0xFFFFC000  }
0x6d: {  	[tilespmem:s3], [sflag:$0x3] =	stream.linear.gather [hbm4b:s12+s3], $0x1400, $0x38;
	[tilespmem:$0x1E800] =	vst v63  }
0x6e: {  	_ =	swait.ge [sflag:s15], $0x1400  }
0x6f: {  	[sflag:s15] =	ssyncset.done $0x0  }
0x70: {  	[sflag:s15] =	ssyncadd.s32 $0xFFFFEC00  }
0x71: {  	[tilespmem:s20], [sflag:$0x3] =	stream.linear.gather [hbm4b:s13+s3], $0x1400, $0x38;
	[tilespmem:$0x1E800] =	vst v63  }
0x72: {  	_ =	swait.ge [sflag:s15], $0x1400  }
0x73: {  	[sflag:s15] =	ssyncset.done $0x0  }
0x74: {  	[sflag:s15] =	ssyncadd.s32 $0xFFFFEC00  }
0x75: {  	[tilespmem:s22], [sflag:$0x1] =	stream.indirect.gather [hbm4b:s4+s21], $0x80, s3, s21, $0xb8;
	[tilespmem:$0x1E800] =	vst v63  }
0x76: {  	_ =	swait.ge [sflag:s23], $0x4000  }
0x77: {  	[sflag:s23] =	ssyncset.done $0x0  }
0x78: {  	s7 =	simm.s32 $0x80;
	[sflag:s23] =	ssyncadd.s32 $0xFFFFC000  }
0x79: {  	[tilespmem:s26], [sflag:$0x2] =	stream.indirect.gather [hbm4b:s4+s21], $0x80, s7, s21, $0xb8;
	[tilespmem:$0x1E800] =	vst v63  }
0x7a: {  	s8 =	simm.s32 $0x1400  }
0x7b: {  	[spmem:s1] =	stream.indirect.scatter.add.f32 [tilespmem:s22], [sflag:$0x3], $0x80, s8, s21, $0xb8;
	[tilespmem:$0x1E800] =	vst v63  }
0x7c: {  	_ =	swait.ge [sflag:s15], $0x4000  }
0x7d: {  	[sflag:s15] =	ssyncset.done $0x0  }
0x7e: {  	[sflag:s15] =	ssyncadd.s32 $0xFFFFC000  }
0x7f: {  	_ =	swait.ge [sflag:s28], $0x4000  }
0x80: {  	[sflag:s28] =	ssyncset.done $0x0  }
0x81: {  	s7 =	simm.s32 $0x100;
	[sflag:s28] =	ssyncadd.s32 $0xFFFFC000  }
0x82: {  	[tilespmem:s22], [sflag:$0x1] =	stream.indirect.gather [hbm4b:s4+s21], $0x80, s7, s21, $0xb8;
	[tilespmem:$0x1E800] =	vst v63  }
0x83: {  	s8 =	simm.s32 $0x1480  }
0x84: {  	[spmem:s1] =	stream.indirect.scatter.add.f32 [tilespmem:s26], [sflag:$0x3], $0x80, s8, s21, $0xb8;
	[tilespmem:$0x1E800] =	vst v63  }
0x85: {  	_ =	swait.ge [sflag:s15], $0x4000  }
0x86: {  	s3 =	simm.s32 $0x400;
	[sflag:s15] =	ssyncset.done $0x0  }
.LBB2_4:
0x87: {  	p1 =	sne.s32 s3, $0x4800  }
0x88: {  	[sflag:s15] =	ssyncadd.s32 $0xFFFFC000;
	s7 =	smov.u32 s3;
	s3 =	sadd.s32 $0x400, s3  }
0x89: {  	_ = 	snop  }
0x8a: {  	_ =	swait.ge [sflag:s23], $0x4000  }
0x8b: {  	s7 =	sshra.s32 s7, $0x2;
	[sflag:s23] =	ssyncset.done $0x0  }
0x8c: {  	s8 =	sadd.s32 $0x80, s7;
	[sflag:s23] =	ssyncadd.s32 $0xFFFFC000  }
0x8d: {  	[tilespmem:s26], [sflag:$0x2] =	stream.indirect.gather [hbm4b:s4+s21], $0x80, s8, s21, $0xb8;
	[tilespmem:$0x1E800] =	vst v63  }
0x8e: {  	s8 =	sadd.s32 $0x1400, s7  }
0x8f: {  	[spmem:s1] =	stream.indirect.scatter.add.f32 [tilespmem:s22], [sflag:$0x3], $0x80, s8, s21, $0xb8;
	[tilespmem:$0x1E800] =	vst v63  }
0x90: {  	_ =	swait.ge [sflag:s15], $0x4000  }
0x91: {  	[sflag:s15] =	ssyncset.done $0x0  }
0x92: {  	[sflag:s15] =	ssyncadd.s32 $0xFFFFC000  }
0x93: {  	_ =	swait.ge [sflag:s28], $0x4000  }
0x94: {  	[sflag:s28] =	ssyncset.done $0x0  }
0x95: {  	s8 =	sadd.s32 $0x100, s7;
	[sflag:s28] =	ssyncadd.s32 $0xFFFFC000  }
0x96: {  	[tilespmem:s22], [sflag:$0x1] =	stream.indirect.gather [hbm4b:s4+s21], $0x80, s8, s21, $0xb8;
	[tilespmem:$0x1E800] =	vst v63  }
.Ltmp1:
0x97: {  	_ = 	snop;
	(pc) =	sbr.rel @p1 .LBB2_4-.Ltmp1, $4  }
0x98: {  	s7 =	sadd.s32 $0x1480, s7  }
0x99: {  	[spmem:s1] =	stream.indirect.scatter.add.f32 [tilespmem:s26], [sflag:$0x3], $0x80, s7, s21, $0xb8;
	[tilespmem:$0x1E800] =	vst v63  }
0x9a: {  	_ =	swait.ge [sflag:s15], $0x4000  }
0x9b: {  	[sflag:s15] =	ssyncset.done $0x0  }
0x9c: {  	[sflag:s15] =	ssyncadd.s32 $0xFFFFC000  }
0x9d: {  	_ =	swait.ge [sflag:s23], $0x4000  }
0x9e: {  	[sflag:s23] =	ssyncset.done $0x0  }
0x9f: {  	[sflag:s23] =	ssyncadd.s32 $0xFFFFC000  }
0xa0: {  	[tilespmem:s26], [sflag:$0x2] =	stream.indirect.gather [hbm4b:s4+s21], $0x80, s29, s21, $0xb8;
	[tilespmem:$0x1E800] =	vst v63  }
0xa1: {  	_ = 	snop  }
0xa2: {  	[spmem:s1] =	stream.indirect.scatter.add.f32 [tilespmem:s22], [sflag:$0x3], $0x80, s30, s21, $0xb8;
	[tilespmem:$0x1E800] =	vst v63  }
0xa3: {  	_ =	swait.ge [sflag:s15], $0x4000  }
0xa4: {  	[sflag:s15] =	ssyncset.done $0x0  }
0xa5: {  	[sflag:s15] =	ssyncadd.s32 $0xFFFFC000  }
0xa6: {  	_ =	swait.ge [sflag:s28], $0x4000  }
0xa7: {  	[sflag:s28] =	ssyncset.done $0x0  }
0xa8: {  	[sflag:s28] =	ssyncadd.s32 $0xFFFFC000  }
0xa9: {  	[spmem:s1] =	stream.indirect.scatter.add.f32 [tilespmem:s26], [sflag:$0x3], $0x80, s31, s21, $0xb8;
	[tilespmem:$0x1E800] =	vst v63  }
0xaa: {  	_ =	swait.ge [sflag:s15], $0x4000  }
0xab: {  	[sflag:s15] =	ssyncset.done $0x0  }
0xac: {  	[sflag:s15] =	ssyncadd.s32 $0xFFFFC000  }
0xad: {  	[bflag:$0x0] =	sbarrier.arrive $0xFFFF  }
0xae: {  	s3 =	rddreg [dreg:$0x3]  }
0xaf: {  	[hbm:s3], [sflag:s6] =	dma.local [spmem:s24], $0x2700  }
0xb0: {  	_ =	swait.ge [sflag:s15], $0x2700  }
0xb1: {  	s0 =	sadd.s32 $0x1, s0;
	[sflag:s15] =	ssyncset.done $0x0  }
0xb2: {  	p1 =	sne.s32 s0, s9;
	s3 =	rddreg [dreg:$0x4];
	[sflag:s15] =	ssyncadd.s32 $0xFFFFD900  }
0xb3: {  	[hbm:s3], [sflag:s6] =	dma.local @!p0 [spmem:s25], $0x100  }
.Ltmp2:
0xb4: {  	_ = 	snop;
	(pc) =	sbr.rel @p1 .LBB2_1-.Ltmp2, $4  }
0xb5: {  	s3 =	simm.s32 @!p0 $0x3  }
0xb6: {  	_ =	swait.ge @!p0 [sflag:s3], $0x100  }
0xb7: {  	[sflag:s3] =	ssyncset.done @!p0 $0x0  }
0xb8: {  	[sflag:s3] =	ssyncadd.s32 @!p0 $0xFFFFFF00  }
0xb9: {  	_ =	sfence.sel $0x180000  }
0xba: {  	[bflag:$0x0] =	sbarrier.arrive $0xFFFF  }
0xbb: {  	_ =	strace $0x9000004D  }
0xbc: {  	s0 =	stileid.u32;
	[bflag:$0x2] =	sbarrier.arrive $0xFFFF  }
0xbd: {  	p0 =	sne.s32 s0, $0x0;
	s0 =	rddreg [dreg:$0x2]  }
0xbe: {  	s0 =	sadd.s32 @!p0 $0x100000, s0  }
0xbf: {  	[sflag:s0] =	ssyncadd.tile.s32 @!p0 $0x1;
	_ =	shalt  }
.Lfunc_end2:
_tile_overlayer_lowered:
.L_overlay_start_2:
0xc0: {  	(tag) =	ssettag $0x2  }
0xc1: {  	s0 =	rddreg [dreg:$0x0];
	s2 =	stileid.u32  }
0xc2: {  	s1 =	rddreg [dreg:$0x1];
	p0 =	sne.s32 s2, $0x0  }
0xc3: {  	s3 =	rddreg [dreg:$0x2];
	[bflag:$0x3] =	sbarrier.arrive $0xFFFF;
	s2 =	simm.s32 @!p0 $0x1C03  }
0xc4: {  	[timem:s3], [sflag:s2] =	dma.local @!p0 [hbm:s0], s1  }
0xc5: {  	s0 =	simm.s32 @!p0 $0x3  }
0xc6: {  	_ =	swait.ge @!p0 [sflag:s0], s1  }
0xc7: {  	s1 =	ssub.s32 @!p0 $0x0, s1;
	[sflag:s0] =	ssyncset.done @!p0 $0x0  }
0xc8: {  	[sflag:s0] =	ssyncadd.s32 @!p0 s1  }
0xc9: {  	[bflag:$0x3] =	sbarrier.arrive $0xFFFF  }
0xca: {  	_ =	shalt  }

// kernel: kernel.20.cloned.1.call-start
scs
__scs_entry_jumppad:
0x0: {  	(pc) =	sbr.rel $0x88, $3  }
0x1: {  	(tag) =	ssettag $0x0;
	lr =	simm.s32 $0x1  }
0x2: {  	[smem:$0x3F72] =	sst lr;
	_ =	strace $0xD0000000  }
0x3: {  	_ = 	snop  }
0x4: {  	_ = 	snop  }
0x5: {  	_ = 	snop  }
0x6: {  	_ = 	snop  }
0x7: {  	_ = 	snop  }
__scs_overlays_trampoline_lowered:
0x8: {  	[smem:$0x3F81] =	sst s0  }
0x9: {  	[smem:$0x3F82] =	sst s1  }
0xa: {  	[smem:$0x3F83] =	sst s2  }
0xb: {  	[smem:$0x3F84] =	sst s3  }
0xc: {  	[smem:$0x3F85] =	sst s4  }
0xd: {  	[smem:$0x3F86] =	sst s5  }
0xe: {  	[smem:$0x3F87] =	sst s6  }
0xf: {  	[smem:$0x3F88] =	sst s7  }
0x10: {  	[smem:$0x3F89] =	sst s8  }
0x11: {  	[smem:$0x3F8A] =	sst s9;
	s0 =	simm.s32 @!p0 $0x0  }
0x12: {  	s1 =	sld [smem:$0x3F70];
	s0 =	simm.s32 @p0 $0x1  }
0x13: {  	[smem:$0x3F8B] =	sst s0;
	s0 =	simm.s32 @!p1 $0x0  }
0x14: {  	s2 =	sld [smem:$0x3F6F];
	s0 =	simm.s32 @p1 $0x1  }
0x15: {  	[smem:$0x3F8C] =	sst s0;
	s0 =	simm.s32 @!p2 $0x0  }
0x16: {  	s3 =	sld [smem:$0x3FDB];
	s0 =	simm.s32 @p2 $0x1  }
0x17: {  	s4 =	simm.s32 $0x1BF5;
	[smem:$0x3F8E] =	sst s0  }
0x18: {  	s0 =	sld [smem:$0x3F71];
	_ =	swait.ge [sflag:s4], $0x0  }
0x19: {  	s7 =	sld [smem:$0x3F72]  }
0x1a: {  	s8 =	sadd.s32 $0xFFFFE003, lr  }
0x1b: {  	s9 =	sadd.s32 $0xFFFFFEF7, lr;
	s5 =	simm.s32 $0xFFFFFFFF;
	p2 =	slt.u32 s8, $0xFFFFF086  }
0x1c: {  	p1 =	slt.u32 s9, $0xF7A;
	s5 =	simm.s32 @!p2 $0x0  }
0x1d: {  	s5 =	simm.s32 @p1 $0x1;
	p0 =	seq.s32 s7, s2  }
0x1e: {  	s7 =	smul.u32 @!p0 $0xF7A, s2;
	p2 =	seq.s32 @!p0 s5, $0x0  }
0x1f: {  	s9 =	smul.u32 $0xF7A, s1;
	s8 =	simm.s32 @!p0 $0x1BF5;
	p2 =	por !p2, p0  }
0x20: {  	[sflag:s8] =	ssyncset.s32 @!p0 $0xFFFFF086;
	s6 =	sadd.s32 @!p0 s3, s7;
	s7 =	simm.s32 @!p0 $0x108  }
0x21: {  	s3 =	sadd.s32 s3, s9;
	s6 =	sadd.s32 @!p0 $0x88, s6;
	s7 =	simm.s32 @p2 $0x1082  }
0x22: {  	[simem:s7], [sflag:s8] =	dma.local @!p0 [hbm:s6], $0xF7A  }
0x23: {  	s9 =	sor.u32 $0xD0000000, s2;
	s6 =	simm.s32 $0x108;
	_ =	swait.ge @!p0 [sflag:s8], $0x0  }
0x24: {  	s3 =	sadd.s32 $0x88, s3;
	s6 =	simm.s32 @!p1 $0x1082;
	[sflag:s4] =	ssyncset.s32 $0xFFFFF086  }
0x25: {  	[simem:s6], [sflag:s4] =	dma.local [hbm:s3], $0xF7A  }
0x26: {  	[smem:$0x3F72] =	sst s1;
	(tag) =	ssettag s2;
	_ =	strace s9  }
0x27: {  	s1 =	sld [smem:$0x3F82]  }
0x28: {  	s2 =	sld [smem:$0x3F83]  }
0x29: {  	s4 =	sld [smem:$0x3F85]  }
0x2a: {  	p0 =	seq.s32 s5, $0x0;
	s5 =	sld [smem:$0x3F86]  }
0x2b: {  	s6 =	sld [smem:$0x3F87]  }
0x2c: {  	s7 =	sld [smem:$0x3F88]  }
0x2d: {  	s3 =	simm.s32 $0x108;
	s8 =	sld [smem:$0x3F89]  }
0x2e: {  	s3 =	simm.s32 @!p0 $0x1082;
	s9 =	sld [smem:$0x3F8A]  }
0x2f: {  	lr =	sadd.s32 s0, s3;
	s0 =	sld [smem:$0x3F81]  }
0x30: {  	s3 =	sld [smem:$0x3F84]  }
0x31: {  	[smem:$0x3F8D] =	sst s10  }
0x32: {  	s10 =	sld [smem:$0x3F8B];
	_ =	sdelay $0x3  }
0x33: {  	p0 =	seq.s32 s10, $0x1;
	s10 =	sld [smem:$0x3F8D];
	_ =	sdelay $0x3  }
0x34: {  	[smem:$0x3F8D] =	sst s10  }
0x35: {  	s10 =	sld [smem:$0x3F8C];
	_ =	sdelay $0x3  }
0x36: {  	p1 =	seq.s32 s10, $0x1;
	s10 =	sld [smem:$0x3F8D];
	_ =	sdelay $0x3  }
0x37: {  	[smem:$0x3F8D] =	sst s10  }
0x38: {  	s10 =	sld [smem:$0x3F8E]  }
0x39: {  	_ = 	snop;
	(pc) =	sbr.ind lr, $3  }
0x3a: {  	_ = 	snop  }
0x3b: {  	_ = 	snop  }
0x3c: {  	p2 =	seq.s32 s10, $0x1;
	s10 =	sld [smem:$0x3F8D]  }
0x3d: {  	_ =	shalt  }
0x3e: {  	_ =	shalt  }
0x3f: {  	_ =	shalt  }
0x40: {  	_ =	shalt  }
0x41: {  	_ =	shalt  }
0x42: {  	_ =	shalt  }
0x43: {  	_ =	shalt  }
0x44: {  	_ =	shalt  }
0x45: {  	_ =	shalt  }
0x46: {  	_ =	shalt  }
0x47: {  	_ =	shalt  }
0x48: {  	_ =	shalt  }
0x49: {  	_ =	shalt  }
0x4a: {  	_ =	shalt  }
0x4b: {  	_ =	shalt  }
0x4c: {  	_ =	shalt  }
0x4d: {  	_ =	shalt  }
0x4e: {  	_ =	shalt  }
0x4f: {  	_ =	shalt  }
0x50: {  	_ =	shalt  }
0x51: {  	_ =	shalt  }
0x52: {  	_ =	shalt  }
0x53: {  	_ =	shalt  }
0x54: {  	_ =	shalt  }
0x55: {  	_ =	shalt  }
0x56: {  	_ =	shalt  }
0x57: {  	_ =	shalt  }
0x58: {  	_ =	shalt  }
0x59: {  	_ =	shalt  }
0x5a: {  	_ =	shalt  }
0x5b: {  	_ =	shalt  }
0x5c: {  	_ =	shalt  }
0x5d: {  	_ =	shalt  }
0x5e: {  	_ =	shalt  }
0x5f: {  	_ =	shalt  }
0x60: {  	_ =	shalt  }
0x61: {  	_ =	shalt  }
0x62: {  	_ =	shalt  }
0x63: {  	_ =	shalt  }
0x64: {  	_ =	shalt  }
0x65: {  	_ =	shalt  }
0x66: {  	_ =	shalt  }
0x67: {  	_ =	shalt  }
0x68: {  	_ =	shalt  }
0x69: {  	_ =	shalt  }
0x6a: {  	_ =	shalt  }
0x6b: {  	_ =	shalt  }
0x6c: {  	_ =	shalt  }
0x6d: {  	_ =	shalt  }
0x6e: {  	_ =	shalt  }
0x6f: {  	_ =	shalt  }
0x70: {  	_ =	shalt  }
0x71: {  	_ =	shalt  }
0x72: {  	_ =	shalt  }
0x73: {  	_ =	shalt  }
0x74: {  	_ =	shalt  }
0x75: {  	_ =	shalt  }
0x76: {  	_ =	shalt  }
0x77: {  	_ =	shalt  }
0x78: {  	_ =	shalt  }
0x79: {  	_ =	shalt  }
0x7a: {  	_ =	shalt  }
0x7b: {  	_ =	shalt  }
0x7c: {  	_ =	shalt  }
0x7d: {  	_ =	shalt  }
0x7e: {  	_ =	shalt  }
0x7f: {  	_ =	shalt  }
0x80: {  	_ =	shalt  }
0x81: {  	_ =	shalt  }
0x82: {  	_ =	shalt  }
0x83: {  	_ =	shalt  }
0x84: {  	_ =	shalt  }
0x85: {  	_ =	shalt  }
0x86: {  	_ =	shalt  }
0x87: {  	_ =	shalt  }
.Lfunc_end0:
.L_simem_size_0:
called_computation.3_lowered:
.L_overlay_start_0:
0x88: {  	s2 =	sld [smem:$0x3FD9]  }
0x89: {  	s3 =	sld [smem:$0x3FFE];
	_ =	sdelay $0x1  }
0x8a: {  	s1 =	srdreg.scid  }
0x8b: {  	s0 =	sand.u32 $0x1, s1  }
0x8c: {  	s16 =	sshll.u32 s0, $0xA;
	s2 =	sadd.s32 s3, s2  }
0x8d: {  	s2 =	sadd.s32 s2, s16  }
0x8e: {  	[smem:$0x3F99] =	sst s2  }
0x8f: {  	_ = 	snop  }
0x90: {  	(tm) =	ssettm $0x1  }
0x91: {  	s17 =	sld [smem:$0x3FFB];
	_ =	sdelay $0x3  }
0x92: {  	_ =	strace s17  }
0x93: {  	s2 =	sld [smem:$0x3FFC];
	_ =	sdelay $0x3  }
0x94: {  	_ =	strace s2  }
0x95: {  	s2 =	sld [smem:$0x3FFD];
	_ =	sdelay $0x3  }
0x96: {  	_ =	strace s2  }
0x97: {  	_ =	strace $0x8FFFFFFF  }
0x98: {  	s18 =	sld [smem:$0x3FDB];
	_ =	sdelay $0x1  }
0x99: {  	s19 =	simm.s32 $_scs_section_size  }
0x9a: {  	s4 =	simm.s32 $_size__tile_overlayer_lowered;
	s5 =	simm.s32 $_tile_overlayer_lowered  }
0x9b: {  	s22 =	simm.s32 $0x1BFF;
	s21 =	sshll.u32 s5, $0x1;
	s2 =	sadd.s32 s19, s18  }
0x9c: {  	s6 =	simm.s32 $0x0;
	s20 =	sshll.u32 s4, $0x1;
	s4 =	sadd.s32 s21, s2  }
0x9d: {  	[timem:s6], [sflag:s22] =	dma.local [hbm:s4], s20  }
0x9e: {  	_ =	swait.ge [sflag:s22], s20  }
0x9f: {  	s3 =	ssub.s32 $0x0, s20;
	[sflag:s22] =	ssyncset.done $0x0  }
0xa0: {  	[sflag:s22] =	ssyncadd.s32 s3;
	_ =	sdelay $0x1  }
0xa1: {  	s23 =	simm.s32 $0x1B8B  }
0xa2: {  	_ =	swait.ge [sflag:s23], $0x1  }
0xa3: {  	[sflag:s23] =	ssyncset.done $0x0  }
0xa4: {  	s25 =	simm.s32 $0x1B8E;
	s24 =	sld [smem:$0x3FFE];
	[sflag:s23] =	ssyncadd.s32 $0xFFFFFFFF  }
0xa5: {  	s26 =	simm.s32 $execute0_lowered;
	[smem:$0x3FD2] =	sst s25  }
0xa6: {  	s4 =	sshll.u32 s26, $0x1;
	_ =	strace $0x8000004F;
	[dreg:$0x1] =	wrdreg $0xFFFFFFFF  }
0xa7: {  	s28 =	simm.s32 $_size_execute0_lowered;
	s2 =	sadd.s32 s2, s4;
	[dreg:$0x0] =	wrdreg $0x0  }
0xa8: {  	s4 =	sshll.u32 s28, $0x1;
	[dreg:$0x2] =	wrdreg s2  }
0xa9: {  	[dreg:$0x3] =	wrdreg s4  }
0xaa: {  	[dreg:$0x4] =	wrdreg $0xC0  }
0xab: {  	_ =	task [dreg:s6], $0x5FFFF  }
0xac: {  	[dreg:$0x1] =	wrdreg $0xFFFFFFFF  }
0xad: {  	[dreg:$0x0] =	wrdreg $0x60  }
0xae: {  	[dreg:$0x2] =	wrdreg s24  }
0xaf: {  	[dreg:$0x3] =	wrdreg $0xA8000  }
0xb0: {  	[dreg:$0x4] =	wrdreg $0x9  }
0xb1: {  	_ =	task.clear_ibuf [dreg:s6], $0x5FFFF;
	_ =	strace $0x9000004F  }
0xb2: {  	s29 =	simm.s32 $0x9;
	_ =	strace $0x80000051  }
0xb3: {  	_ =	swait.ge [sflag:s29], $0x1  }
0xb4: {  	[sflag:s29] =	ssyncadd.s32 $0xFFFFFFFF  }
0xb5: {  	_ =	strace $0x90000051  }
0xb6: {  	_ =	sfence  }
0xb7: {  	s30 =	sld [smem:$0x0];
	_ =	sdelay $0x2  }
0xb8: {  	s31 =	sshll.u32 s1, $0xD;
	s1 =	sshrl.u32 s1, $0x2  }
0xb9: {  	s3 =	sand.u32 $0x4000, s31;
	s1 =	sadd.s32 s1, s30  }
0xba: {  	s0 =	sor.u32 s3, s0;
	s1 =	sshll.u32 s1, $0x11  }
0xbb: {  	s0 =	sor.u32 s1, s0  }
0xbc: {  	s0 =	sadd.s32 $0x8F2B, s0  }
0xbd: {  	[sflag:s0] =	ssyncadd.remote.s32 $0x1  }
0xbe: {  	_ =	sfence.sel $0xFFFF  }
0xbf: {  	[dreg:$0x0] =	wrdreg $0xFFFFFFFF;
	(pc) =	sbr.abs _section_cstart, $3  }
0xc0: {  	[dreg:$0x1] =	wrdreg $0xFFFFFFFF  }
0xc1: {  	_ =	task.clear_ibuf [dreg:s6], $0x2FFFF;
	_ =	strace $0x9FFFFFFF  }
0xc2: {  	(tm) =	ssettm $0x7FFFFFFF  }
0xc3: {  	_ =	shalt  }
tec
execute0_lowered:
.L_overlay_start_1:
0x0: {  	(tag) =	ssettag $0x1  }
0x1: {  	s0 =	rddreg [dreg:$0x0]  }
0x2: {  	s1 =	rddreg [dreg:$0x1];
	s2 =	simm.s32 $0x0;
	s5 =	srdreg.scid  }
0x3: {  	s23 =	stileid.u32;
	s20 =	simm.s32 $0x1400;
	s21 =	simm.s32 $0x80  }
0x4: {  	s22 =	simm.s32 $0x2800;
	s28 =	simm.s32 $0x2;
	s29 =	simm.s32 $0x1380  }
0x5: {  	s30 =	simm.s32 $0x2700;
	s31 =	simm.s32 $0x2780;
	[smem:$0x7FF] =	sst s2  }
0x6: {  	s4 =	sadd.s32 $0x1D200, s0;
	s3 =	sadd.s32 $0x8A00, s0;
	s13 =	sadd.s32 $0x12A00, s0  }
0x7: {  	s6 =	sand.u32 $0x1, s5;
	s5 =	sadd.s32 $0x1CA00, s0;
	s8 =	smul.u32 $0x50000, s23  }
0x8: {  	s0 =	sadd.s32 $0x44400, s0;
	s11 =	smul.u32 $0x13800, s23;
	s24 =	sshll.u32 s23, $0x6  }
0x9: {  	s26 =	smul.u32 $0x4E000, s23;
	p0 =	sne.s32 s23, $0xF;
	_ =	strace $0x80000050  }
0xa: {  	s7 =	ssub.s32 $0x2, s6;
	s10 =	smul.u32 $0x138800, s6;
	s6 =	sshll.u32 s6, $0x4  }
0xb: {  	s9 =	sshrl.u32 s7, $0x1;
	s8 =	sshrl.u32 s8, $0x2;
	s12 =	sor.u32 s23, s6  }
0xc: {  	s6 =	sor.u32 $0x1C03, s24;
	s23 =	simm.s32 $0x1;
	s9 =	ssub.s32 s7, s9  }
0xd: {  	s14 =	sadd.s32 s8, s1;
	s25 =	sadd.s32 s11, s10;
	s10 =	sshrl.u32 s10, $0x3  }
0xe: {  	s8 =	sshrl.u32 s26, $0x2;
	s12 =	smul.u32 $0x500, s12;
	s26 =	simm.s32 $0x6800  }
0xf: {  	s7 =	sshrl.u32 s25, $0x3;
	s24 =	sadd.s32 s8, s1;
	s9 =	smax.u32 s9, $0x1  }
0x10: {  	s16 =	sadd.s32 $0x4000, s14;
	s17 =	sadd.s32 $0x8000, s14;
	s18 =	sadd.s32 $0xC000, s14  }
0x11: {  	s19 =	sadd.s32 $0x10000, s14;
	s14 =	sshrl.u32 s14, $0x3;
	s7 =	sadd.s32 s0, s7  }
0x12: {  	s0 =	sadd.s32 s0, s10;
	s10 =	sadd.s32 s3, s12;
	s11 =	sadd.s32 s13, s12  }
0x13: {  	s15 =	sadd.s32 $0x280, s12;
	s16 =	sshrl.u32 s16, $0x3;
	s17 =	sshrl.u32 s17, $0x3  }
0x14: {  	s18 =	sshrl.u32 s18, $0x3;
	s19 =	sshrl.u32 s19, $0x3;
	s24 =	sshrl.u32 s24, $0x3  }
0x15: {  	[dreg:$0x3] =	wrdreg s7;
	s0 =	sadd.s32 $0x27000, s0;
	s12 =	sadd.s32 s3, s15  }
0x16: {  	s13 =	sadd.s32 s13, s15;
	[dreg:$0x4] =	wrdreg s0;
	s0 =	sadd.s32 $0x138000, s1  }
0x17: {  	s15 =	simm.s32 $0x3;
	s25 =	sshrl.u32 @!p0 s0, $0x3;
	s0 =	simm.s32 $0x0  }
.LBB2_1:
0x18: {  	[spmem:s14], [sflag:s6] =	dma.local [hbm:s5], $0x800  }
0x19: {  	_ =	swait.ge [sflag:s15], $0x800  }
0x1a: {  	[sflag:s15] =	ssyncset.done $0x0  }
0x1b: {  	[sflag:s15] =	ssyncadd.s32 $0xFFFFF800  }
0x1c: {  	[spmem:s16], [sflag:s6] =	dma.local [hbm:s5], $0x800  }
0x1d: {  	_ =	swait.ge [sflag:s15], $0x800  }
0x1e: {  	[sflag:s15] =	ssyncset.done $0x0  }
0x1f: {  	[sflag:s15] =	ssyncadd.s32 $0xFFFFF800  }
0x20: {  	[spmem:s17], [sflag:s6] =	dma.local [hbm:s5], $0x800  }
0x21: {  	_ =	swait.ge [sflag:s15], $0x800  }
0x22: {  	[sflag:s15] =	ssyncset.done $0x0  }
0x23: {  	[sflag:s15] =	ssyncadd.s32 $0xFFFFF800  }
0x24: {  	[spmem:s18], [sflag:s6] =	dma.local [hbm:s5], $0x800  }
0x25: {  	_ =	swait.ge [sflag:s15], $0x800  }
0x26: {  	[sflag:s15] =	ssyncset.done $0x0  }
0x27: {  	[sflag:s15] =	ssyncadd.s32 $0xFFFFF800  }
0x28: {  	[spmem:s19], [sflag:s6] =	dma.local [hbm:s5], $0x800  }
0x29: {  	_ =	swait.ge [sflag:s15], $0x800  }
0x2a: {  	[sflag:s15] =	ssyncset.done $0x0  }
0x2b: {  	[sflag:s15] =	ssyncadd.s32 $0xFFFFF800  }
0x2c: {  	[bflag:$0x0] =	sbarrier.arrive $0xFFFF  }
0x2d: {  	[tilespmem:s2], [sflag:$0x3] =	stream.linear.gather [hbm4b:s10+s2], $0x1400, $0x38;
	[tilespmem:$0x1E800] =	vst v63  }
0x2e: {  	_ =	swait.ge [sflag:s15], $0x1400  }
0x2f: {  	[sflag:s15] =	ssyncset.done $0x0  }
0x30: {  	[sflag:s15] =	ssyncadd.s32 $0xFFFFEC00  }
0x31: {  	[tilespmem:s20], [sflag:$0x3] =	stream.linear.gather [hbm4b:s11+s2], $0x1400, $0x38;
	[tilespmem:$0x1E800] =	vst v63  }
0x32: {  	_ =	swait.ge [sflag:s15], $0x1400  }
0x33: {  	[sflag:s15] =	ssyncset.done $0x0  }
0x34: {  	[sflag:s15] =	ssyncadd.s32 $0xFFFFEC00  }
0x35: {  	[tilespmem:s22], [sflag:$0x1] =	stream.indirect.gather [hbm4b:s4+s21], $0x80, s2, s21, $0xb8;
	[tilespmem:$0x1E800] =	vst v63  }
0x36: {  	_ =	swait.ge [sflag:s23], $0x4000  }
0x37: {  	[sflag:s23] =	ssyncset.done $0x0  }
0x38: {  	s3 =	simm.s32 $0x80;
	[sflag:s23] =	ssyncadd.s32 $0xFFFFC000  }
0x39: {  	[tilespmem:s26], [sflag:$0x2] =	stream.indirect.gather [hbm4b:s4+s21], $0x80, s3, s21, $0xb8;
	[tilespmem:$0x1E800] =	vst v63  }
0x3a: {  	s8 =	simm.s32 $0x1400  }
0x3b: {  	[spmem:s1] =	stream.indirect.scatter.add.f32 [tilespmem:s22], [sflag:$0x3], $0x80, s8, s21, $0xb8;
	[tilespmem:$0x1E800] =	vst v63  }
0x3c: {  	_ =	swait.ge [sflag:s15], $0x4000  }
0x3d: {  	[sflag:s15] =	ssyncset.done $0x0  }
0x3e: {  	[sflag:s15] =	ssyncadd.s32 $0xFFFFC000  }
0x3f: {  	_ =	swait.ge [sflag:s28], $0x4000  }
0x40: {  	[sflag:s28] =	ssyncset.done $0x0  }
0x41: {  	s7 =	simm.s32 $0x100;
	[sflag:s28] =	ssyncadd.s32 $0xFFFFC000  }
0x42: {  	[tilespmem:s22], [sflag:$0x1] =	stream.indirect.gather [hbm4b:s4+s21], $0x80, s7, s21, $0xb8;
	[tilespmem:$0x1E800] =	vst v63  }
0x43: {  	s8 =	simm.s32 $0x1480  }
0x44: {  	[spmem:s1] =	stream.indirect.scatter.add.f32 [tilespmem:s26], [sflag:$0x3], $0x80, s8, s21, $0xb8;
	[tilespmem:$0x1E800] =	vst v63  }
0x45: {  	_ =	swait.ge [sflag:s15], $0x4000  }
0x46: {  	s3 =	simm.s32 $0x400;
	[sflag:s15] =	ssyncset.done $0x0  }
.LBB2_2:
0x47: {  	p1 =	sne.s32 s3, $0x4800  }
0x48: {  	[sflag:s15] =	ssyncadd.s32 $0xFFFFC000;
	s7 =	smov.u32 s3;
	s3 =	sadd.s32 $0x400, s3  }
0x49: {  	_ = 	snop  }
0x4a: {  	_ =	swait.ge [sflag:s23], $0x4000  }
0x4b: {  	s7 =	sshra.s32 s7, $0x2;
	[sflag:s23] =	ssyncset.done $0x0  }
0x4c: {  	s8 =	sadd.s32 $0x80, s7;
	[sflag:s23] =	ssyncadd.s32 $0xFFFFC000  }
0x4d: {  	[tilespmem:s26], [sflag:$0x2] =	stream.indirect.gather [hbm4b:s4+s21], $0x80, s8, s21, $0xb8;
	[tilespmem:$0x1E800] =	vst v63  }
0x4e: {  	s8 =	sadd.s32 $0x1400, s7  }
0x4f: {  	[spmem:s1] =	stream.indirect.scatter.add.f32 [tilespmem:s22], [sflag:$0x3], $0x80, s8, s21, $0xb8;
	[tilespmem:$0x1E800] =	vst v63  }
0x50: {  	_ =	swait.ge [sflag:s15], $0x4000  }
0x51: {  	[sflag:s15] =	ssyncset.done $0x0  }
0x52: {  	[sflag:s15] =	ssyncadd.s32 $0xFFFFC000  }
0x53: {  	_ =	swait.ge [sflag:s28], $0x4000  }
0x54: {  	[sflag:s28] =	ssyncset.done $0x0  }
0x55: {  	s8 =	sadd.s32 $0x100, s7;
	[sflag:s28] =	ssyncadd.s32 $0xFFFFC000  }
0x56: {  	[tilespmem:s22], [sflag:$0x1] =	stream.indirect.gather [hbm4b:s4+s21], $0x80, s8, s21, $0xb8;
	[tilespmem:$0x1E800] =	vst v63  }
.Ltmp0:
0x57: {  	_ = 	snop;
	(pc) =	sbr.rel @p1 .LBB2_2-.Ltmp0, $4  }
0x58: {  	s7 =	sadd.s32 $0x1480, s7  }
0x59: {  	[spmem:s1] =	stream.indirect.scatter.add.f32 [tilespmem:s26], [sflag:$0x3], $0x80, s7, s21, $0xb8;
	[tilespmem:$0x1E800] =	vst v63  }
0x5a: {  	_ =	swait.ge [sflag:s15], $0x4000  }
0x5b: {  	[sflag:s15] =	ssyncset.done $0x0  }
0x5c: {  	[sflag:s15] =	ssyncadd.s32 $0xFFFFC000  }
0x5d: {  	_ =	swait.ge [sflag:s23], $0x4000  }
0x5e: {  	[sflag:s23] =	ssyncset.done $0x0  }
0x5f: {  	[sflag:s23] =	ssyncadd.s32 $0xFFFFC000  }
0x60: {  	[tilespmem:s26], [sflag:$0x2] =	stream.indirect.gather [hbm4b:s4+s21], $0x80, s29, s21, $0xb8;
	[tilespmem:$0x1E800] =	vst v63  }
0x61: {  	_ = 	snop  }
0x62: {  	[spmem:s1] =	stream.indirect.scatter.add.f32 [tilespmem:s22], [sflag:$0x3], $0x80, s30, s21, $0xb8;
	[tilespmem:$0x1E800] =	vst v63  }
0x63: {  	_ =	swait.ge [sflag:s15], $0x4000  }
0x64: {  	[sflag:s15] =	ssyncset.done $0x0  }
0x65: {  	[sflag:s15] =	ssyncadd.s32 $0xFFFFC000  }
0x66: {  	_ =	swait.ge [sflag:s28], $0x4000  }
0x67: {  	[sflag:s28] =	ssyncset.done $0x0  }
0x68: {  	[sflag:s28] =	ssyncadd.s32 $0xFFFFC000  }
0x69: {  	[spmem:s1] =	stream.indirect.scatter.add.f32 [tilespmem:s26], [sflag:$0x3], $0x80, s31, s21, $0xb8;
	[tilespmem:$0x1E800] =	vst v63  }
0x6a: {  	_ =	swait.ge [sflag:s15], $0x4000  }
0x6b: {  	[sflag:s15] =	ssyncset.done $0x0  }
0x6c: {  	s3 =	simm.s32 $0x0;
	[sflag:s15] =	ssyncadd.s32 $0xFFFFC000  }
0x6d: {  	[tilespmem:s3], [sflag:$0x3] =	stream.linear.gather [hbm4b:s12+s3], $0x1400, $0x38;
	[tilespmem:$0x1E800] =	vst v63  }
0x6e: {  	_ =	swait.ge [sflag:s15], $0x1400  }
0x6f: {  	[sflag:s15] =	ssyncset.done $0x0  }
0x70: {  	[sflag:s15] =	ssyncadd.s32 $0xFFFFEC00  }
0x71: {  	[tilespmem:s20], [sflag:$0x3] =	stream.linear.gather [hbm4b:s13+s3], $0x1400, $0x38;
	[tilespmem:$0x1E800] =	vst v63  }
0x72: {  	_ =	swait.ge [sflag:s15], $0x1400  }
0x73: {  	[sflag:s15] =	ssyncset.done $0x0  }
0x74: {  	[sflag:s15] =	ssyncadd.s32 $0xFFFFEC00  }
0x75: {  	[tilespmem:s22], [sflag:$0x1] =	stream.indirect.gather [hbm4b:s4+s21], $0x80, s3, s21, $0xb8;
	[tilespmem:$0x1E800] =	vst v63  }
0x76: {  	_ =	swait.ge [sflag:s23], $0x4000  }
0x77: {  	[sflag:s23] =	ssyncset.done $0x0  }
0x78: {  	s7 =	simm.s32 $0x80;
	[sflag:s23] =	ssyncadd.s32 $0xFFFFC000  }
0x79: {  	[tilespmem:s26], [sflag:$0x2] =	stream.indirect.gather [hbm4b:s4+s21], $0x80, s7, s21, $0xb8;
	[tilespmem:$0x1E800] =	vst v63  }
0x7a: {  	s8 =	simm.s32 $0x1400  }
0x7b: {  	[spmem:s1] =	stream.indirect.scatter.add.f32 [tilespmem:s22], [sflag:$0x3], $0x80, s8, s21, $0xb8;
	[tilespmem:$0x1E800] =	vst v63  }
0x7c: {  	_ =	swait.ge [sflag:s15], $0x4000  }
0x7d: {  	[sflag:s15] =	ssyncset.done $0x0  }
0x7e: {  	[sflag:s15] =	ssyncadd.s32 $0xFFFFC000  }
0x7f: {  	_ =	swait.ge [sflag:s28], $0x4000  }
0x80: {  	[sflag:s28] =	ssyncset.done $0x0  }
0x81: {  	s7 =	simm.s32 $0x100;
	[sflag:s28] =	ssyncadd.s32 $0xFFFFC000  }
0x82: {  	[tilespmem:s22], [sflag:$0x1] =	stream.indirect.gather [hbm4b:s4+s21], $0x80, s7, s21, $0xb8;
	[tilespmem:$0x1E800] =	vst v63  }
0x83: {  	s8 =	simm.s32 $0x1480  }
0x84: {  	[spmem:s1] =	stream.indirect.scatter.add.f32 [tilespmem:s26], [sflag:$0x3], $0x80, s8, s21, $0xb8;
	[tilespmem:$0x1E800] =	vst v63  }
0x85: {  	_ =	swait.ge [sflag:s15], $0x4000  }
0x86: {  	s3 =	simm.s32 $0x400;
	[sflag:s15] =	ssyncset.done $0x0  }
.LBB2_4:
0x87: {  	p1 =	sne.s32 s3, $0x4800  }
0x88: {  	[sflag:s15] =	ssyncadd.s32 $0xFFFFC000;
	s7 =	smov.u32 s3;
	s3 =	sadd.s32 $0x400, s3  }
0x89: {  	_ = 	snop  }
0x8a: {  	_ =	swait.ge [sflag:s23], $0x4000  }
0x8b: {  	s7 =	sshra.s32 s7, $0x2;
	[sflag:s23] =	ssyncset.done $0x0  }
0x8c: {  	s8 =	sadd.s32 $0x80, s7;
	[sflag:s23] =	ssyncadd.s32 $0xFFFFC000  }
0x8d: {  	[tilespmem:s26], [sflag:$0x2] =	stream.indirect.gather [hbm4b:s4+s21], $0x80, s8, s21, $0xb8;
	[tilespmem:$0x1E800] =	vst v63  }
0x8e: {  	s8 =	sadd.s32 $0x1400, s7  }
0x8f: {  	[spmem:s1] =	stream.indirect.scatter.add.f32 [tilespmem:s22], [sflag:$0x3], $0x80, s8, s21, $0xb8;
	[tilespmem:$0x1E800] =	vst v63  }
0x90: {  	_ =	swait.ge [sflag:s15], $0x4000  }
0x91: {  	[sflag:s15] =	ssyncset.done $0x0  }
0x92: {  	[sflag:s15] =	ssyncadd.s32 $0xFFFFC000  }
0x93: {  	_ =	swait.ge [sflag:s28], $0x4000  }
0x94: {  	[sflag:s28] =	ssyncset.done $0x0  }
0x95: {  	s8 =	sadd.s32 $0x100, s7;
	[sflag:s28] =	ssyncadd.s32 $0xFFFFC000  }
0x96: {  	[tilespmem:s22], [sflag:$0x1] =	stream.indirect.gather [hbm4b:s4+s21], $0x80, s8, s21, $0xb8;
	[tilespmem:$0x1E800] =	vst v63  }
.Ltmp1:
0x97: {  	_ = 	snop;
	(pc) =	sbr.rel @p1 .LBB2_4-.Ltmp1, $4  }
0x98: {  	s7 =	sadd.s32 $0x1480, s7  }
0x99: {  	[spmem:s1] =	stream.indirect.scatter.add.f32 [tilespmem:s26], [sflag:$0x3], $0x80, s7, s21, $0xb8;
	[tilespmem:$0x1E800] =	vst v63  }
0x9a: {  	_ =	swait.ge [sflag:s15], $0x4000  }
0x9b: {  	[sflag:s15] =	ssyncset.done $0x0  }
0x9c: {  	[sflag:s15] =	ssyncadd.s32 $0xFFFFC000  }
0x9d: {  	_ =	swait.ge [sflag:s23], $0x4000  }
0x9e: {  	[sflag:s23] =	ssyncset.done $0x0  }
0x9f: {  	[sflag:s23] =	ssyncadd.s32 $0xFFFFC000  }
0xa0: {  	[tilespmem:s26], [sflag:$0x2] =	stream.indirect.gather [hbm4b:s4+s21], $0x80, s29, s21, $0xb8;
	[tilespmem:$0x1E800] =	vst v63  }
0xa1: {  	_ = 	snop  }
0xa2: {  	[spmem:s1] =	stream.indirect.scatter.add.f32 [tilespmem:s22], [sflag:$0x3], $0x80, s30, s21, $0xb8;
	[tilespmem:$0x1E800] =	vst v63  }
0xa3: {  	_ =	swait.ge [sflag:s15], $0x4000  }
0xa4: {  	[sflag:s15] =	ssyncset.done $0x0  }
0xa5: {  	[sflag:s15] =	ssyncadd.s32 $0xFFFFC000  }
0xa6: {  	_ =	swait.ge [sflag:s28], $0x4000  }
0xa7: {  	[sflag:s28] =	ssyncset.done $0x0  }
0xa8: {  	[sflag:s28] =	ssyncadd.s32 $0xFFFFC000  }
0xa9: {  	[spmem:s1] =	stream.indirect.scatter.add.f32 [tilespmem:s26], [sflag:$0x3], $0x80, s31, s21, $0xb8;
	[tilespmem:$0x1E800] =	vst v63  }
0xaa: {  	_ =	swait.ge [sflag:s15], $0x4000  }
0xab: {  	[sflag:s15] =	ssyncset.done $0x0  }
0xac: {  	[sflag:s15] =	ssyncadd.s32 $0xFFFFC000  }
0xad: {  	[bflag:$0x0] =	sbarrier.arrive $0xFFFF  }
0xae: {  	s3 =	rddreg [dreg:$0x3]  }
0xaf: {  	[hbm:s3], [sflag:s6] =	dma.local [spmem:s24], $0x2700  }
0xb0: {  	_ =	swait.ge [sflag:s15], $0x2700  }
0xb1: {  	s0 =	sadd.s32 $0x1, s0;
	[sflag:s15] =	ssyncset.done $0x0  }
0xb2: {  	p1 =	sne.s32 s0, s9;
	s3 =	rddreg [dreg:$0x4];
	[sflag:s15] =	ssyncadd.s32 $0xFFFFD900  }
0xb3: {  	[hbm:s3], [sflag:s6] =	dma.local @!p0 [spmem:s25], $0x100  }
.Ltmp2:
0xb4: {  	_ = 	snop;
	(pc) =	sbr.rel @p1 .LBB2_1-.Ltmp2, $4  }
0xb5: {  	s3 =	simm.s32 @!p0 $0x3  }
0xb6: {  	_ =	swait.ge @!p0 [sflag:s3], $0x100  }
0xb7: {  	[sflag:s3] =	ssyncset.done @!p0 $0x0  }
0xb8: {  	[sflag:s3] =	ssyncadd.s32 @!p0 $0xFFFFFF00  }
0xb9: {  	_ =	sfence.sel $0x180000  }
0xba: {  	[bflag:$0x0] =	sbarrier.arrive $0xFFFF  }
0xbb: {  	_ =	strace $0x90000050  }
0xbc: {  	s0 =	stileid.u32;
	[bflag:$0x2] =	sbarrier.arrive $0xFFFF  }
0xbd: {  	p0 =	sne.s32 s0, $0x0;
	s0 =	rddreg [dreg:$0x2]  }
0xbe: {  	s0 =	sadd.s32 @!p0 $0x100000, s0  }
0xbf: {  	[sflag:s0] =	ssyncadd.tile.s32 @!p0 $0x1;
	_ =	shalt  }
.Lfunc_end2:
_tile_overlayer_lowered:
.L_overlay_start_2:
0xc0: {  	(tag) =	ssettag $0x2  }
0xc1: {  	s0 =	rddreg [dreg:$0x0];
	s2 =	stileid.u32  }
0xc2: {  	s1 =	rddreg [dreg:$0x1];
	p0 =	sne.s32 s2, $0x0  }
0xc3: {  	s3 =	rddreg [dreg:$0x2];
	[bflag:$0x3] =	sbarrier.arrive $0xFFFF;
	s2 =	simm.s32 @!p0 $0x1C03  }
0xc4: {  	[timem:s3], [sflag:s2] =	dma.local @!p0 [hbm:s0], s1  }
0xc5: {  	s0 =	simm.s32 @!p0 $0x3  }
0xc6: {  	_ =	swait.ge @!p0 [sflag:s0], s1  }
0xc7: {  	s1 =	ssub.s32 @!p0 $0x0, s1;
	[sflag:s0] =	ssyncset.done @!p0 $0x0  }
0xc8: {  	[sflag:s0] =	ssyncadd.s32 @!p0 s1  }
0xc9: {  	[bflag:$0x3] =	sbarrier.arrive $0xFFFF  }
0xca: {  	_ =	shalt  }

</sc_bundles>
